<compile_context>
chip_gen: v7x
topology: tpu7x:2x2x1
jax: 0.10.2.dev20260603
libtpu: 0.0.44.dev20260713+nightly
codegen_flags: <defaults>
</compile_context>

<pallas_src>
import functools

import jax
import jax.numpy as jnp
from jax import lax
from jax.experimental import pallas as pl
from jax.experimental.pallas import tpu as pltpu
from jax.experimental.pallas import tpu_sc as plsc

H = 512
HALF = 384

_info = plsc.get_sparse_core_info()
_NC, _NS, _L = _info.num_cores, _info.num_subcores, _info.num_lanes
_NW = _NC * _NS
_R = 40


def _make_gather(n_rows: int):
  R = _R
  NBG = 4
  NBW = 2
  G = n_rows // (_NW * R)
  MAIN = ((G - 2 * NBG) // NBG) * NBG
  assert n_rows == G * _NW * R and G >= 2 * NBG and MAIN > 0
  mesh = plsc.VectorSubcoreMesh(core_axis_name="c", subcore_axis_name="s")

  @functools.partial(
      pl.kernel,
      mesh=mesh,
      out_type=jax.ShapeDtypeStruct((G, _NC, _NS, R, HALF), jnp.float32),
      scratch_types=[
          pltpu.VMEM((G, R), jnp.int32),
          pltpu.VMEM((NBG, R, HALF), jnp.float32),
          pltpu.VMEM_SHARED((NBW, _NS, R, HALF), jnp.float32),
          pltpu.SemaphoreType.DMA,
          pltpu.SemaphoreType.DMA,
          pltpu.SemaphoreType.DMA,
          pltpu.SemaphoreType.DMA,
          pltpu.SemaphoreType.DMA,
          pltpu.SemaphoreType.DMA,
      ],
  )
  def k(table_hbm, idx_hbm, out_hbm, idx_v, rows_v, shared,
        g0, g1, g2, g3, w0, w1):
    cid = lax.axis_index("c")
    sid = lax.axis_index("s")
    gsem = (g0, g1, g2, g3)
    wsem = (w0, w1)

    pltpu.sync_copy(idx_hbm.at[:, cid, sid], idx_v)
    offs = (lax.iota(jnp.int32, _L) & 1) * H

    @pl.loop(0, G)
    def _(g):
      @pl.loop(0, R, step=_L)
      def _(i):
        sl = pl.ds(i, _L)
        idx_v[g, sl] = idx_v[g, sl] + offs

    def start_gather(g, bg):
      return pltpu.async_copy(
          table_hbm.at[idx_v.at[g]], rows_v.at[bg], gsem[bg])

    def wait_gather(bg):
      pltpu.make_async_copy(
          table_hbm.at[idx_v.at[0]], rows_v.at[bg], gsem[bg]).wait()

    def start_write(g, bw):
      return pltpu.async_copy(shared.at[bw], out_hbm.at[g, cid], wsem[bw])

    def wait_write(bw):
      pltpu.make_async_copy(
          shared.at[bw], out_hbm.at[0, cid], wsem[bw]).wait()

    def round_body(g, bg, bw, drain, prefetch):
      wait_gather(bg)
      if drain:
        @pl.when(sid == 0)
        def _():
          wait_write(bw)
      plsc.subcore_barrier()
      pltpu.sync_copy(rows_v.at[bg], shared.at[bw, sid])
      if prefetch:
        start_gather(g + NBG, bg)
      plsc.subcore_barrier()

      @pl.when(sid == 0)
      def _():
        start_write(g, bw)

    for b in range(NBG):
      start_gather(b, b)
    for g in range(NBG):
      round_body(g, g % NBG, g % NBW, drain=(g >= NBW), prefetch=True)

    @pl.loop(NBG, NBG + MAIN, step=NBG)
    def _(o):
      for b in range(NBG):
        round_body(o + b, b, b % NBW, drain=True, prefetch=True)

    for g in range(NBG + MAIN, G):
      round_body(g, g % NBG, g % NBW, drain=True, prefetch=(g + NBG < G))

    @pl.when(sid == 0)
    def _():
      for b in range(NBW):
        wait_write(b)

    plsc.subcore_barrier()

  return k


_gather = _make_gather(2 * 1024 * 50)
_G = 2 * 1024 * 50 // (_NW * _R)


def kernel(token, row_embed, col_embed):
  B, L, _ = token.shape
  table = jnp.concatenate([row_embed, col_embed], axis=0)
  idx = token.astype(jnp.int32).reshape(_G, _NC, _NS, _R)
  out = _gather(table, idx)
  return out.reshape(B, L, 2 * HALF)

# --- scband reference (transcript-rebuilt; emitter-appended) ---
"""Pipeline reference for scband-fixation-embedding-learned2d-24249385353326 (READ-ONLY COPY).

The authoritative reference and input builder live on the scoring server;
editing this copy changes nothing except your own understanding.
"""

import jax, jax.numpy as jnp
import numpy as np

H, W = 512, 512
HIDDEN = 768
B, L = 1024, 50

def setup_inputs(seed: int = 0) -> dict:
    key = jax.random.key(seed)
    k1, k2, k3 = jax.random.split(key, 3)
    token = jax.random.randint(k1, (B, L, 2), 0, min(H, W), dtype=jnp.int64)
    # learned embedding tables, initialized uniform [0,1) per nn.init.uniform_
    row_embed = jax.random.uniform(k2, (H, HIDDEN // 2), dtype=jnp.float32)
    col_embed = jax.random.uniform(k3, (W, HIDDEN // 2), dtype=jnp.float32)
    return {"token": token, "row_embed": row_embed, "col_embed": col_embed}

def reference(token, row_embed, col_embed):
    # col_embed(token[:, :, 1]); row_embed(token[:, :, 0])
    x_emb = jnp.take(col_embed, token[:, :, 1], axis=0)
    y_emb = jnp.take(row_embed, token[:, :, 0], axis=0)
    pos = jnp.concatenate([y_emb, x_emb], axis=-1)
    return pos

if __name__ == "__main__":
    import jax
    _d = setup_inputs()
    print(jax.jit(kernel)(*tuple(_d.values())))

</pallas_src>

<mosaic_0001>
#map = affine_map<(d0, d1) -> (0, 0)>
#map1 = affine_map<(d0, d1) -> (0, 0, 0, 0)>
#map2 = affine_map<(d0, d1) -> (0, 0, 0, 0, 0)>
module attributes {stable_mosaic.version = 14 : i64} {
  func.func @k(%arg0: i32, %arg1: i32, %arg2: memref<1024x384xf32, #tpu.memory_space<hbm>>, %arg3: memref<80x2x16x40xi32, #tpu.memory_space<hbm>>, %arg4: memref<80x2x16x40x384xf32, #tpu.memory_space<hbm>>, %arg5: memref<80x40xi32, #tpu.memory_space<vmem>>, %arg6: memref<4x40x384xf32, #tpu.memory_space<vmem>>, %arg7: memref<2x16x40x384xf32, #tpu.memory_space<vmem_shared>>, %arg8: memref<!tpu.dma_semaphore, #tpu.memory_space<semaphore_mem>>, %arg9: memref<!tpu.dma_semaphore, #tpu.memory_space<semaphore_mem>>, %arg10: memref<!tpu.dma_semaphore, #tpu.memory_space<semaphore_mem>>, %arg11: memref<!tpu.dma_semaphore, #tpu.memory_space<semaphore_mem>>, %arg12: memref<!tpu.dma_semaphore, #tpu.memory_space<semaphore_mem>>, %arg13: memref<!tpu.dma_semaphore, #tpu.memory_space<semaphore_mem>>) attributes {dimension_semantics = [#tpu.dimension_semantics<core_parallel>, #tpu.dimension_semantics<subcore_parallel>], iteration_bounds = array<i64: 2, 16>, scalar_prefetch = 0 : i64, scratch_operands = 9 : i64, tpu.core_type = #tpu.core_type<sc_vector_subcore>, window_params = [{transform_indices = #map}, {transform_indices = #map1}, {transform_indices = #map2}]} {
    "tpu.region"() ({
      %run_scoped3A_306 = tpu.sem_alloc : memref<!tpu.dma_semaphore, #tpu.memory_space<semaphore_mem>>
      %dma_start3A_307 = arith.constant 0 : i32
      %dma_start3A_308 = arith.constant 0 : i32
      %dma_start3A_309 = tpu.memref_slice %arg3[%dma_start3A_307, %arg0, %arg1, %dma_start3A_308] : memref<80x2x16x40xi32, #tpu.memory_space<hbm>> -> memref<80x1x1x40xi32, #tpu.memory_space<hbm>>
      %dma_start3A_310 = tpu.memref_squeeze %dma_start3A_309 : memref<80x1x1x40xi32, #tpu.memory_space<hbm>> -> memref<80x40xi32, #tpu.memory_space<hbm>>
      %dma_start3A_311 = arith.constant 0 : i32
      %dma_start3A_312 = arith.constant 0 : i32
      %dma_start3A_313 = tpu.memref_slice %arg3[%dma_start3A_311, %arg0, %arg1, %dma_start3A_312] : memref<80x2x16x40xi32, #tpu.memory_space<hbm>> -> memref<80x1x1x40xi32, #tpu.memory_space<hbm>>
      %dma_start3A_314 = tpu.memref_squeeze %dma_start3A_313 : memref<80x1x1x40xi32, #tpu.memory_space<hbm>> -> memref<80x40xi32, #tpu.memory_space<hbm>>
      tpu.enqueue_dma source(%dma_start3A_314 : memref<80x40xi32, #tpu.memory_space<hbm>>) target(%arg5 : memref<80x40xi32, #tpu.memory_space<vmem>>) target_semaphore(%run_scoped3A_306 : memref<!tpu.dma_semaphore, #tpu.memory_space<semaphore_mem>>)
      %dma_wait3A_315 = arith.constant 0 : i32
      %dma_wait3A_316 = arith.constant 0 : i32
      %dma_wait3A_317 = tpu.memref_slice %arg3[%dma_wait3A_315, %arg0, %arg1, %dma_wait3A_316] : memref<80x2x16x40xi32, #tpu.memory_space<hbm>> -> memref<80x1x1x40xi32, #tpu.memory_space<hbm>>
      %dma_wait3A_318 = tpu.memref_squeeze %dma_wait3A_317 : memref<80x1x1x40xi32, #tpu.memory_space<hbm>> -> memref<80x40xi32, #tpu.memory_space<hbm>>
      %dma_wait3A_319 = arith.constant 0 : i32
      %dma_wait3A_320 = arith.constant 0 : i32
      %dma_wait3A_321 = tpu.memref_slice %arg3[%dma_wait3A_319, %arg0, %arg1, %dma_wait3A_320] : memref<80x2x16x40xi32, #tpu.memory_space<hbm>> -> memref<80x1x1x40xi32, #tpu.memory_space<hbm>>
      %dma_wait3A_322 = tpu.memref_squeeze %dma_wait3A_321 : memref<80x1x1x40xi32, #tpu.memory_space<hbm>> -> memref<80x40xi32, #tpu.memory_space<hbm>>
      tpu.wait_dma2 semaphore(%run_scoped3A_306 : memref<!tpu.dma_semaphore, #tpu.memory_space<semaphore_mem>>) src(%dma_wait3A_322 : memref<80x40xi32, #tpu.memory_space<hbm>>) dst(%arg5 : memref<80x40xi32, #tpu.memory_space<vmem>>)
      tpu.yield
    }) : () -> ()
    %iota3A = tpu.iota {dimensions = array<i32: 0>} : vector<16xi32>
    %and3A = arith.constant 1 : i32
    %and3A_0 = vector.broadcast %and3A : i32 to vector<16xi32>
    %and3A_1 = arith.andi %iota3A, %and3A_0 : vector<16xi32>
    %mul3A = arith.constant 512 : i32
    %mul3A_2 = vector.broadcast %mul3A : i32 to vector<16xi32>
    %mul3A_3 = arith.muli %and3A_1, %mul3A_2 : vector<16xi32>
    %scan3A = arith.constant 0 : i32
    %scan3A_4 = arith.constant 80 : i32
    %scan3A_5 = arith.addi %scan3A, %scan3A_4 : i32
    %scan3A_6 = arith.constant 1 : i32
    scf.for %scan3A_306 = %scan3A to %scan3A_5 step %scan3A_6  : i32 {
      %mul3A_307 = arith.constant 1 : i32
      %mul3A_308 = arith.muli %scan3A_306, %mul3A_307 : i32
      %add3A = arith.constant 0 : i32
      %add3A_309 = arith.addi %add3A, %mul3A_308 : i32
      %scan3A_310 = arith.constant 0 : i32
      %scan3A_311 = arith.constant 3 : i32
      %scan3A_312 = arith.addi %scan3A_310, %scan3A_311 : i32
      %scan3A_313 = arith.constant 1 : i32
      scf.for %scan3A_315 = %scan3A_310 to %scan3A_312 step %scan3A_313  : i32 {
        %mul3A_316 = arith.constant 16 : i32
        %mul3A_317 = arith.muli %scan3A_315, %mul3A_316 : i32
        %add3A_318 = arith.constant 0 : i32
        %add3A_319 = arith.addi %add3A_318, %mul3A_317 : i32
        %get3A = arith.index_cast %add3A_309 : i32 to index
        %get3A_320 = arith.index_cast %add3A_319 : i32 to index
        %get3A_321 = tpu.vector_load %arg5[%get3A, %get3A_320] {strides = array<i32>} : memref<80x40xi32, #tpu.memory_space<vmem>>, vector<1x16xi32>,
        %get3A_322 = vector.shape_cast %get3A_321 : vector<1x16xi32> to vector<16xi32>
        %add3A_323 = arith.addi %get3A_322, %mul3A_3 : vector<16xi32>
        %swap3A = arith.index_cast %add3A_309 : i32 to index
        %swap3A_324 = arith.index_cast %add3A_319 : i32 to index
        %swap3A_325 = tpu.vector_load %arg5[%swap3A, %swap3A_324] {strides = array<i32>} : memref<80x40xi32, #tpu.memory_space<vmem>>, vector<1x16xi32>,
        %swap3A_326 = vector.shape_cast %swap3A_325 : vector<1x16xi32> to vector<16xi32>
        %swap3A_327 = vector.shape_cast %add3A_323 : vector<16xi32> to vector<1x16xi32>
        tpu.vector_store %arg5[%swap3A, %swap3A_324], %swap3A_327 {strides = array<i32>} : memref<80x40xi32, #tpu.memory_space<vmem>>, vector<1x16xi32>,
      }
      %scan3A_314 = arith.constant 3 : i32
    }
    %scan3A_7 = arith.constant 80 : i32
    %dma_start3A = arith.constant 0 : i32
    %dma_start3A_8 = arith.constant 0 : i32
    %dma_start3A_9 = arith.constant 0 : i32
    %dma_start3A_10 = arith.constant 0 : i32
    %dma_start3A_11 = tpu.memref_slice %arg6[%dma_start3A_8, %dma_start3A_9, %dma_start3A_10] : memref<4x40x384xf32, #tpu.memory_space<vmem>> -> memref<1x40x384xf32, #tpu.memory_space<vmem>>
    %dma_start3A_12 = tpu.memref_squeeze %dma_start3A_11 : memref<1x40x384xf32, #tpu.memory_space<vmem>> -> memref<40x384xf32, #tpu.memory_space<vmem>>
    %dma_start3A_13 = arith.constant 0 : i32
    %dma_start3A_14 = tpu.memref_slice %arg5[%dma_start3A, %dma_start3A_13] : memref<80x40xi32, #tpu.memory_space<vmem>> -> memref<1x40xi32, #tpu.memory_space<vmem>>
    %dma_start3A_15 = tpu.memref_squeeze %dma_start3A_14 : memref<1x40xi32, #tpu.memory_space<vmem>> -> memref<40xi32, #tpu.memory_space<vmem>>
    %dma_start3A_16 = arith.constant 0 : i32
    %dma_start3A_17 = arith.constant 0 : i32
    %dma_start3A_18 = tpu.memref_slice %arg2[%dma_start3A_16, %dma_start3A_17] : memref<1024x384xf32, #tpu.memory_space<hbm>> -> memref<1024x384xf32, #tpu.memory_space<hbm>>
    tpu.enqueue_indirect_dma source(%dma_start3A_18 : memref<1024x384xf32, #tpu.memory_space<hbm>>) target(%dma_start3A_12 : memref<40x384xf32, #tpu.memory_space<vmem>>) offsets(%dma_start3A_15 : memref<40xi32, #tpu.memory_space<vmem>>) semaphore(%arg8 : memref<!tpu.dma_semaphore, #tpu.memory_space<semaphore_mem>>)
    %dma_start3A_19 = arith.constant 1 : i32
    %dma_start3A_20 = arith.constant 1 : i32
    %dma_start3A_21 = arith.constant 0 : i32
    %dma_start3A_22 = arith.constant 0 : i32
    %dma_start3A_23 = tpu.memref_slice %arg6[%dma_start3A_20, %dma_start3A_21, %dma_start3A_22] : memref<4x40x384xf32, #tpu.memory_space<vmem>> -> memref<1x40x384xf32, #tpu.memory_space<vmem>>
    %dma_start3A_24 = tpu.memref_squeeze %dma_start3A_23 : memref<1x40x384xf32, #tpu.memory_space<vmem>> -> memref<40x384xf32, #tpu.memory_space<vmem>>
    %dma_start3A_25 = arith.constant 0 : i32
    %dma_start3A_26 = tpu.memref_slice %arg5[%dma_start3A_19, %dma_start3A_25] : memref<80x40xi32, #tpu.memory_space<vmem>> -> memref<1x40xi32, #tpu.memory_space<vmem>>
    %dma_start3A_27 = tpu.memref_squeeze %dma_start3A_26 : memref<1x40xi32, #tpu.memory_space<vmem>> -> memref<40xi32, #tpu.memory_space<vmem>>
    %dma_start3A_28 = arith.constant 0 : i32
    %dma_start3A_29 = arith.constant 0 : i32
    %dma_start3A_30 = tpu.memref_slice %arg2[%dma_start3A_28, %dma_start3A_29] : memref<1024x384xf32, #tpu.memory_space<hbm>> -> memref<1024x384xf32, #tpu.memory_space<hbm>>
    tpu.enqueue_indirect_dma source(%dma_start3A_30 : memref<1024x384xf32, #tpu.memory_space<hbm>>) target(%dma_start3A_24 : memref<40x384xf32, #tpu.memory_space<vmem>>) offsets(%dma_start3A_27 : memref<40xi32, #tpu.memory_space<vmem>>) semaphore(%arg9 : memref<!tpu.dma_semaphore, #tpu.memory_space<semaphore_mem>>)
    %dma_start3A_31 = arith.constant 2 : i32
    %dma_start3A_32 = arith.constant 2 : i32
    %dma_start3A_33 = arith.constant 0 : i32
    %dma_start3A_34 = arith.constant 0 : i32
    %dma_start3A_35 = tpu.memref_slice %arg6[%dma_start3A_32, %dma_start3A_33, %dma_start3A_34] : memref<4x40x384xf32, #tpu.memory_space<vmem>> -> memref<1x40x384xf32, #tpu.memory_space<vmem>>
    %dma_start3A_36 = tpu.memref_squeeze %dma_start3A_35 : memref<1x40x384xf32, #tpu.memory_space<vmem>> -> memref<40x384xf32, #tpu.memory_space<vmem>>
    %dma_start3A_37 = arith.constant 0 : i32
    %dma_start3A_38 = tpu.memref_slice %arg5[%dma_start3A_31, %dma_start3A_37] : memref<80x40xi32, #tpu.memory_space<vmem>> -> memref<1x40xi32, #tpu.memory_space<vmem>>
    %dma_start3A_39 = tpu.memref_squeeze %dma_start3A_38 : memref<1x40xi32, #tpu.memory_space<vmem>> -> memref<40xi32, #tpu.memory_space<vmem>>
    %dma_start3A_40 = arith.constant 0 : i32
    %dma_start3A_41 = arith.constant 0 : i32
    %dma_start3A_42 = tpu.memref_slice %arg2[%dma_start3A_40, %dma_start3A_41] : memref<1024x384xf32, #tpu.memory_space<hbm>> -> memref<1024x384xf32, #tpu.memory_space<hbm>>
    tpu.enqueue_indirect_dma source(%dma_start3A_42 : memref<1024x384xf32, #tpu.memory_space<hbm>>) target(%dma_start3A_36 : memref<40x384xf32, #tpu.memory_space<vmem>>) offsets(%dma_start3A_39 : memref<40xi32, #tpu.memory_space<vmem>>) semaphore(%arg10 : memref<!tpu.dma_semaphore, #tpu.memory_space<semaphore_mem>>)
    %dma_start3A_43 = arith.constant 3 : i32
    %dma_start3A_44 = arith.constant 3 : i32
    %dma_start3A_45 = arith.constant 0 : i32
    %dma_start3A_46 = arith.constant 0 : i32
    %dma_start3A_47 = tpu.memref_slice %arg6[%dma_start3A_44, %dma_start3A_45, %dma_start3A_46] : memref<4x40x384xf32, #tpu.memory_space<vmem>> -> memref<1x40x384xf32, #tpu.memory_space<vmem>>
    %dma_start3A_48 = tpu.memref_squeeze %dma_start3A_47 : memref<1x40x384xf32, #tpu.memory_space<vmem>> -> memref<40x384xf32, #tpu.memory_space<vmem>>
    %dma_start3A_49 = arith.constant 0 : i32
    %dma_start3A_50 = tpu.memref_slice %arg5[%dma_start3A_43, %dma_start3A_49] : memref<80x40xi32, #tpu.memory_space<vmem>> -> memref<1x40xi32, #tpu.memory_space<vmem>>
    %dma_start3A_51 = tpu.memref_squeeze %dma_start3A_50 : memref<1x40xi32, #tpu.memory_space<vmem>> -> memref<40xi32, #tpu.memory_space<vmem>>
    %dma_start3A_52 = arith.constant 0 : i32
    %dma_start3A_53 = arith.constant 0 : i32
    %dma_start3A_54 = tpu.memref_slice %arg2[%dma_start3A_52, %dma_start3A_53] : memref<1024x384xf32, #tpu.memory_space<hbm>> -> memref<1024x384xf32, #tpu.memory_space<hbm>>
    tpu.enqueue_indirect_dma source(%dma_start3A_54 : memref<1024x384xf32, #tpu.memory_space<hbm>>) target(%dma_start3A_48 : memref<40x384xf32, #tpu.memory_space<vmem>>) offsets(%dma_start3A_51 : memref<40xi32, #tpu.memory_space<vmem>>) semaphore(%arg11 : memref<!tpu.dma_semaphore, #tpu.memory_space<semaphore_mem>>)
    %dma_wait3A = arith.constant 0 : i32
    %dma_wait3A_55 = arith.constant 0 : i32
    %dma_wait3A_56 = arith.constant 0 : i32
    %dma_wait3A_57 = arith.constant 0 : i32
    %dma_wait3A_58 = tpu.memref_slice %arg6[%dma_wait3A_55, %dma_wait3A_56, %dma_wait3A_57] : memref<4x40x384xf32, #tpu.memory_space<vmem>> -> memref<1x40x384xf32, #tpu.memory_space<vmem>>
    %dma_wait3A_59 = tpu.memref_squeeze %dma_wait3A_58 : memref<1x40x384xf32, #tpu.memory_space<vmem>> -> memref<40x384xf32, #tpu.memory_space<vmem>>
    %dma_wait3A_60 = arith.constant 0 : i32
    %dma_wait3A_61 = tpu.memref_slice %arg5[%dma_wait3A, %dma_wait3A_60] : memref<80x40xi32, #tpu.memory_space<vmem>> -> memref<1x40xi32, #tpu.memory_space<vmem>>
    %dma_wait3A_62 = tpu.memref_squeeze %dma_wait3A_61 : memref<1x40xi32, #tpu.memory_space<vmem>> -> memref<40xi32, #tpu.memory_space<vmem>>
    %dma_wait3A_63 = arith.constant 0 : i32
    %dma_wait3A_64 = arith.constant 0 : i32
    %dma_wait3A_65 = tpu.memref_slice %arg2[%dma_wait3A_63, %dma_wait3A_64] : memref<1024x384xf32, #tpu.memory_space<hbm>> -> memref<1024x384xf32, #tpu.memory_space<hbm>>
    tpu.wait_indirect_dma semaphore(%arg8 : memref<!tpu.dma_semaphore, #tpu.memory_space<semaphore_mem>>) src(%dma_wait3A_65 : memref<1024x384xf32, #tpu.memory_space<hbm>>) dst(%dma_wait3A_59 : memref<40x384xf32, #tpu.memory_space<vmem>>)
    %barrier3A = arith.constant 0 : index
    tpu.barrier barrier_id(%barrier3A)
    %run_scoped3A = arith.constant 0 : i32
    %run_scoped3A_66 = arith.constant 0 : i32
    "tpu.region"() ({
      %run_scoped3A_306 = tpu.sem_alloc : memref<!tpu.dma_semaphore, #tpu.memory_space<semaphore_mem>>
      %dma_start3A_307 = arith.constant 0 : i32
      %dma_start3A_308 = arith.constant 0 : i32
      %dma_start3A_309 = tpu.memref_slice %arg6[%run_scoped3A, %dma_start3A_307, %dma_start3A_308] : memref<4x40x384xf32, #tpu.memory_space<vmem>> -> memref<1x40x384xf32, #tpu.memory_space<vmem>>
      %dma_start3A_310 = tpu.memref_squeeze %dma_start3A_309 : memref<1x40x384xf32, #tpu.memory_space<vmem>> -> memref<40x384xf32, #tpu.memory_space<vmem>>
      %dma_start3A_311 = arith.constant 0 : i32
      %dma_start3A_312 = arith.constant 0 : i32
      %dma_start3A_313 = tpu.memref_slice %arg7[%run_scoped3A_66, %arg1, %dma_start3A_311, %dma_start3A_312] : memref<2x16x40x384xf32, #tpu.memory_space<vmem_shared>> -> memref<1x1x40x384xf32, #tpu.memory_space<vmem_shared>>
      %dma_start3A_314 = tpu.memref_squeeze %dma_start3A_313 : memref<1x1x40x384xf32, #tpu.memory_space<vmem_shared>> -> memref<40x384xf32, #tpu.memory_space<vmem_shared>>
      %dma_start3A_315 = arith.constant 0 : i32
      %dma_start3A_316 = arith.constant 0 : i32
      %dma_start3A_317 = tpu.memref_slice %arg7[%run_scoped3A_66, %arg1, %dma_start3A_315, %dma_start3A_316] : memref<2x16x40x384xf32, #tpu.memory_space<vmem_shared>> -> memref<1x1x40x384xf32, #tpu.memory_space<vmem_shared>>
      %dma_start3A_318 = tpu.memref_squeeze %dma_start3A_317 : memref<1x1x40x384xf32, #tpu.memory_space<vmem_shared>> -> memref<40x384xf32, #tpu.memory_space<vmem_shared>>
      %dma_start3A_319 = arith.constant 0 : i32
      %dma_start3A_320 = arith.constant 0 : i32
      %dma_start3A_321 = tpu.memref_slice %arg6[%run_scoped3A, %dma_start3A_319, %dma_start3A_320] : memref<4x40x384xf32, #tpu.memory_space<vmem>> -> memref<1x40x384xf32, #tpu.memory_space<vmem>>
      %dma_start3A_322 = tpu.memref_squeeze %dma_start3A_321 : memref<1x40x384xf32, #tpu.memory_space<vmem>> -> memref<40x384xf32, #tpu.memory_space<vmem>>
      tpu.enqueue_dma source(%dma_start3A_322 : memref<40x384xf32, #tpu.memory_space<vmem>>) target(%dma_start3A_318 : memref<40x384xf32, #tpu.memory_space<vmem_shared>>) target_semaphore(%run_scoped3A_306 : memref<!tpu.dma_semaphore, #tpu.memory_space<semaphore_mem>>)
      %dma_wait3A_323 = arith.constant 0 : i32
      %dma_wait3A_324 = arith.constant 0 : i32
      %dma_wait3A_325 = tpu.memref_slice %arg6[%run_scoped3A, %dma_wait3A_323, %dma_wait3A_324] : memref<4x40x384xf32, #tpu.memory_space<vmem>> -> memref<1x40x384xf32, #tpu.memory_space<vmem>>
      %dma_wait3A_326 = tpu.memref_squeeze %dma_wait3A_325 : memref<1x40x384xf32, #tpu.memory_space<vmem>> -> memref<40x384xf32, #tpu.memory_space<vmem>>
      %dma_wait3A_327 = arith.constant 0 : i32
      %dma_wait3A_328 = arith.constant 0 : i32
      %dma_wait3A_329 = tpu.memref_slice %arg7[%run_scoped3A_66, %arg1, %dma_wait3A_327, %dma_wait3A_328] : memref<2x16x40x384xf32, #tpu.memory_space<vmem_shared>> -> memref<1x1x40x384xf32, #tpu.memory_space<vmem_shared>>
      %dma_wait3A_330 = tpu.memref_squeeze %dma_wait3A_329 : memref<1x1x40x384xf32, #tpu.memory_space<vmem_shared>> -> memref<40x384xf32, #tpu.memory_space<vmem_shared>>
      %dma_wait3A_331 = arith.constant 0 : i32
      %dma_wait3A_332 = arith.constant 0 : i32
      %dma_wait3A_333 = tpu.memref_slice %arg7[%run_scoped3A_66, %arg1, %dma_wait3A_331, %dma_wait3A_332] : memref<2x16x40x384xf32, #tpu.memory_space<vmem_shared>> -> memref<1x1x40x384xf32, #tpu.memory_space<vmem_shared>>
      %dma_wait3A_334 = tpu.memref_squeeze %dma_wait3A_333 : memref<1x1x40x384xf32, #tpu.memory_space<vmem_shared>> -> memref<40x384xf32, #tpu.memory_space<vmem_shared>>
      %dma_wait3A_335 = arith.constant 0 : i32
      %dma_wait3A_336 = arith.constant 0 : i32
      %dma_wait3A_337 = tpu.memref_slice %arg6[%run_scoped3A, %dma_wait3A_335, %dma_wait3A_336] : memref<4x40x384xf32, #tpu.memory_space<vmem>> -> memref<1x40x384xf32, #tpu.memory_space<vmem>>
      %dma_wait3A_338 = tpu.memref_squeeze %dma_wait3A_337 : memref<1x40x384xf32, #tpu.memory_space<vmem>> -> memref<40x384xf32, #tpu.memory_space<vmem>>
      tpu.wait_dma2 semaphore(%run_scoped3A_306 : memref<!tpu.dma_semaphore, #tpu.memory_space<semaphore_mem>>) src(%dma_wait3A_338 : memref<40x384xf32, #tpu.memory_space<vmem>>) dst(%dma_wait3A_334 : memref<40x384xf32, #tpu.memory_space<vmem_shared>>)
      tpu.yield
    }) : () -> ()
    %dma_start3A_67 = arith.constant 4 : i32
    %dma_start3A_68 = arith.constant 0 : i32
    %dma_start3A_69 = arith.constant 0 : i32
    %dma_start3A_70 = arith.constant 0 : i32
    %dma_start3A_71 = tpu.memref_slice %arg6[%dma_start3A_68, %dma_start3A_69, %dma_start3A_70] : memref<4x40x384xf32, #tpu.memory_space<vmem>> -> memref<1x40x384xf32, #tpu.memory_space<vmem>>
    %dma_start3A_72 = tpu.memref_squeeze %dma_start3A_71 : memref<1x40x384xf32, #tpu.memory_space<vmem>> -> memref<40x384xf32, #tpu.memory_space<vmem>>
    %dma_start3A_73 = arith.constant 0 : i32
    %dma_start3A_74 = tpu.memref_slice %arg5[%dma_start3A_67, %dma_start3A_73] : memref<80x40xi32, #tpu.memory_space<vmem>> -> memref<1x40xi32, #tpu.memory_space<vmem>>
    %dma_start3A_75 = tpu.memref_squeeze %dma_start3A_74 : memref<1x40xi32, #tpu.memory_space<vmem>> -> memref<40xi32, #tpu.memory_space<vmem>>
    %dma_start3A_76 = arith.constant 0 : i32
    %dma_start3A_77 = arith.constant 0 : i32
    %dma_start3A_78 = tpu.memref_slice %arg2[%dma_start3A_76, %dma_start3A_77] : memref<1024x384xf32, #tpu.memory_space<hbm>> -> memref<1024x384xf32, #tpu.memory_space<hbm>>
    tpu.enqueue_indirect_dma source(%dma_start3A_78 : memref<1024x384xf32, #tpu.memory_space<hbm>>) target(%dma_start3A_72 : memref<40x384xf32, #tpu.memory_space<vmem>>) offsets(%dma_start3A_75 : memref<40xi32, #tpu.memory_space<vmem>>) semaphore(%arg8 : memref<!tpu.dma_semaphore, #tpu.memory_space<semaphore_mem>>)
    %barrier3A_79 = arith.constant 0 : index
    tpu.barrier barrier_id(%barrier3A_79)
    %eq3A = arith.constant 0 : i32
    %eq3A_80 = arith.cmpi eq, %arg1, %eq3A : i32
    %convert_element_type3A = arith.extui %eq3A_80 : i1 to i32
    %cond3A = arith.constant 0 : i32
    %cond3A_81 = arith.cmpi ne, %convert_element_type3A, %cond3A : i32
    scf.if %cond3A_81 {
      %dma_start3A_306 = arith.constant 0 : i32
      %dma_start3A_307 = arith.constant 0 : i32
      %dma_start3A_308 = arith.constant 0 : i32
      %dma_start3A_309 = arith.constant 0 : i32
      %dma_start3A_310 = arith.constant 0 : i32
      %dma_start3A_311 = tpu.memref_slice %arg4[%dma_start3A_307, %arg0, %dma_start3A_308, %dma_start3A_309, %dma_start3A_310] : memref<80x2x16x40x384xf32, #tpu.memory_space<hbm>> -> memref<1x1x16x40x384xf32, #tpu.memory_space<hbm>>
      %dma_start3A_312 = tpu.memref_squeeze %dma_start3A_311 : memref<1x1x16x40x384xf32, #tpu.memory_space<hbm>> -> memref<16x40x384xf32, #tpu.memory_space<hbm>>
      %dma_start3A_313 = arith.constant 0 : i32
      %dma_start3A_314 = arith.constant 0 : i32
      %dma_start3A_315 = arith.constant 0 : i32
      %dma_start3A_316 = tpu.memref_slice %arg7[%dma_start3A_306, %dma_start3A_313, %dma_start3A_314, %dma_start3A_315] : memref<2x16x40x384xf32, #tpu.memory_space<vmem_shared>> -> memref<1x16x40x384xf32, #tpu.memory_space<vmem_shared>>
      %dma_start3A_317 = tpu.memref_squeeze %dma_start3A_316 : memref<1x16x40x384xf32, #tpu.memory_space<vmem_shared>> -> memref<16x40x384xf32, #tpu.memory_space<vmem_shared>>
      tpu.enqueue_dma source(%dma_start3A_317 : memref<16x40x384xf32, #tpu.memory_space<vmem_shared>>) target(%dma_start3A_312 : memref<16x40x384xf32, #tpu.memory_space<hbm>>) target_semaphore(%arg12 : memref<!tpu.dma_semaphore, #tpu.memory_space<semaphore_mem>>)
    } else {
    }
    %dma_wait3A_82 = arith.constant 0 : i32
    %dma_wait3A_83 = arith.constant 1 : i32
    %dma_wait3A_84 = arith.constant 0 : i32
    %dma_wait3A_85 = arith.constant 0 : i32
    %dma_wait3A_86 = tpu.memref_slice %arg6[%dma_wait3A_83, %dma_wait3A_84, %dma_wait3A_85] : memref<4x40x384xf32, #tpu.memory_space<vmem>> -> memref<1x40x384xf32, #tpu.memory_space<vmem>>
    %dma_wait3A_87 = tpu.memref_squeeze %dma_wait3A_86 : memref<1x40x384xf32, #tpu.memory_space<vmem>> -> memref<40x384xf32, #tpu.memory_space<vmem>>
    %dma_wait3A_88 = arith.constant 0 : i32
    %dma_wait3A_89 = tpu.memref_slice %arg5[%dma_wait3A_82, %dma_wait3A_88] : memref<80x40xi32, #tpu.memory_space<vmem>> -> memref<1x40xi32, #tpu.memory_space<vmem>>
    %dma_wait3A_90 = tpu.memref_squeeze %dma_wait3A_89 : memref<1x40xi32, #tpu.memory_space<vmem>> -> memref<40xi32, #tpu.memory_space<vmem>>
    %dma_wait3A_91 = arith.constant 0 : i32
    %dma_wait3A_92 = arith.constant 0 : i32
    %dma_wait3A_93 = tpu.memref_slice %arg2[%dma_wait3A_91, %dma_wait3A_92] : memref<1024x384xf32, #tpu.memory_space<hbm>> -> memref<1024x384xf32, #tpu.memory_space<hbm>>
    tpu.wait_indirect_dma semaphore(%arg9 : memref<!tpu.dma_semaphore, #tpu.memory_space<semaphore_mem>>) src(%dma_wait3A_93 : memref<1024x384xf32, #tpu.memory_space<hbm>>) dst(%dma_wait3A_87 : memref<40x384xf32, #tpu.memory_space<vmem>>)
    %barrier3A_94 = arith.constant 0 : index
    tpu.barrier barrier_id(%barrier3A_94)
    %run_scoped3A_95 = arith.constant 1 : i32
    %run_scoped3A_96 = arith.constant 1 : i32
    "tpu.region"() ({
      %run_scoped3A_306 = tpu.sem_alloc : memref<!tpu.dma_semaphore, #tpu.memory_space<semaphore_mem>>
      %dma_start3A_307 = arith.constant 0 : i32
      %dma_start3A_308 = arith.constant 0 : i32
      %dma_start3A_309 = tpu.memref_slice %arg6[%run_scoped3A_95, %dma_start3A_307, %dma_start3A_308] : memref<4x40x384xf32, #tpu.memory_space<vmem>> -> memref<1x40x384xf32, #tpu.memory_space<vmem>>
      %dma_start3A_310 = tpu.memref_squeeze %dma_start3A_309 : memref<1x40x384xf32, #tpu.memory_space<vmem>> -> memref<40x384xf32, #tpu.memory_space<vmem>>
      %dma_start3A_311 = arith.constant 0 : i32
      %dma_start3A_312 = arith.constant 0 : i32
      %dma_start3A_313 = tpu.memref_slice %arg7[%run_scoped3A_96, %arg1, %dma_start3A_311, %dma_start3A_312] : memref<2x16x40x384xf32, #tpu.memory_space<vmem_shared>> -> memref<1x1x40x384xf32, #tpu.memory_space<vmem_shared>>
      %dma_start3A_314 = tpu.memref_squeeze %dma_start3A_313 : memref<1x1x40x384xf32, #tpu.memory_space<vmem_shared>> -> memref<40x384xf32, #tpu.memory_space<vmem_shared>>
      %dma_start3A_315 = arith.constant 0 : i32
      %dma_start3A_316 = arith.constant 0 : i32
      %dma_start3A_317 = tpu.memref_slice %arg7[%run_scoped3A_96, %arg1, %dma_start3A_315, %dma_start3A_316] : memref<2x16x40x384xf32, #tpu.memory_space<vmem_shared>> -> memref<1x1x40x384xf32, #tpu.memory_space<vmem_shared>>
      %dma_start3A_318 = tpu.memref_squeeze %dma_start3A_317 : memref<1x1x40x384xf32, #tpu.memory_space<vmem_shared>> -> memref<40x384xf32, #tpu.memory_space<vmem_shared>>
      %dma_start3A_319 = arith.constant 0 : i32
      %dma_start3A_320 = arith.constant 0 : i32
      %dma_start3A_321 = tpu.memref_slice %arg6[%run_scoped3A_95, %dma_start3A_319, %dma_start3A_320] : memref<4x40x384xf32, #tpu.memory_space<vmem>> -> memref<1x40x384xf32, #tpu.memory_space<vmem>>
      %dma_start3A_322 = tpu.memref_squeeze %dma_start3A_321 : memref<1x40x384xf32, #tpu.memory_space<vmem>> -> memref<40x384xf32, #tpu.memory_space<vmem>>
      tpu.enqueue_dma source(%dma_start3A_322 : memref<40x384xf32, #tpu.memory_space<vmem>>) target(%dma_start3A_318 : memref<40x384xf32, #tpu.memory_space<vmem_shared>>) target_semaphore(%run_scoped3A_306 : memref<!tpu.dma_semaphore, #tpu.memory_space<semaphore_mem>>)
      %dma_wait3A_323 = arith.constant 0 : i32
      %dma_wait3A_324 = arith.constant 0 : i32
      %dma_wait3A_325 = tpu.memref_slice %arg6[%run_scoped3A_95, %dma_wait3A_323, %dma_wait3A_324] : memref<4x40x384xf32, #tpu.memory_space<vmem>> -> memref<1x40x384xf32, #tpu.memory_space<vmem>>
      %dma_wait3A_326 = tpu.memref_squeeze %dma_wait3A_325 : memref<1x40x384xf32, #tpu.memory_space<vmem>> -> memref<40x384xf32, #tpu.memory_space<vmem>>
      %dma_wait3A_327 = arith.constant 0 : i32
      %dma_wait3A_328 = arith.constant 0 : i32
      %dma_wait3A_329 = tpu.memref_slice %arg7[%run_scoped3A_96, %arg1, %dma_wait3A_327, %dma_wait3A_328] : memref<2x16x40x384xf32, #tpu.memory_space<vmem_shared>> -> memref<1x1x40x384xf32, #tpu.memory_space<vmem_shared>>
      %dma_wait3A_330 = tpu.memref_squeeze %dma_wait3A_329 : memref<1x1x40x384xf32, #tpu.memory_space<vmem_shared>> -> memref<40x384xf32, #tpu.memory_space<vmem_shared>>
      %dma_wait3A_331 = arith.constant 0 : i32
      %dma_wait3A_332 = arith.constant 0 : i32
      %dma_wait3A_333 = tpu.memref_slice %arg7[%run_scoped3A_96, %arg1, %dma_wait3A_331, %dma_wait3A_332] : memref<2x16x40x384xf32, #tpu.memory_space<vmem_shared>> -> memref<1x1x40x384xf32, #tpu.memory_space<vmem_shared>>
      %dma_wait3A_334 = tpu.memref_squeeze %dma_wait3A_333 : memref<1x1x40x384xf32, #tpu.memory_space<vmem_shared>> -> memref<40x384xf32, #tpu.memory_space<vmem_shared>>
      %dma_wait3A_335 = arith.constant 0 : i32
      %dma_wait3A_336 = arith.constant 0 : i32
      %dma_wait3A_337 = tpu.memref_slice %arg6[%run_scoped3A_95, %dma_wait3A_335, %dma_wait3A_336] : memref<4x40x384xf32, #tpu.memory_space<vmem>> -> memref<1x40x384xf32, #tpu.memory_space<vmem>>
      %dma_wait3A_338 = tpu.memref_squeeze %dma_wait3A_337 : memref<1x40x384xf32, #tpu.memory_space<vmem>> -> memref<40x384xf32, #tpu.memory_space<vmem>>
      tpu.wait_dma2 semaphore(%run_scoped3A_306 : memref<!tpu.dma_semaphore, #tpu.memory_space<semaphore_mem>>) src(%dma_wait3A_338 : memref<40x384xf32, #tpu.memory_space<vmem>>) dst(%dma_wait3A_334 : memref<40x384xf32, #tpu.memory_space<vmem_shared>>)
      tpu.yield
    }) : () -> ()
    %dma_start3A_97 = arith.constant 5 : i32
    %dma_start3A_98 = arith.constant 1 : i32
    %dma_start3A_99 = arith.constant 0 : i32
    %dma_start3A_100 = arith.constant 0 : i32
    %dma_start3A_101 = tpu.memref_slice %arg6[%dma_start3A_98, %dma_start3A_99, %dma_start3A_100] : memref<4x40x384xf32, #tpu.memory_space<vmem>> -> memref<1x40x384xf32, #tpu.memory_space<vmem>>
    %dma_start3A_102 = tpu.memref_squeeze %dma_start3A_101 : memref<1x40x384xf32, #tpu.memory_space<vmem>> -> memref<40x384xf32, #tpu.memory_space<vmem>>
    %dma_start3A_103 = arith.constant 0 : i32
    %dma_start3A_104 = tpu.memref_slice %arg5[%dma_start3A_97, %dma_start3A_103] : memref<80x40xi32, #tpu.memory_space<vmem>> -> memref<1x40xi32, #tpu.memory_space<vmem>>
    %dma_start3A_105 = tpu.memref_squeeze %dma_start3A_104 : memref<1x40xi32, #tpu.memory_space<vmem>> -> memref<40xi32, #tpu.memory_space<vmem>>
    %dma_start3A_106 = arith.constant 0 : i32
    %dma_start3A_107 = arith.constant 0 : i32
    %dma_start3A_108 = tpu.memref_slice %arg2[%dma_start3A_106, %dma_start3A_107] : memref<1024x384xf32, #tpu.memory_space<hbm>> -> memref<1024x384xf32, #tpu.memory_space<hbm>>
    tpu.enqueue_indirect_dma source(%dma_start3A_108 : memref<1024x384xf32, #tpu.memory_space<hbm>>) target(%dma_start3A_102 : memref<40x384xf32, #tpu.memory_space<vmem>>) offsets(%dma_start3A_105 : memref<40xi32, #tpu.memory_space<vmem>>) semaphore(%arg9 : memref<!tpu.dma_semaphore, #tpu.memory_space<semaphore_mem>>)
    %barrier3A_109 = arith.constant 0 : index
    tpu.barrier barrier_id(%barrier3A_109)
    %eq3A_110 = arith.constant 0 : i32
    %eq3A_111 = arith.cmpi eq, %arg1, %eq3A_110 : i32
    %convert_element_type3A_112 = arith.extui %eq3A_111 : i1 to i32
    %cond3A_113 = arith.constant 0 : i32
    %cond3A_114 = arith.cmpi ne, %convert_element_type3A_112, %cond3A_113 : i32
    scf.if %cond3A_114 {
      %dma_start3A_306 = arith.constant 1 : i32
      %dma_start3A_307 = arith.constant 1 : i32
      %dma_start3A_308 = arith.constant 0 : i32
      %dma_start3A_309 = arith.constant 0 : i32
      %dma_start3A_310 = arith.constant 0 : i32
      %dma_start3A_311 = tpu.memref_slice %arg4[%dma_start3A_307, %arg0, %dma_start3A_308, %dma_start3A_309, %dma_start3A_310] : memref<80x2x16x40x384xf32, #tpu.memory_space<hbm>> -> memref<1x1x16x40x384xf32, #tpu.memory_space<hbm>>
      %dma_start3A_312 = tpu.memref_squeeze %dma_start3A_311 : memref<1x1x16x40x384xf32, #tpu.memory_space<hbm>> -> memref<16x40x384xf32, #tpu.memory_space<hbm>>
      %dma_start3A_313 = arith.constant 0 : i32
      %dma_start3A_314 = arith.constant 0 : i32
      %dma_start3A_315 = arith.constant 0 : i32
      %dma_start3A_316 = tpu.memref_slice %arg7[%dma_start3A_306, %dma_start3A_313, %dma_start3A_314, %dma_start3A_315] : memref<2x16x40x384xf32, #tpu.memory_space<vmem_shared>> -> memref<1x16x40x384xf32, #tpu.memory_space<vmem_shared>>
      %dma_start3A_317 = tpu.memref_squeeze %dma_start3A_316 : memref<1x16x40x384xf32, #tpu.memory_space<vmem_shared>> -> memref<16x40x384xf32, #tpu.memory_space<vmem_shared>>
      tpu.enqueue_dma source(%dma_start3A_317 : memref<16x40x384xf32, #tpu.memory_space<vmem_shared>>) target(%dma_start3A_312 : memref<16x40x384xf32, #tpu.memory_space<hbm>>) target_semaphore(%arg13 : memref<!tpu.dma_semaphore, #tpu.memory_space<semaphore_mem>>)
    } else {
    }
    %dma_wait3A_115 = arith.constant 0 : i32
    %dma_wait3A_116 = arith.constant 2 : i32
    %dma_wait3A_117 = arith.constant 0 : i32
    %dma_wait3A_118 = arith.constant 0 : i32
    %dma_wait3A_119 = tpu.memref_slice %arg6[%dma_wait3A_116, %dma_wait3A_117, %dma_wait3A_118] : memref<4x40x384xf32, #tpu.memory_space<vmem>> -> memref<1x40x384xf32, #tpu.memory_space<vmem>>
    %dma_wait3A_120 = tpu.memref_squeeze %dma_wait3A_119 : memref<1x40x384xf32, #tpu.memory_space<vmem>> -> memref<40x384xf32, #tpu.memory_space<vmem>>
    %dma_wait3A_121 = arith.constant 0 : i32
    %dma_wait3A_122 = tpu.memref_slice %arg5[%dma_wait3A_115, %dma_wait3A_121] : memref<80x40xi32, #tpu.memory_space<vmem>> -> memref<1x40xi32, #tpu.memory_space<vmem>>
    %dma_wait3A_123 = tpu.memref_squeeze %dma_wait3A_122 : memref<1x40xi32, #tpu.memory_space<vmem>> -> memref<40xi32, #tpu.memory_space<vmem>>
    %dma_wait3A_124 = arith.constant 0 : i32
    %dma_wait3A_125 = arith.constant 0 : i32
    %dma_wait3A_126 = tpu.memref_slice %arg2[%dma_wait3A_124, %dma_wait3A_125] : memref<1024x384xf32, #tpu.memory_space<hbm>> -> memref<1024x384xf32, #tpu.memory_space<hbm>>
    tpu.wait_indirect_dma semaphore(%arg10 : memref<!tpu.dma_semaphore, #tpu.memory_space<semaphore_mem>>) src(%dma_wait3A_126 : memref<1024x384xf32, #tpu.memory_space<hbm>>) dst(%dma_wait3A_120 : memref<40x384xf32, #tpu.memory_space<vmem>>)
    %eq3A_127 = arith.constant 0 : i32
    %eq3A_128 = arith.cmpi eq, %arg1, %eq3A_127 : i32
    %convert_element_type3A_129 = arith.extui %eq3A_128 : i1 to i32
    %cond3A_130 = arith.constant 0 : i32
    %cond3A_131 = arith.cmpi ne, %convert_element_type3A_129, %cond3A_130 : i32
    scf.if %cond3A_131 {
      %dma_wait3A_306 = arith.constant 0 : i32
      %dma_wait3A_307 = arith.constant 0 : i32
      %dma_wait3A_308 = arith.constant 0 : i32
      %dma_wait3A_309 = arith.constant 0 : i32
      %dma_wait3A_310 = arith.constant 0 : i32
      %dma_wait3A_311 = tpu.memref_slice %arg4[%dma_wait3A_307, %arg0, %dma_wait3A_308, %dma_wait3A_309, %dma_wait3A_310] : memref<80x2x16x40x384xf32, #tpu.memory_space<hbm>> -> memref<1x1x16x40x384xf32, #tpu.memory_space<hbm>>
      %dma_wait3A_312 = tpu.memref_squeeze %dma_wait3A_311 : memref<1x1x16x40x384xf32, #tpu.memory_space<hbm>> -> memref<16x40x384xf32, #tpu.memory_space<hbm>>
      %dma_wait3A_313 = arith.constant 0 : i32
      %dma_wait3A_314 = arith.constant 0 : i32
      %dma_wait3A_315 = arith.constant 0 : i32
      %dma_wait3A_316 = tpu.memref_slice %arg7[%dma_wait3A_306, %dma_wait3A_313, %dma_wait3A_314, %dma_wait3A_315] : memref<2x16x40x384xf32, #tpu.memory_space<vmem_shared>> -> memref<1x16x40x384xf32, #tpu.memory_space<vmem_shared>>
      %dma_wait3A_317 = tpu.memref_squeeze %dma_wait3A_316 : memref<1x16x40x384xf32, #tpu.memory_space<vmem_shared>> -> memref<16x40x384xf32, #tpu.memory_space<vmem_shared>>
      tpu.wait_dma2 semaphore(%arg12 : memref<!tpu.dma_semaphore, #tpu.memory_space<semaphore_mem>>) src(%dma_wait3A_317 : memref<16x40x384xf32, #tpu.memory_space<vmem_shared>>) dst(%dma_wait3A_312 : memref<16x40x384xf32, #tpu.memory_space<hbm>>)
    } else {
    }
    %barrier3A_132 = arith.constant 0 : index
    tpu.barrier barrier_id(%barrier3A_132)
    %run_scoped3A_133 = arith.constant 2 : i32
    %run_scoped3A_134 = arith.constant 0 : i32
    "tpu.region"() ({
      %run_scoped3A_306 = tpu.sem_alloc : memref<!tpu.dma_semaphore, #tpu.memory_space<semaphore_mem>>
      %dma_start3A_307 = arith.constant 0 : i32
      %dma_start3A_308 = arith.constant 0 : i32
      %dma_start3A_309 = tpu.memref_slice %arg6[%run_scoped3A_133, %dma_start3A_307, %dma_start3A_308] : memref<4x40x384xf32, #tpu.memory_space<vmem>> -> memref<1x40x384xf32, #tpu.memory_space<vmem>>
      %dma_start3A_310 = tpu.memref_squeeze %dma_start3A_309 : memref<1x40x384xf32, #tpu.memory_space<vmem>> -> memref<40x384xf32, #tpu.memory_space<vmem>>
      %dma_start3A_311 = arith.constant 0 : i32
      %dma_start3A_312 = arith.constant 0 : i32
      %dma_start3A_313 = tpu.memref_slice %arg7[%run_scoped3A_134, %arg1, %dma_start3A_311, %dma_start3A_312] : memref<2x16x40x384xf32, #tpu.memory_space<vmem_shared>> -> memref<1x1x40x384xf32, #tpu.memory_space<vmem_shared>>
      %dma_start3A_314 = tpu.memref_squeeze %dma_start3A_313 : memref<1x1x40x384xf32, #tpu.memory_space<vmem_shared>> -> memref<40x384xf32, #tpu.memory_space<vmem_shared>>
      %dma_start3A_315 = arith.constant 0 : i32
      %dma_start3A_316 = arith.constant 0 : i32
      %dma_start3A_317 = tpu.memref_slice %arg7[%run_scoped3A_134, %arg1, %dma_start3A_315, %dma_start3A_316] : memref<2x16x40x384xf32, #tpu.memory_space<vmem_shared>> -> memref<1x1x40x384xf32, #tpu.memory_space<vmem_shared>>
      %dma_start3A_318 = tpu.memref_squeeze %dma_start3A_317 : memref<1x1x40x384xf32, #tpu.memory_space<vmem_shared>> -> memref<40x384xf32, #tpu.memory_space<vmem_shared>>
      %dma_start3A_319 = arith.constant 0 : i32
      %dma_start3A_320 = arith.constant 0 : i32
      %dma_start3A_321 = tpu.memref_slice %arg6[%run_scoped3A_133, %dma_start3A_319, %dma_start3A_320] : memref<4x40x384xf32, #tpu.memory_space<vmem>> -> memref<1x40x384xf32, #tpu.memory_space<vmem>>
      %dma_start3A_322 = tpu.memref_squeeze %dma_start3A_321 : memref<1x40x384xf32, #tpu.memory_space<vmem>> -> memref<40x384xf32, #tpu.memory_space<vmem>>
      tpu.enqueue_dma source(%dma_start3A_322 : memref<40x384xf32, #tpu.memory_space<vmem>>) target(%dma_start3A_318 : memref<40x384xf32, #tpu.memory_space<vmem_shared>>) target_semaphore(%run_scoped3A_306 : memref<!tpu.dma_semaphore, #tpu.memory_space<semaphore_mem>>)
      %dma_wait3A_323 = arith.constant 0 : i32
      %dma_wait3A_324 = arith.constant 0 : i32
      %dma_wait3A_325 = tpu.memref_slice %arg6[%run_scoped3A_133, %dma_wait3A_323, %dma_wait3A_324] : memref<4x40x384xf32, #tpu.memory_space<vmem>> -> memref<1x40x384xf32, #tpu.memory_space<vmem>>
      %dma_wait3A_326 = tpu.memref_squeeze %dma_wait3A_325 : memref<1x40x384xf32, #tpu.memory_space<vmem>> -> memref<40x384xf32, #tpu.memory_space<vmem>>
      %dma_wait3A_327 = arith.constant 0 : i32
      %dma_wait3A_328 = arith.constant 0 : i32
      %dma_wait3A_329 = tpu.memref_slice %arg7[%run_scoped3A_134, %arg1, %dma_wait3A_327, %dma_wait3A_328] : memref<2x16x40x384xf32, #tpu.memory_space<vmem_shared>> -> memref<1x1x40x384xf32, #tpu.memory_space<vmem_shared>>
      %dma_wait3A_330 = tpu.memref_squeeze %dma_wait3A_329 : memref<1x1x40x384xf32, #tpu.memory_space<vmem_shared>> -> memref<40x384xf32, #tpu.memory_space<vmem_shared>>
      %dma_wait3A_331 = arith.constant 0 : i32
      %dma_wait3A_332 = arith.constant 0 : i32
      %dma_wait3A_333 = tpu.memref_slice %arg7[%run_scoped3A_134, %arg1, %dma_wait3A_331, %dma_wait3A_332] : memref<2x16x40x384xf32, #tpu.memory_space<vmem_shared>> -> memref<1x1x40x384xf32, #tpu.memory_space<vmem_shared>>
      %dma_wait3A_334 = tpu.memref_squeeze %dma_wait3A_333 : memref<1x1x40x384xf32, #tpu.memory_space<vmem_shared>> -> memref<40x384xf32, #tpu.memory_space<vmem_shared>>
      %dma_wait3A_335 = arith.constant 0 : i32
      %dma_wait3A_336 = arith.constant 0 : i32
      %dma_wait3A_337 = tpu.memref_slice %arg6[%run_scoped3A_133, %dma_wait3A_335, %dma_wait3A_336] : memref<4x40x384xf32, #tpu.memory_space<vmem>> -> memref<1x40x384xf32, #tpu.memory_space<vmem>>
      %dma_wait3A_338 = tpu.memref_squeeze %dma_wait3A_337 : memref<1x40x384xf32, #tpu.memory_space<vmem>> -> memref<40x384xf32, #tpu.memory_space<vmem>>
      tpu.wait_dma2 semaphore(%run_scoped3A_306 : memref<!tpu.dma_semaphore, #tpu.memory_space<semaphore_mem>>) src(%dma_wait3A_338 : memref<40x384xf32, #tpu.memory_space<vmem>>) dst(%dma_wait3A_334 : memref<40x384xf32, #tpu.memory_space<vmem_shared>>)
      tpu.yield
    }) : () -> ()
    %dma_start3A_135 = arith.constant 6 : i32
    %dma_start3A_136 = arith.constant 2 : i32
    %dma_start3A_137 = arith.constant 0 : i32
    %dma_start3A_138 = arith.constant 0 : i32
    %dma_start3A_139 = tpu.memref_slice %arg6[%dma_start3A_136, %dma_start3A_137, %dma_start3A_138] : memref<4x40x384xf32, #tpu.memory_space<vmem>> -> memref<1x40x384xf32, #tpu.memory_space<vmem>>
    %dma_start3A_140 = tpu.memref_squeeze %dma_start3A_139 : memref<1x40x384xf32, #tpu.memory_space<vmem>> -> memref<40x384xf32, #tpu.memory_space<vmem>>
    %dma_start3A_141 = arith.constant 0 : i32
    %dma_start3A_142 = tpu.memref_slice %arg5[%dma_start3A_135, %dma_start3A_141] : memref<80x40xi32, #tpu.memory_space<vmem>> -> memref<1x40xi32, #tpu.memory_space<vmem>>
    %dma_start3A_143 = tpu.memref_squeeze %dma_start3A_142 : memref<1x40xi32, #tpu.memory_space<vmem>> -> memref<40xi32, #tpu.memory_space<vmem>>
    %dma_start3A_144 = arith.constant 0 : i32
    %dma_start3A_145 = arith.constant 0 : i32
    %dma_start3A_146 = tpu.memref_slice %arg2[%dma_start3A_144, %dma_start3A_145] : memref<1024x384xf32, #tpu.memory_space<hbm>> -> memref<1024x384xf32, #tpu.memory_space<hbm>>
    tpu.enqueue_indirect_dma source(%dma_start3A_146 : memref<1024x384xf32, #tpu.memory_space<hbm>>) target(%dma_start3A_140 : memref<40x384xf32, #tpu.memory_space<vmem>>) offsets(%dma_start3A_143 : memref<40xi32, #tpu.memory_space<vmem>>) semaphore(%arg10 : memref<!tpu.dma_semaphore, #tpu.memory_space<semaphore_mem>>)
    %barrier3A_147 = arith.constant 0 : index
    tpu.barrier barrier_id(%barrier3A_147)
    %eq3A_148 = arith.constant 0 : i32
    %eq3A_149 = arith.cmpi eq, %arg1, %eq3A_148 : i32
    %convert_element_type3A_150 = arith.extui %eq3A_149 : i1 to i32
    %cond3A_151 = arith.constant 0 : i32
    %cond3A_152 = arith.cmpi ne, %convert_element_type3A_150, %cond3A_151 : i32
    scf.if %cond3A_152 {
      %dma_start3A_306 = arith.constant 0 : i32
      %dma_start3A_307 = arith.constant 2 : i32
      %dma_start3A_308 = arith.constant 0 : i32
      %dma_start3A_309 = arith.constant 0 : i32
      %dma_start3A_310 = arith.constant 0 : i32
      %dma_start3A_311 = tpu.memref_slice %arg4[%dma_start3A_307, %arg0, %dma_start3A_308, %dma_start3A_309, %dma_start3A_310] : memref<80x2x16x40x384xf32, #tpu.memory_space<hbm>> -> memref<1x1x16x40x384xf32, #tpu.memory_space<hbm>>
      %dma_start3A_312 = tpu.memref_squeeze %dma_start3A_311 : memref<1x1x16x40x384xf32, #tpu.memory_space<hbm>> -> memref<16x40x384xf32, #tpu.memory_space<hbm>>
      %dma_start3A_313 = arith.constant 0 : i32
      %dma_start3A_314 = arith.constant 0 : i32
      %dma_start3A_315 = arith.constant 0 : i32
      %dma_start3A_316 = tpu.memref_slice %arg7[%dma_start3A_306, %dma_start3A_313, %dma_start3A_314, %dma_start3A_315] : memref<2x16x40x384xf32, #tpu.memory_space<vmem_shared>> -> memref<1x16x40x384xf32, #tpu.memory_space<vmem_shared>>
      %dma_start3A_317 = tpu.memref_squeeze %dma_start3A_316 : memref<1x16x40x384xf32, #tpu.memory_space<vmem_shared>> -> memref<16x40x384xf32, #tpu.memory_space<vmem_shared>>
      tpu.enqueue_dma source(%dma_start3A_317 : memref<16x40x384xf32, #tpu.memory_space<vmem_shared>>) target(%dma_start3A_312 : memref<16x40x384xf32, #tpu.memory_space<hbm>>) target_semaphore(%arg12 : memref<!tpu.dma_semaphore, #tpu.memory_space<semaphore_mem>>)
    } else {
    }
    %dma_wait3A_153 = arith.constant 0 : i32
    %dma_wait3A_154 = arith.constant 3 : i32
    %dma_wait3A_155 = arith.constant 0 : i32
    %dma_wait3A_156 = arith.constant 0 : i32
    %dma_wait3A_157 = tpu.memref_slice %arg6[%dma_wait3A_154, %dma_wait3A_155, %dma_wait3A_156] : memref<4x40x384xf32, #tpu.memory_space<vmem>> -> memref<1x40x384xf32, #tpu.memory_space<vmem>>
    %dma_wait3A_158 = tpu.memref_squeeze %dma_wait3A_157 : memref<1x40x384xf32, #tpu.memory_space<vmem>> -> memref<40x384xf32, #tpu.memory_space<vmem>>
    %dma_wait3A_159 = arith.constant 0 : i32
    %dma_wait3A_160 = tpu.memref_slice %arg5[%dma_wait3A_153, %dma_wait3A_159] : memref<80x40xi32, #tpu.memory_space<vmem>> -> memref<1x40xi32, #tpu.memory_space<vmem>>
    %dma_wait3A_161 = tpu.memref_squeeze %dma_wait3A_160 : memref<1x40xi32, #tpu.memory_space<vmem>> -> memref<40xi32, #tpu.memory_space<vmem>>
    %dma_wait3A_162 = arith.constant 0 : i32
    %dma_wait3A_163 = arith.constant 0 : i32
    %dma_wait3A_164 = tpu.memref_slice %arg2[%dma_wait3A_162, %dma_wait3A_163] : memref<1024x384xf32, #tpu.memory_space<hbm>> -> memref<1024x384xf32, #tpu.memory_space<hbm>>
    tpu.wait_indirect_dma semaphore(%arg11 : memref<!tpu.dma_semaphore, #tpu.memory_space<semaphore_mem>>) src(%dma_wait3A_164 : memref<1024x384xf32, #tpu.memory_space<hbm>>) dst(%dma_wait3A_158 : memref<40x384xf32, #tpu.memory_space<vmem>>)
    %eq3A_165 = arith.constant 0 : i32
    %eq3A_166 = arith.cmpi eq, %arg1, %eq3A_165 : i32
    %convert_element_type3A_167 = arith.extui %eq3A_166 : i1 to i32
    %cond3A_168 = arith.constant 0 : i32
    %cond3A_169 = arith.cmpi ne, %convert_element_type3A_167, %cond3A_168 : i32
    scf.if %cond3A_169 {
      %dma_wait3A_306 = arith.constant 1 : i32
      %dma_wait3A_307 = arith.constant 0 : i32
      %dma_wait3A_308 = arith.constant 0 : i32
      %dma_wait3A_309 = arith.constant 0 : i32
      %dma_wait3A_310 = arith.constant 0 : i32
      %dma_wait3A_311 = tpu.memref_slice %arg4[%dma_wait3A_307, %arg0, %dma_wait3A_308, %dma_wait3A_309, %dma_wait3A_310] : memref<80x2x16x40x384xf32, #tpu.memory_space<hbm>> -> memref<1x1x16x40x384xf32, #tpu.memory_space<hbm>>
      %dma_wait3A_312 = tpu.memref_squeeze %dma_wait3A_311 : memref<1x1x16x40x384xf32, #tpu.memory_space<hbm>> -> memref<16x40x384xf32, #tpu.memory_space<hbm>>
      %dma_wait3A_313 = arith.constant 0 : i32
      %dma_wait3A_314 = arith.constant 0 : i32
      %dma_wait3A_315 = arith.constant 0 : i32
      %dma_wait3A_316 = tpu.memref_slice %arg7[%dma_wait3A_306, %dma_wait3A_313, %dma_wait3A_314, %dma_wait3A_315] : memref<2x16x40x384xf32, #tpu.memory_space<vmem_shared>> -> memref<1x16x40x384xf32, #tpu.memory_space<vmem_shared>>
      %dma_wait3A_317 = tpu.memref_squeeze %dma_wait3A_316 : memref<1x16x40x384xf32, #tpu.memory_space<vmem_shared>> -> memref<16x40x384xf32, #tpu.memory_space<vmem_shared>>
      tpu.wait_dma2 semaphore(%arg13 : memref<!tpu.dma_semaphore, #tpu.memory_space<semaphore_mem>>) src(%dma_wait3A_317 : memref<16x40x384xf32, #tpu.memory_space<vmem_shared>>) dst(%dma_wait3A_312 : memref<16x40x384xf32, #tpu.memory_space<hbm>>)
    } else {
    }
    %barrier3A_170 = arith.constant 0 : index
    tpu.barrier barrier_id(%barrier3A_170)
    %run_scoped3A_171 = arith.constant 3 : i32
    %run_scoped3A_172 = arith.constant 1 : i32
    "tpu.region"() ({
      %run_scoped3A_306 = tpu.sem_alloc : memref<!tpu.dma_semaphore, #tpu.memory_space<semaphore_mem>>
      %dma_start3A_307 = arith.constant 0 : i32
      %dma_start3A_308 = arith.constant 0 : i32
      %dma_start3A_309 = tpu.memref_slice %arg6[%run_scoped3A_171, %dma_start3A_307, %dma_start3A_308] : memref<4x40x384xf32, #tpu.memory_space<vmem>> -> memref<1x40x384xf32, #tpu.memory_space<vmem>>
      %dma_start3A_310 = tpu.memref_squeeze %dma_start3A_309 : memref<1x40x384xf32, #tpu.memory_space<vmem>> -> memref<40x384xf32, #tpu.memory_space<vmem>>
      %dma_start3A_311 = arith.constant 0 : i32
      %dma_start3A_312 = arith.constant 0 : i32
      %dma_start3A_313 = tpu.memref_slice %arg7[%run_scoped3A_172, %arg1, %dma_start3A_311, %dma_start3A_312] : memref<2x16x40x384xf32, #tpu.memory_space<vmem_shared>> -> memref<1x1x40x384xf32, #tpu.memory_space<vmem_shared>>
      %dma_start3A_314 = tpu.memref_squeeze %dma_start3A_313 : memref<1x1x40x384xf32, #tpu.memory_space<vmem_shared>> -> memref<40x384xf32, #tpu.memory_space<vmem_shared>>
      %dma_start3A_315 = arith.constant 0 : i32
      %dma_start3A_316 = arith.constant 0 : i32
      %dma_start3A_317 = tpu.memref_slice %arg7[%run_scoped3A_172, %arg1, %dma_start3A_315, %dma_start3A_316] : memref<2x16x40x384xf32, #tpu.memory_space<vmem_shared>> -> memref<1x1x40x384xf32, #tpu.memory_space<vmem_shared>>
      %dma_start3A_318 = tpu.memref_squeeze %dma_start3A_317 : memref<1x1x40x384xf32, #tpu.memory_space<vmem_shared>> -> memref<40x384xf32, #tpu.memory_space<vmem_shared>>
      %dma_start3A_319 = arith.constant 0 : i32
      %dma_start3A_320 = arith.constant 0 : i32
      %dma_start3A_321 = tpu.memref_slice %arg6[%run_scoped3A_171, %dma_start3A_319, %dma_start3A_320] : memref<4x40x384xf32, #tpu.memory_space<vmem>> -> memref<1x40x384xf32, #tpu.memory_space<vmem>>
      %dma_start3A_322 = tpu.memref_squeeze %dma_start3A_321 : memref<1x40x384xf32, #tpu.memory_space<vmem>> -> memref<40x384xf32, #tpu.memory_space<vmem>>
      tpu.enqueue_dma source(%dma_start3A_322 : memref<40x384xf32, #tpu.memory_space<vmem>>) target(%dma_start3A_318 : memref<40x384xf32, #tpu.memory_space<vmem_shared>>) target_semaphore(%run_scoped3A_306 : memref<!tpu.dma_semaphore, #tpu.memory_space<semaphore_mem>>)
      %dma_wait3A_323 = arith.constant 0 : i32
      %dma_wait3A_324 = arith.constant 0 : i32
      %dma_wait3A_325 = tpu.memref_slice %arg6[%run_scoped3A_171, %dma_wait3A_323, %dma_wait3A_324] : memref<4x40x384xf32, #tpu.memory_space<vmem>> -> memref<1x40x384xf32, #tpu.memory_space<vmem>>
      %dma_wait3A_326 = tpu.memref_squeeze %dma_wait3A_325 : memref<1x40x384xf32, #tpu.memory_space<vmem>> -> memref<40x384xf32, #tpu.memory_space<vmem>>
      %dma_wait3A_327 = arith.constant 0 : i32
      %dma_wait3A_328 = arith.constant 0 : i32
      %dma_wait3A_329 = tpu.memref_slice %arg7[%run_scoped3A_172, %arg1, %dma_wait3A_327, %dma_wait3A_328] : memref<2x16x40x384xf32, #tpu.memory_space<vmem_shared>> -> memref<1x1x40x384xf32, #tpu.memory_space<vmem_shared>>
      %dma_wait3A_330 = tpu.memref_squeeze %dma_wait3A_329 : memref<1x1x40x384xf32, #tpu.memory_space<vmem_shared>> -> memref<40x384xf32, #tpu.memory_space<vmem_shared>>
      %dma_wait3A_331 = arith.constant 0 : i32
      %dma_wait3A_332 = arith.constant 0 : i32
      %dma_wait3A_333 = tpu.memref_slice %arg7[%run_scoped3A_172, %arg1, %dma_wait3A_331, %dma_wait3A_332] : memref<2x16x40x384xf32, #tpu.memory_space<vmem_shared>> -> memref<1x1x40x384xf32, #tpu.memory_space<vmem_shared>>
      %dma_wait3A_334 = tpu.memref_squeeze %dma_wait3A_333 : memref<1x1x40x384xf32, #tpu.memory_space<vmem_shared>> -> memref<40x384xf32, #tpu.memory_space<vmem_shared>>
      %dma_wait3A_335 = arith.constant 0 : i32
      %dma_wait3A_336 = arith.constant 0 : i32
      %dma_wait3A_337 = tpu.memref_slice %arg6[%run_scoped3A_171, %dma_wait3A_335, %dma_wait3A_336] : memref<4x40x384xf32, #tpu.memory_space<vmem>> -> memref<1x40x384xf32, #tpu.memory_space<vmem>>
      %dma_wait3A_338 = tpu.memref_squeeze %dma_wait3A_337 : memref<1x40x384xf32, #tpu.memory_space<vmem>> -> memref<40x384xf32, #tpu.memory_space<vmem>>
      tpu.wait_dma2 semaphore(%run_scoped3A_306 : memref<!tpu.dma_semaphore, #tpu.memory_space<semaphore_mem>>) src(%dma_wait3A_338 : memref<40x384xf32, #tpu.memory_space<vmem>>) dst(%dma_wait3A_334 : memref<40x384xf32, #tpu.memory_space<vmem_shared>>)
      tpu.yield
    }) : () -> ()
    %dma_start3A_173 = arith.constant 7 : i32
    %dma_start3A_174 = arith.constant 3 : i32
    %dma_start3A_175 = arith.constant 0 : i32
    %dma_start3A_176 = arith.constant 0 : i32
    %dma_start3A_177 = tpu.memref_slice %arg6[%dma_start3A_174, %dma_start3A_175, %dma_start3A_176] : memref<4x40x384xf32, #tpu.memory_space<vmem>> -> memref<1x40x384xf32, #tpu.memory_space<vmem>>
    %dma_start3A_178 = tpu.memref_squeeze %dma_start3A_177 : memref<1x40x384xf32, #tpu.memory_space<vmem>> -> memref<40x384xf32, #tpu.memory_space<vmem>>
    %dma_start3A_179 = arith.constant 0 : i32
    %dma_start3A_180 = tpu.memref_slice %arg5[%dma_start3A_173, %dma_start3A_179] : memref<80x40xi32, #tpu.memory_space<vmem>> -> memref<1x40xi32, #tpu.memory_space<vmem>>
    %dma_start3A_181 = tpu.memref_squeeze %dma_start3A_180 : memref<1x40xi32, #tpu.memory_space<vmem>> -> memref<40xi32, #tpu.memory_space<vmem>>
    %dma_start3A_182 = arith.constant 0 : i32
    %dma_start3A_183 = arith.constant 0 : i32
    %dma_start3A_184 = tpu.memref_slice %arg2[%dma_start3A_182, %dma_start3A_183] : memref<1024x384xf32, #tpu.memory_space<hbm>> -> memref<1024x384xf32, #tpu.memory_space<hbm>>
    tpu.enqueue_indirect_dma source(%dma_start3A_184 : memref<1024x384xf32, #tpu.memory_space<hbm>>) target(%dma_start3A_178 : memref<40x384xf32, #tpu.memory_space<vmem>>) offsets(%dma_start3A_181 : memref<40xi32, #tpu.memory_space<vmem>>) semaphore(%arg11 : memref<!tpu.dma_semaphore, #tpu.memory_space<semaphore_mem>>)
    %barrier3A_185 = arith.constant 0 : index
    tpu.barrier barrier_id(%barrier3A_185)
    %eq3A_186 = arith.constant 0 : i32
    %eq3A_187 = arith.cmpi eq, %arg1, %eq3A_186 : i32
    %convert_element_type3A_188 = arith.extui %eq3A_187 : i1 to i32
    %cond3A_189 = arith.constant 0 : i32
    %cond3A_190 = arith.cmpi ne, %convert_element_type3A_188, %cond3A_189 : i32
    scf.if %cond3A_190 {
      %dma_start3A_306 = arith.constant 1 : i32
      %dma_start3A_307 = arith.constant 3 : i32
      %dma_start3A_308 = arith.constant 0 : i32
      %dma_start3A_309 = arith.constant 0 : i32
      %dma_start3A_310 = arith.constant 0 : i32
      %dma_start3A_311 = tpu.memref_slice %arg4[%dma_start3A_307, %arg0, %dma_start3A_308, %dma_start3A_309, %dma_start3A_310] : memref<80x2x16x40x384xf32, #tpu.memory_space<hbm>> -> memref<1x1x16x40x384xf32, #tpu.memory_space<hbm>>
      %dma_start3A_312 = tpu.memref_squeeze %dma_start3A_311 : memref<1x1x16x40x384xf32, #tpu.memory_space<hbm>> -> memref<16x40x384xf32, #tpu.memory_space<hbm>>
      %dma_start3A_313 = arith.constant 0 : i32
      %dma_start3A_314 = arith.constant 0 : i32
      %dma_start3A_315 = arith.constant 0 : i32
      %dma_start3A_316 = tpu.memref_slice %arg7[%dma_start3A_306, %dma_start3A_313, %dma_start3A_314, %dma_start3A_315] : memref<2x16x40x384xf32, #tpu.memory_space<vmem_shared>> -> memref<1x16x40x384xf32, #tpu.memory_space<vmem_shared>>
      %dma_start3A_317 = tpu.memref_squeeze %dma_start3A_316 : memref<1x16x40x384xf32, #tpu.memory_space<vmem_shared>> -> memref<16x40x384xf32, #tpu.memory_space<vmem_shared>>
      tpu.enqueue_dma source(%dma_start3A_317 : memref<16x40x384xf32, #tpu.memory_space<vmem_shared>>) target(%dma_start3A_312 : memref<16x40x384xf32, #tpu.memory_space<hbm>>) target_semaphore(%arg13 : memref<!tpu.dma_semaphore, #tpu.memory_space<semaphore_mem>>)
    } else {
    }
    %scan3A_191 = arith.constant 0 : i32
    %scan3A_192 = arith.constant 18 : i32
    %scan3A_193 = arith.addi %scan3A_191, %scan3A_192 : i32
    %scan3A_194 = arith.constant 1 : i32
    scf.for %scan3A_306 = %scan3A_191 to %scan3A_193 step %scan3A_194  : i32 {
      %mul3A_307 = arith.constant 4 : i32
      %mul3A_308 = arith.muli %scan3A_306, %mul3A_307 : i32
      %add3A = arith.constant 4 : i32
      %add3A_309 = arith.addi %add3A, %mul3A_308 : i32
      %add3A_310 = arith.constant 0 : i32
      %add3A_311 = arith.addi %add3A_309, %add3A_310 : i32
      %dma_wait3A_312 = arith.constant 0 : i32
      %dma_wait3A_313 = arith.constant 0 : i32
      %dma_wait3A_314 = arith.constant 0 : i32
      %dma_wait3A_315 = arith.constant 0 : i32
      %dma_wait3A_316 = tpu.memref_slice %arg6[%dma_wait3A_313, %dma_wait3A_314, %dma_wait3A_315] : memref<4x40x384xf32, #tpu.memory_space<vmem>> -> memref<1x40x384xf32, #tpu.memory_space<vmem>>
      %dma_wait3A_317 = tpu.memref_squeeze %dma_wait3A_316 : memref<1x40x384xf32, #tpu.memory_space<vmem>> -> memref<40x384xf32, #tpu.memory_space<vmem>>
      %dma_wait3A_318 = arith.constant 0 : i32
      %dma_wait3A_319 = tpu.memref_slice %arg5[%dma_wait3A_312, %dma_wait3A_318] : memref<80x40xi32, #tpu.memory_space<vmem>> -> memref<1x40xi32, #tpu.memory_space<vmem>>
      %dma_wait3A_320 = tpu.memref_squeeze %dma_wait3A_319 : memref<1x40xi32, #tpu.memory_space<vmem>> -> memref<40xi32, #tpu.memory_space<vmem>>
      %dma_wait3A_321 = arith.constant 0 : i32
      %dma_wait3A_322 = arith.constant 0 : i32
      %dma_wait3A_323 = tpu.memref_slice %arg2[%dma_wait3A_321, %dma_wait3A_322] : memref<1024x384xf32, #tpu.memory_space<hbm>> -> memref<1024x384xf32, #tpu.memory_space<hbm>>
      tpu.wait_indirect_dma semaphore(%arg8 : memref<!tpu.dma_semaphore, #tpu.memory_space<semaphore_mem>>) src(%dma_wait3A_323 : memref<1024x384xf32, #tpu.memory_space<hbm>>) dst(%dma_wait3A_317 : memref<40x384xf32, #tpu.memory_space<vmem>>)
      %eq3A_324 = arith.constant 0 : i32
      %eq3A_325 = arith.cmpi eq, %arg1, %eq3A_324 : i32
      %convert_element_type3A_326 = arith.extui %eq3A_325 : i1 to i32
      %cond3A_327 = arith.constant 0 : i32
      %cond3A_328 = arith.cmpi ne, %convert_element_type3A_326, %cond3A_327 : i32
      scf.if %cond3A_328 {
        %dma_wait3A_474 = arith.constant 0 : i32
        %dma_wait3A_475 = arith.constant 0 : i32
        %dma_wait3A_476 = arith.constant 0 : i32
        %dma_wait3A_477 = arith.constant 0 : i32
        %dma_wait3A_478 = arith.constant 0 : i32
        %dma_wait3A_479 = tpu.memref_slice %arg4[%dma_wait3A_475, %arg0, %dma_wait3A_476, %dma_wait3A_477, %dma_wait3A_478] : memref<80x2x16x40x384xf32, #tpu.memory_space<hbm>> -> memref<1x1x16x40x384xf32, #tpu.memory_space<hbm>>
        %dma_wait3A_480 = tpu.memref_squeeze %dma_wait3A_479 : memref<1x1x16x40x384xf32, #tpu.memory_space<hbm>> -> memref<16x40x384xf32, #tpu.memory_space<hbm>>
        %dma_wait3A_481 = arith.constant 0 : i32
        %dma_wait3A_482 = arith.constant 0 : i32
        %dma_wait3A_483 = arith.constant 0 : i32
        %dma_wait3A_484 = tpu.memref_slice %arg7[%dma_wait3A_474, %dma_wait3A_481, %dma_wait3A_482, %dma_wait3A_483] : memref<2x16x40x384xf32, #tpu.memory_space<vmem_shared>> -> memref<1x16x40x384xf32, #tpu.memory_space<vmem_shared>>
        %dma_wait3A_485 = tpu.memref_squeeze %dma_wait3A_484 : memref<1x16x40x384xf32, #tpu.memory_space<vmem_shared>> -> memref<16x40x384xf32, #tpu.memory_space<vmem_shared>>
        tpu.wait_dma2 semaphore(%arg12 : memref<!tpu.dma_semaphore, #tpu.memory_space<semaphore_mem>>) src(%dma_wait3A_485 : memref<16x40x384xf32, #tpu.memory_space<vmem_shared>>) dst(%dma_wait3A_480 : memref<16x40x384xf32, #tpu.memory_space<hbm>>)
      } else {
      }
      %barrier3A_329 = arith.constant 0 : index
      tpu.barrier barrier_id(%barrier3A_329)
      %run_scoped3A_330 = arith.constant 0 : i32
      %run_scoped3A_331 = arith.constant 0 : i32
      "tpu.region"() ({
        %run_scoped3A_474 = tpu.sem_alloc : memref<!tpu.dma_semaphore, #tpu.memory_space<semaphore_mem>>
        %dma_start3A_475 = arith.constant 0 : i32
        %dma_start3A_476 = arith.constant 0 : i32
        %dma_start3A_477 = tpu.memref_slice %arg6[%run_scoped3A_330, %dma_start3A_475, %dma_start3A_476] : memref<4x40x384xf32, #tpu.memory_space<vmem>> -> memref<1x40x384xf32, #tpu.memory_space<vmem>>
        %dma_start3A_478 = tpu.memref_squeeze %dma_start3A_477 : memref<1x40x384xf32, #tpu.memory_space<vmem>> -> memref<40x384xf32, #tpu.memory_space<vmem>>
        %dma_start3A_479 = arith.constant 0 : i32
        %dma_start3A_480 = arith.constant 0 : i32
        %dma_start3A_481 = tpu.memref_slice %arg7[%run_scoped3A_331, %arg1, %dma_start3A_479, %dma_start3A_480] : memref<2x16x40x384xf32, #tpu.memory_space<vmem_shared>> -> memref<1x1x40x384xf32, #tpu.memory_space<vmem_shared>>
        %dma_start3A_482 = tpu.memref_squeeze %dma_start3A_481 : memref<1x1x40x384xf32, #tpu.memory_space<vmem_shared>> -> memref<40x384xf32, #tpu.memory_space<vmem_shared>>
        %dma_start3A_483 = arith.constant 0 : i32
        %dma_start3A_484 = arith.constant 0 : i32
        %dma_start3A_485 = tpu.memref_slice %arg7[%run_scoped3A_331, %arg1, %dma_start3A_483, %dma_start3A_484] : memref<2x16x40x384xf32, #tpu.memory_space<vmem_shared>> -> memref<1x1x40x384xf32, #tpu.memory_space<vmem_shared>>
        %dma_start3A_486 = tpu.memref_squeeze %dma_start3A_485 : memref<1x1x40x384xf32, #tpu.memory_space<vmem_shared>> -> memref<40x384xf32, #tpu.memory_space<vmem_shared>>
        %dma_start3A_487 = arith.constant 0 : i32
        %dma_start3A_488 = arith.constant 0 : i32
        %dma_start3A_489 = tpu.memref_slice %arg6[%run_scoped3A_330, %dma_start3A_487, %dma_start3A_488] : memref<4x40x384xf32, #tpu.memory_space<vmem>> -> memref<1x40x384xf32, #tpu.memory_space<vmem>>
        %dma_start3A_490 = tpu.memref_squeeze %dma_start3A_489 : memref<1x40x384xf32, #tpu.memory_space<vmem>> -> memref<40x384xf32, #tpu.memory_space<vmem>>
        tpu.enqueue_dma source(%dma_start3A_490 : memref<40x384xf32, #tpu.memory_space<vmem>>) target(%dma_start3A_486 : memref<40x384xf32, #tpu.memory_space<vmem_shared>>) target_semaphore(%run_scoped3A_474 : memref<!tpu.dma_semaphore, #tpu.memory_space<semaphore_mem>>)
        %dma_wait3A_491 = arith.constant 0 : i32
        %dma_wait3A_492 = arith.constant 0 : i32
        %dma_wait3A_493 = tpu.memref_slice %arg6[%run_scoped3A_330, %dma_wait3A_491, %dma_wait3A_492] : memref<4x40x384xf32, #tpu.memory_space<vmem>> -> memref<1x40x384xf32, #tpu.memory_space<vmem>>
        %dma_wait3A_494 = tpu.memref_squeeze %dma_wait3A_493 : memref<1x40x384xf32, #tpu.memory_space<vmem>> -> memref<40x384xf32, #tpu.memory_space<vmem>>
        %dma_wait3A_495 = arith.constant 0 : i32
        %dma_wait3A_496 = arith.constant 0 : i32
        %dma_wait3A_497 = tpu.memref_slice %arg7[%run_scoped3A_331, %arg1, %dma_wait3A_495, %dma_wait3A_496] : memref<2x16x40x384xf32, #tpu.memory_space<vmem_shared>> -> memref<1x1x40x384xf32, #tpu.memory_space<vmem_shared>>
        %dma_wait3A_498 = tpu.memref_squeeze %dma_wait3A_497 : memref<1x1x40x384xf32, #tpu.memory_space<vmem_shared>> -> memref<40x384xf32, #tpu.memory_space<vmem_shared>>
        %dma_wait3A_499 = arith.constant 0 : i32
        %dma_wait3A_500 = arith.constant 0 : i32
        %dma_wait3A_501 = tpu.memref_slice %arg7[%run_scoped3A_331, %arg1, %dma_wait3A_499, %dma_wait3A_500] : memref<2x16x40x384xf32, #tpu.memory_space<vmem_shared>> -> memref<1x1x40x384xf32, #tpu.memory_space<vmem_shared>>
        %dma_wait3A_502 = tpu.memref_squeeze %dma_wait3A_501 : memref<1x1x40x384xf32, #tpu.memory_space<vmem_shared>> -> memref<40x384xf32, #tpu.memory_space<vmem_shared>>
        %dma_wait3A_503 = arith.constant 0 : i32
        %dma_wait3A_504 = arith.constant 0 : i32
        %dma_wait3A_505 = tpu.memref_slice %arg6[%run_scoped3A_330, %dma_wait3A_503, %dma_wait3A_504] : memref<4x40x384xf32, #tpu.memory_space<vmem>> -> memref<1x40x384xf32, #tpu.memory_space<vmem>>
        %dma_wait3A_506 = tpu.memref_squeeze %dma_wait3A_505 : memref<1x40x384xf32, #tpu.memory_space<vmem>> -> memref<40x384xf32, #tpu.memory_space<vmem>>
        tpu.wait_dma2 semaphore(%run_scoped3A_474 : memref<!tpu.dma_semaphore, #tpu.memory_space<semaphore_mem>>) src(%dma_wait3A_506 : memref<40x384xf32, #tpu.memory_space<vmem>>) dst(%dma_wait3A_502 : memref<40x384xf32, #tpu.memory_space<vmem_shared>>)
        tpu.yield
      }) : () -> ()
      %add3A_332 = arith.constant 4 : i32
      %add3A_333 = arith.addi %add3A_311, %add3A_332 : i32
      %dma_start3A_334 = arith.constant 0 : i32
      %dma_start3A_335 = arith.constant 0 : i32
      %dma_start3A_336 = arith.constant 0 : i32
      %dma_start3A_337 = tpu.memref_slice %arg6[%dma_start3A_334, %dma_start3A_335, %dma_start3A_336] : memref<4x40x384xf32, #tpu.memory_space<vmem>> -> memref<1x40x384xf32, #tpu.memory_space<vmem>>
      %dma_start3A_338 = tpu.memref_squeeze %dma_start3A_337 : memref<1x40x384xf32, #tpu.memory_space<vmem>> -> memref<40x384xf32, #tpu.memory_space<vmem>>
      %dma_start3A_339 = arith.constant 0 : i32
      %dma_start3A_340 = tpu.memref_slice %arg5[%add3A_333, %dma_start3A_339] : memref<80x40xi32, #tpu.memory_space<vmem>> -> memref<1x40xi32, #tpu.memory_space<vmem>>
      %dma_start3A_341 = tpu.memref_squeeze %dma_start3A_340 : memref<1x40xi32, #tpu.memory_space<vmem>> -> memref<40xi32, #tpu.memory_space<vmem>>
      %dma_start3A_342 = arith.constant 0 : i32
      %dma_start3A_343 = arith.constant 0 : i32
      %dma_start3A_344 = tpu.memref_slice %arg2[%dma_start3A_342, %dma_start3A_343] : memref<1024x384xf32, #tpu.memory_space<hbm>> -> memref<1024x384xf32, #tpu.memory_space<hbm>>
      tpu.enqueue_indirect_dma source(%dma_start3A_344 : memref<1024x384xf32, #tpu.memory_space<hbm>>) target(%dma_start3A_338 : memref<40x384xf32, #tpu.memory_space<vmem>>) offsets(%dma_start3A_341 : memref<40xi32, #tpu.memory_space<vmem>>) semaphore(%arg8 : memref<!tpu.dma_semaphore, #tpu.memory_space<semaphore_mem>>)
      %barrier3A_345 = arith.constant 0 : index
      tpu.barrier barrier_id(%barrier3A_345)
      %eq3A_346 = arith.constant 0 : i32
      %eq3A_347 = arith.cmpi eq, %arg1, %eq3A_346 : i32
      %convert_element_type3A_348 = arith.extui %eq3A_347 : i1 to i32
      %cond3A_349 = arith.constant 0 : i32
      %cond3A_350 = arith.cmpi ne, %convert_element_type3A_348, %cond3A_349 : i32
      scf.if %cond3A_350 {
        %dma_start3A_474 = arith.constant 0 : i32
        %dma_start3A_475 = arith.constant 0 : i32
        %dma_start3A_476 = arith.constant 0 : i32
        %dma_start3A_477 = arith.constant 0 : i32
        %dma_start3A_478 = tpu.memref_slice %arg4[%add3A_311, %arg0, %dma_start3A_475, %dma_start3A_476, %dma_start3A_477] : memref<80x2x16x40x384xf32, #tpu.memory_space<hbm>> -> memref<1x1x16x40x384xf32, #tpu.memory_space<hbm>>
        %dma_start3A_479 = tpu.memref_squeeze %dma_start3A_478 : memref<1x1x16x40x384xf32, #tpu.memory_space<hbm>> -> memref<16x40x384xf32, #tpu.memory_space<hbm>>
        %dma_start3A_480 = arith.constant 0 : i32
        %dma_start3A_481 = arith.constant 0 : i32
        %dma_start3A_482 = arith.constant 0 : i32
        %dma_start3A_483 = tpu.memref_slice %arg7[%dma_start3A_474, %dma_start3A_480, %dma_start3A_481, %dma_start3A_482] : memref<2x16x40x384xf32, #tpu.memory_space<vmem_shared>> -> memref<1x16x40x384xf32, #tpu.memory_space<vmem_shared>>
        %dma_start3A_484 = tpu.memref_squeeze %dma_start3A_483 : memref<1x16x40x384xf32, #tpu.memory_space<vmem_shared>> -> memref<16x40x384xf32, #tpu.memory_space<vmem_shared>>
        tpu.enqueue_dma source(%dma_start3A_484 : memref<16x40x384xf32, #tpu.memory_space<vmem_shared>>) target(%dma_start3A_479 : memref<16x40x384xf32, #tpu.memory_space<hbm>>) target_semaphore(%arg12 : memref<!tpu.dma_semaphore, #tpu.memory_space<semaphore_mem>>)
      } else {
      }
      %add3A_351 = arith.constant 1 : i32
      %add3A_352 = arith.addi %add3A_309, %add3A_351 : i32
      %dma_wait3A_353 = arith.constant 0 : i32
      %dma_wait3A_354 = arith.constant 1 : i32
      %dma_wait3A_355 = arith.constant 0 : i32
      %dma_wait3A_356 = arith.constant 0 : i32
      %dma_wait3A_357 = tpu.memref_slice %arg6[%dma_wait3A_354, %dma_wait3A_355, %dma_wait3A_356] : memref<4x40x384xf32, #tpu.memory_space<vmem>> -> memref<1x40x384xf32, #tpu.memory_space<vmem>>
      %dma_wait3A_358 = tpu.memref_squeeze %dma_wait3A_357 : memref<1x40x384xf32, #tpu.memory_space<vmem>> -> memref<40x384xf32, #tpu.memory_space<vmem>>
      %dma_wait3A_359 = arith.constant 0 : i32
      %dma_wait3A_360 = tpu.memref_slice %arg5[%dma_wait3A_353, %dma_wait3A_359] : memref<80x40xi32, #tpu.memory_space<vmem>> -> memref<1x40xi32, #tpu.memory_space<vmem>>
      %dma_wait3A_361 = tpu.memref_squeeze %dma_wait3A_360 : memref<1x40xi32, #tpu.memory_space<vmem>> -> memref<40xi32, #tpu.memory_space<vmem>>
      %dma_wait3A_362 = arith.constant 0 : i32
      %dma_wait3A_363 = arith.constant 0 : i32
      %dma_wait3A_364 = tpu.memref_slice %arg2[%dma_wait3A_362, %dma_wait3A_363] : memref<1024x384xf32, #tpu.memory_space<hbm>> -> memref<1024x384xf32, #tpu.memory_space<hbm>>
      tpu.wait_indirect_dma semaphore(%arg9 : memref<!tpu.dma_semaphore, #tpu.memory_space<semaphore_mem>>) src(%dma_wait3A_364 : memref<1024x384xf32, #tpu.memory_space<hbm>>) dst(%dma_wait3A_358 : memref<40x384xf32, #tpu.memory_space<vmem>>)
      %eq3A_365 = arith.constant 0 : i32
      %eq3A_366 = arith.cmpi eq, %arg1, %eq3A_365 : i32
      %convert_element_type3A_367 = arith.extui %eq3A_366 : i1 to i32
      %cond3A_368 = arith.constant 0 : i32
      %cond3A_369 = arith.cmpi ne, %convert_element_type3A_367, %cond3A_368 : i32
      scf.if %cond3A_369 {
        %dma_wait3A_474 = arith.constant 1 : i32
        %dma_wait3A_475 = arith.constant 0 : i32
        %dma_wait3A_476 = arith.constant 0 : i32
        %dma_wait3A_477 = arith.constant 0 : i32
        %dma_wait3A_478 = arith.constant 0 : i32
        %dma_wait3A_479 = tpu.memref_slice %arg4[%dma_wait3A_475, %arg0, %dma_wait3A_476, %dma_wait3A_477, %dma_wait3A_478] : memref<80x2x16x40x384xf32, #tpu.memory_space<hbm>> -> memref<1x1x16x40x384xf32, #tpu.memory_space<hbm>>
        %dma_wait3A_480 = tpu.memref_squeeze %dma_wait3A_479 : memref<1x1x16x40x384xf32, #tpu.memory_space<hbm>> -> memref<16x40x384xf32, #tpu.memory_space<hbm>>
        %dma_wait3A_481 = arith.constant 0 : i32
        %dma_wait3A_482 = arith.constant 0 : i32
        %dma_wait3A_483 = arith.constant 0 : i32
        %dma_wait3A_484 = tpu.memref_slice %arg7[%dma_wait3A_474, %dma_wait3A_481, %dma_wait3A_482, %dma_wait3A_483] : memref<2x16x40x384xf32, #tpu.memory_space<vmem_shared>> -> memref<1x16x40x384xf32, #tpu.memory_space<vmem_shared>>
        %dma_wait3A_485 = tpu.memref_squeeze %dma_wait3A_484 : memref<1x16x40x384xf32, #tpu.memory_space<vmem_shared>> -> memref<16x40x384xf32, #tpu.memory_space<vmem_shared>>
        tpu.wait_dma2 semaphore(%arg13 : memref<!tpu.dma_semaphore, #tpu.memory_space<semaphore_mem>>) src(%dma_wait3A_485 : memref<16x40x384xf32, #tpu.memory_space<vmem_shared>>) dst(%dma_wait3A_480 : memref<16x40x384xf32, #tpu.memory_space<hbm>>)
      } else {
      }
      %barrier3A_370 = arith.constant 0 : index
      tpu.barrier barrier_id(%barrier3A_370)
      %run_scoped3A_371 = arith.constant 1 : i32
      %run_scoped3A_372 = arith.constant 1 : i32
      "tpu.region"() ({
        %run_scoped3A_474 = tpu.sem_alloc : memref<!tpu.dma_semaphore, #tpu.memory_space<semaphore_mem>>
        %dma_start3A_475 = arith.constant 0 : i32
        %dma_start3A_476 = arith.constant 0 : i32
        %dma_start3A_477 = tpu.memref_slice %arg6[%run_scoped3A_371, %dma_start3A_475, %dma_start3A_476] : memref<4x40x384xf32, #tpu.memory_space<vmem>> -> memref<1x40x384xf32, #tpu.memory_space<vmem>>
        %dma_start3A_478 = tpu.memref_squeeze %dma_start3A_477 : memref<1x40x384xf32, #tpu.memory_space<vmem>> -> memref<40x384xf32, #tpu.memory_space<vmem>>
        %dma_start3A_479 = arith.constant 0 : i32
        %dma_start3A_480 = arith.constant 0 : i32
        %dma_start3A_481 = tpu.memref_slice %arg7[%run_scoped3A_372, %arg1, %dma_start3A_479, %dma_start3A_480] : memref<2x16x40x384xf32, #tpu.memory_space<vmem_shared>> -> memref<1x1x40x384xf32, #tpu.memory_space<vmem_shared>>
        %dma_start3A_482 = tpu.memref_squeeze %dma_start3A_481 : memref<1x1x40x384xf32, #tpu.memory_space<vmem_shared>> -> memref<40x384xf32, #tpu.memory_space<vmem_shared>>
        %dma_start3A_483 = arith.constant 0 : i32
        %dma_start3A_484 = arith.constant 0 : i32
        %dma_start3A_485 = tpu.memref_slice %arg7[%run_scoped3A_372, %arg1, %dma_start3A_483, %dma_start3A_484] : memref<2x16x40x384xf32, #tpu.memory_space<vmem_shared>> -> memref<1x1x40x384xf32, #tpu.memory_space<vmem_shared>>
        %dma_start3A_486 = tpu.memref_squeeze %dma_start3A_485 : memref<1x1x40x384xf32, #tpu.memory_space<vmem_shared>> -> memref<40x384xf32, #tpu.memory_space<vmem_shared>>
        %dma_start3A_487 = arith.constant 0 : i32
        %dma_start3A_488 = arith.constant 0 : i32
        %dma_start3A_489 = tpu.memref_slice %arg6[%run_scoped3A_371, %dma_start3A_487, %dma_start3A_488] : memref<4x40x384xf32, #tpu.memory_space<vmem>> -> memref<1x40x384xf32, #tpu.memory_space<vmem>>
        %dma_start3A_490 = tpu.memref_squeeze %dma_start3A_489 : memref<1x40x384xf32, #tpu.memory_space<vmem>> -> memref<40x384xf32, #tpu.memory_space<vmem>>
        tpu.enqueue_dma source(%dma_start3A_490 : memref<40x384xf32, #tpu.memory_space<vmem>>) target(%dma_start3A_486 : memref<40x384xf32, #tpu.memory_space<vmem_shared>>) target_semaphore(%run_scoped3A_474 : memref<!tpu.dma_semaphore, #tpu.memory_space<semaphore_mem>>)
        %dma_wait3A_491 = arith.constant 0 : i32
        %dma_wait3A_492 = arith.constant 0 : i32
        %dma_wait3A_493 = tpu.memref_slice %arg6[%run_scoped3A_371, %dma_wait3A_491, %dma_wait3A_492] : memref<4x40x384xf32, #tpu.memory_space<vmem>> -> memref<1x40x384xf32, #tpu.memory_space<vmem>>
        %dma_wait3A_494 = tpu.memref_squeeze %dma_wait3A_493 : memref<1x40x384xf32, #tpu.memory_space<vmem>> -> memref<40x384xf32, #tpu.memory_space<vmem>>
        %dma_wait3A_495 = arith.constant 0 : i32
        %dma_wait3A_496 = arith.constant 0 : i32
        %dma_wait3A_497 = tpu.memref_slice %arg7[%run_scoped3A_372, %arg1, %dma_wait3A_495, %dma_wait3A_496] : memref<2x16x40x384xf32, #tpu.memory_space<vmem_shared>> -> memref<1x1x40x384xf32, #tpu.memory_space<vmem_shared>>
        %dma_wait3A_498 = tpu.memref_squeeze %dma_wait3A_497 : memref<1x1x40x384xf32, #tpu.memory_space<vmem_shared>> -> memref<40x384xf32, #tpu.memory_space<vmem_shared>>
        %dma_wait3A_499 = arith.constant 0 : i32
        %dma_wait3A_500 = arith.constant 0 : i32
        %dma_wait3A_501 = tpu.memref_slice %arg7[%run_scoped3A_372, %arg1, %dma_wait3A_499, %dma_wait3A_500] : memref<2x16x40x384xf32, #tpu.memory_space<vmem_shared>> -> memref<1x1x40x384xf32, #tpu.memory_space<vmem_shared>>
        %dma_wait3A_502 = tpu.memref_squeeze %dma_wait3A_501 : memref<1x1x40x384xf32, #tpu.memory_space<vmem_shared>> -> memref<40x384xf32, #tpu.memory_space<vmem_shared>>
        %dma_wait3A_503 = arith.constant 0 : i32
        %dma_wait3A_504 = arith.constant 0 : i32
        %dma_wait3A_505 = tpu.memref_slice %arg6[%run_scoped3A_371, %dma_wait3A_503, %dma_wait3A_504] : memref<4x40x384xf32, #tpu.memory_space<vmem>> -> memref<1x40x384xf32, #tpu.memory_space<vmem>>
        %dma_wait3A_506 = tpu.memref_squeeze %dma_wait3A_505 : memref<1x40x384xf32, #tpu.memory_space<vmem>> -> memref<40x384xf32, #tpu.memory_space<vmem>>
        tpu.wait_dma2 semaphore(%run_scoped3A_474 : memref<!tpu.dma_semaphore, #tpu.memory_space<semaphore_mem>>) src(%dma_wait3A_506 : memref<40x384xf32, #tpu.memory_space<vmem>>) dst(%dma_wait3A_502 : memref<40x384xf32, #tpu.memory_space<vmem_shared>>)
        tpu.yield
      }) : () -> ()
      %add3A_373 = arith.constant 4 : i32
      %add3A_374 = arith.addi %add3A_352, %add3A_373 : i32
      %dma_start3A_375 = arith.constant 1 : i32
      %dma_start3A_376 = arith.constant 0 : i32
      %dma_start3A_377 = arith.constant 0 : i32
      %dma_start3A_378 = tpu.memref_slice %arg6[%dma_start3A_375, %dma_start3A_376, %dma_start3A_377] : memref<4x40x384xf32, #tpu.memory_space<vmem>> -> memref<1x40x384xf32, #tpu.memory_space<vmem>>
      %dma_start3A_379 = tpu.memref_squeeze %dma_start3A_378 : memref<1x40x384xf32, #tpu.memory_space<vmem>> -> memref<40x384xf32, #tpu.memory_space<vmem>>
      %dma_start3A_380 = arith.constant 0 : i32
      %dma_start3A_381 = tpu.memref_slice %arg5[%add3A_374, %dma_start3A_380] : memref<80x40xi32, #tpu.memory_space<vmem>> -> memref<1x40xi32, #tpu.memory_space<vmem>>
      %dma_start3A_382 = tpu.memref_squeeze %dma_start3A_381 : memref<1x40xi32, #tpu.memory_space<vmem>> -> memref<40xi32, #tpu.memory_space<vmem>>
      %dma_start3A_383 = arith.constant 0 : i32
      %dma_start3A_384 = arith.constant 0 : i32
      %dma_start3A_385 = tpu.memref_slice %arg2[%dma_start3A_383, %dma_start3A_384] : memref<1024x384xf32, #tpu.memory_space<hbm>> -> memref<1024x384xf32, #tpu.memory_space<hbm>>
      tpu.enqueue_indirect_dma source(%dma_start3A_385 : memref<1024x384xf32, #tpu.memory_space<hbm>>) target(%dma_start3A_379 : memref<40x384xf32, #tpu.memory_space<vmem>>) offsets(%dma_start3A_382 : memref<40xi32, #tpu.memory_space<vmem>>) semaphore(%arg9 : memref<!tpu.dma_semaphore, #tpu.memory_space<semaphore_mem>>)
      %barrier3A_386 = arith.constant 0 : index
      tpu.barrier barrier_id(%barrier3A_386)
      %eq3A_387 = arith.constant 0 : i32
      %eq3A_388 = arith.cmpi eq, %arg1, %eq3A_387 : i32
      %convert_element_type3A_389 = arith.extui %eq3A_388 : i1 to i32
      %cond3A_390 = arith.constant 0 : i32
      %cond3A_391 = arith.cmpi ne, %convert_element_type3A_389, %cond3A_390 : i32
      scf.if %cond3A_391 {
        %dma_start3A_474 = arith.constant 1 : i32
        %dma_start3A_475 = arith.constant 0 : i32
        %dma_start3A_476 = arith.constant 0 : i32
        %dma_start3A_477 = arith.constant 0 : i32
        %dma_start3A_478 = tpu.memref_slice %arg4[%add3A_352, %arg0, %dma_start3A_475, %dma_start3A_476, %dma_start3A_477] : memref<80x2x16x40x384xf32, #tpu.memory_space<hbm>> -> memref<1x1x16x40x384xf32, #tpu.memory_space<hbm>>
        %dma_start3A_479 = tpu.memref_squeeze %dma_start3A_478 : memref<1x1x16x40x384xf32, #tpu.memory_space<hbm>> -> memref<16x40x384xf32, #tpu.memory_space<hbm>>
        %dma_start3A_480 = arith.constant 0 : i32
        %dma_start3A_481 = arith.constant 0 : i32
        %dma_start3A_482 = arith.constant 0 : i32
        %dma_start3A_483 = tpu.memref_slice %arg7[%dma_start3A_474, %dma_start3A_480, %dma_start3A_481, %dma_start3A_482] : memref<2x16x40x384xf32, #tpu.memory_space<vmem_shared>> -> memref<1x16x40x384xf32, #tpu.memory_space<vmem_shared>>
        %dma_start3A_484 = tpu.memref_squeeze %dma_start3A_483 : memref<1x16x40x384xf32, #tpu.memory_space<vmem_shared>> -> memref<16x40x384xf32, #tpu.memory_space<vmem_shared>>
        tpu.enqueue_dma source(%dma_start3A_484 : memref<16x40x384xf32, #tpu.memory_space<vmem_shared>>) target(%dma_start3A_479 : memref<16x40x384xf32, #tpu.memory_space<hbm>>) target_semaphore(%arg13 : memref<!tpu.dma_semaphore, #tpu.memory_space<semaphore_mem>>)
      } else {
      }
      %add3A_392 = arith.constant 2 : i32
      %add3A_393 = arith.addi %add3A_309, %add3A_392 : i32
      %dma_wait3A_394 = arith.constant 0 : i32
      %dma_wait3A_395 = arith.constant 2 : i32
      %dma_wait3A_396 = arith.constant 0 : i32
      %dma_wait3A_397 = arith.constant 0 : i32
      %dma_wait3A_398 = tpu.memref_slice %arg6[%dma_wait3A_395, %dma_wait3A_396, %dma_wait3A_397] : memref<4x40x384xf32, #tpu.memory_space<vmem>> -> memref<1x40x384xf32, #tpu.memory_space<vmem>>
      %dma_wait3A_399 = tpu.memref_squeeze %dma_wait3A_398 : memref<1x40x384xf32, #tpu.memory_space<vmem>> -> memref<40x384xf32, #tpu.memory_space<vmem>>
      %dma_wait3A_400 = arith.constant 0 : i32
      %dma_wait3A_401 = tpu.memref_slice %arg5[%dma_wait3A_394, %dma_wait3A_400] : memref<80x40xi32, #tpu.memory_space<vmem>> -> memref<1x40xi32, #tpu.memory_space<vmem>>
      %dma_wait3A_402 = tpu.memref_squeeze %dma_wait3A_401 : memref<1x40xi32, #tpu.memory_space<vmem>> -> memref<40xi32, #tpu.memory_space<vmem>>
      %dma_wait3A_403 = arith.constant 0 : i32
      %dma_wait3A_404 = arith.constant 0 : i32
      %dma_wait3A_405 = tpu.memref_slice %arg2[%dma_wait3A_403, %dma_wait3A_404] : memref<1024x384xf32, #tpu.memory_space<hbm>> -> memref<1024x384xf32, #tpu.memory_space<hbm>>
      tpu.wait_indirect_dma semaphore(%arg10 : memref<!tpu.dma_semaphore, #tpu.memory_space<semaphore_mem>>) src(%dma_wait3A_405 : memref<1024x384xf32, #tpu.memory_space<hbm>>) dst(%dma_wait3A_399 : memref<40x384xf32, #tpu.memory_space<vmem>>)
      %eq3A_406 = arith.constant 0 : i32
      %eq3A_407 = arith.cmpi eq, %arg1, %eq3A_406 : i32
      %convert_element_type3A_408 = arith.extui %eq3A_407 : i1 to i32
      %cond3A_409 = arith.constant 0 : i32
      %cond3A_410 = arith.cmpi ne, %convert_element_type3A_408, %cond3A_409 : i32
      scf.if %cond3A_410 {
        %dma_wait3A_474 = arith.constant 0 : i32
        %dma_wait3A_475 = arith.constant 0 : i32
        %dma_wait3A_476 = arith.constant 0 : i32
        %dma_wait3A_477 = arith.constant 0 : i32
        %dma_wait3A_478 = arith.constant 0 : i32
        %dma_wait3A_479 = tpu.memref_slice %arg4[%dma_wait3A_475, %arg0, %dma_wait3A_476, %dma_wait3A_477, %dma_wait3A_478] : memref<80x2x16x40x384xf32, #tpu.memory_space<hbm>> -> memref<1x1x16x40x384xf32, #tpu.memory_space<hbm>>
        %dma_wait3A_480 = tpu.memref_squeeze %dma_wait3A_479 : memref<1x1x16x40x384xf32, #tpu.memory_space<hbm>> -> memref<16x40x384xf32, #tpu.memory_space<hbm>>
        %dma_wait3A_481 = arith.constant 0 : i32
        %dma_wait3A_482 = arith.constant 0 : i32
        %dma_wait3A_483 = arith.constant 0 : i32
        %dma_wait3A_484 = tpu.memref_slice %arg7[%dma_wait3A_474, %dma_wait3A_481, %dma_wait3A_482, %dma_wait3A_483] : memref<2x16x40x384xf32, #tpu.memory_space<vmem_shared>> -> memref<1x16x40x384xf32, #tpu.memory_space<vmem_shared>>
        %dma_wait3A_485 = tpu.memref_squeeze %dma_wait3A_484 : memref<1x16x40x384xf32, #tpu.memory_space<vmem_shared>> -> memref<16x40x384xf32, #tpu.memory_space<vmem_shared>>
        tpu.wait_dma2 semaphore(%arg12 : memref<!tpu.dma_semaphore, #tpu.memory_space<semaphore_mem>>) src(%dma_wait3A_485 : memref<16x40x384xf32, #tpu.memory_space<vmem_shared>>) dst(%dma_wait3A_480 : memref<16x40x384xf32, #tpu.memory_space<hbm>>)
      } else {
      }
      %barrier3A_411 = arith.constant 0 : index
      tpu.barrier barrier_id(%barrier3A_411)
      %run_scoped3A_412 = arith.constant 2 : i32
      %run_scoped3A_413 = arith.constant 0 : i32
      "tpu.region"() ({
        %run_scoped3A_474 = tpu.sem_alloc : memref<!tpu.dma_semaphore, #tpu.memory_space<semaphore_mem>>
        %dma_start3A_475 = arith.constant 0 : i32
        %dma_start3A_476 = arith.constant 0 : i32
        %dma_start3A_477 = tpu.memref_slice %arg6[%run_scoped3A_412, %dma_start3A_475, %dma_start3A_476] : memref<4x40x384xf32, #tpu.memory_space<vmem>> -> memref<1x40x384xf32, #tpu.memory_space<vmem>>
        %dma_start3A_478 = tpu.memref_squeeze %dma_start3A_477 : memref<1x40x384xf32, #tpu.memory_space<vmem>> -> memref<40x384xf32, #tpu.memory_space<vmem>>
        %dma_start3A_479 = arith.constant 0 : i32
        %dma_start3A_480 = arith.constant 0 : i32
        %dma_start3A_481 = tpu.memref_slice %arg7[%run_scoped3A_413, %arg1, %dma_start3A_479, %dma_start3A_480] : memref<2x16x40x384xf32, #tpu.memory_space<vmem_shared>> -> memref<1x1x40x384xf32, #tpu.memory_space<vmem_shared>>
        %dma_start3A_482 = tpu.memref_squeeze %dma_start3A_481 : memref<1x1x40x384xf32, #tpu.memory_space<vmem_shared>> -> memref<40x384xf32, #tpu.memory_space<vmem_shared>>
        %dma_start3A_483 = arith.constant 0 : i32
        %dma_start3A_484 = arith.constant 0 : i32
        %dma_start3A_485 = tpu.memref_slice %arg7[%run_scoped3A_413, %arg1, %dma_start3A_483, %dma_start3A_484] : memref<2x16x40x384xf32, #tpu.memory_space<vmem_shared>> -> memref<1x1x40x384xf32, #tpu.memory_space<vmem_shared>>
        %dma_start3A_486 = tpu.memref_squeeze %dma_start3A_485 : memref<1x1x40x384xf32, #tpu.memory_space<vmem_shared>> -> memref<40x384xf32, #tpu.memory_space<vmem_shared>>
        %dma_start3A_487 = arith.constant 0 : i32
        %dma_start3A_488 = arith.constant 0 : i32
        %dma_start3A_489 = tpu.memref_slice %arg6[%run_scoped3A_412, %dma_start3A_487, %dma_start3A_488] : memref<4x40x384xf32, #tpu.memory_space<vmem>> -> memref<1x40x384xf32, #tpu.memory_space<vmem>>
        %dma_start3A_490 = tpu.memref_squeeze %dma_start3A_489 : memref<1x40x384xf32, #tpu.memory_space<vmem>> -> memref<40x384xf32, #tpu.memory_space<vmem>>
        tpu.enqueue_dma source(%dma_start3A_490 : memref<40x384xf32, #tpu.memory_space<vmem>>) target(%dma_start3A_486 : memref<40x384xf32, #tpu.memory_space<vmem_shared>>) target_semaphore(%run_scoped3A_474 : memref<!tpu.dma_semaphore, #tpu.memory_space<semaphore_mem>>)
        %dma_wait3A_491 = arith.constant 0 : i32
        %dma_wait3A_492 = arith.constant 0 : i32
        %dma_wait3A_493 = tpu.memref_slice %arg6[%run_scoped3A_412, %dma_wait3A_491, %dma_wait3A_492] : memref<4x40x384xf32, #tpu.memory_space<vmem>> -> memref<1x40x384xf32, #tpu.memory_space<vmem>>
        %dma_wait3A_494 = tpu.memref_squeeze %dma_wait3A_493 : memref<1x40x384xf32, #tpu.memory_space<vmem>> -> memref<40x384xf32, #tpu.memory_space<vmem>>
        %dma_wait3A_495 = arith.constant 0 : i32
        %dma_wait3A_496 = arith.constant 0 : i32
        %dma_wait3A_497 = tpu.memref_slice %arg7[%run_scoped3A_413, %arg1, %dma_wait3A_495, %dma_wait3A_496] : memref<2x16x40x384xf32, #tpu.memory_space<vmem_shared>> -> memref<1x1x40x384xf32, #tpu.memory_space<vmem_shared>>
        %dma_wait3A_498 = tpu.memref_squeeze %dma_wait3A_497 : memref<1x1x40x384xf32, #tpu.memory_space<vmem_shared>> -> memref<40x384xf32, #tpu.memory_space<vmem_shared>>
        %dma_wait3A_499 = arith.constant 0 : i32
        %dma_wait3A_500 = arith.constant 0 : i32
        %dma_wait3A_501 = tpu.memref_slice %arg7[%run_scoped3A_413, %arg1, %dma_wait3A_499, %dma_wait3A_500] : memref<2x16x40x384xf32, #tpu.memory_space<vmem_shared>> -> memref<1x1x40x384xf32, #tpu.memory_space<vmem_shared>>
        %dma_wait3A_502 = tpu.memref_squeeze %dma_wait3A_501 : memref<1x1x40x384xf32, #tpu.memory_space<vmem_shared>> -> memref<40x384xf32, #tpu.memory_space<vmem_shared>>
        %dma_wait3A_503 = arith.constant 0 : i32
        %dma_wait3A_504 = arith.constant 0 : i32
        %dma_wait3A_505 = tpu.memref_slice %arg6[%run_scoped3A_412, %dma_wait3A_503, %dma_wait3A_504] : memref<4x40x384xf32, #tpu.memory_space<vmem>> -> memref<1x40x384xf32, #tpu.memory_space<vmem>>
        %dma_wait3A_506 = tpu.memref_squeeze %dma_wait3A_505 : memref<1x40x384xf32, #tpu.memory_space<vmem>> -> memref<40x384xf32, #tpu.memory_space<vmem>>
        tpu.wait_dma2 semaphore(%run_scoped3A_474 : memref<!tpu.dma_semaphore, #tpu.memory_space<semaphore_mem>>) src(%dma_wait3A_506 : memref<40x384xf32, #tpu.memory_space<vmem>>) dst(%dma_wait3A_502 : memref<40x384xf32, #tpu.memory_space<vmem_shared>>)
        tpu.yield
      }) : () -> ()
      %add3A_414 = arith.constant 4 : i32
      %add3A_415 = arith.addi %add3A_393, %add3A_414 : i32
      %dma_start3A_416 = arith.constant 2 : i32
      %dma_start3A_417 = arith.constant 0 : i32
      %dma_start3A_418 = arith.constant 0 : i32
      %dma_start3A_419 = tpu.memref_slice %arg6[%dma_start3A_416, %dma_start3A_417, %dma_start3A_418] : memref<4x40x384xf32, #tpu.memory_space<vmem>> -> memref<1x40x384xf32, #tpu.memory_space<vmem>>
      %dma_start3A_420 = tpu.memref_squeeze %dma_start3A_419 : memref<1x40x384xf32, #tpu.memory_space<vmem>> -> memref<40x384xf32, #tpu.memory_space<vmem>>
      %dma_start3A_421 = arith.constant 0 : i32
      %dma_start3A_422 = tpu.memref_slice %arg5[%add3A_415, %dma_start3A_421] : memref<80x40xi32, #tpu.memory_space<vmem>> -> memref<1x40xi32, #tpu.memory_space<vmem>>
      %dma_start3A_423 = tpu.memref_squeeze %dma_start3A_422 : memref<1x40xi32, #tpu.memory_space<vmem>> -> memref<40xi32, #tpu.memory_space<vmem>>
      %dma_start3A_424 = arith.constant 0 : i32
      %dma_start3A_425 = arith.constant 0 : i32
      %dma_start3A_426 = tpu.memref_slice %arg2[%dma_start3A_424, %dma_start3A_425] : memref<1024x384xf32, #tpu.memory_space<hbm>> -> memref<1024x384xf32, #tpu.memory_space<hbm>>
      tpu.enqueue_indirect_dma source(%dma_start3A_426 : memref<1024x384xf32, #tpu.memory_space<hbm>>) target(%dma_start3A_420 : memref<40x384xf32, #tpu.memory_space<vmem>>) offsets(%dma_start3A_423 : memref<40xi32, #tpu.memory_space<vmem>>) semaphore(%arg10 : memref<!tpu.dma_semaphore, #tpu.memory_space<semaphore_mem>>)
      %barrier3A_427 = arith.constant 0 : index
      tpu.barrier barrier_id(%barrier3A_427)
      %eq3A_428 = arith.constant 0 : i32
      %eq3A_429 = arith.cmpi eq, %arg1, %eq3A_428 : i32
      %convert_element_type3A_430 = arith.extui %eq3A_429 : i1 to i32
      %cond3A_431 = arith.constant 0 : i32
      %cond3A_432 = arith.cmpi ne, %convert_element_type3A_430, %cond3A_431 : i32
      scf.if %cond3A_432 {
        %dma_start3A_474 = arith.constant 0 : i32
        %dma_start3A_475 = arith.constant 0 : i32
        %dma_start3A_476 = arith.constant 0 : i32
        %dma_start3A_477 = arith.constant 0 : i32
        %dma_start3A_478 = tpu.memref_slice %arg4[%add3A_393, %arg0, %dma_start3A_475, %dma_start3A_476, %dma_start3A_477] : memref<80x2x16x40x384xf32, #tpu.memory_space<hbm>> -> memref<1x1x16x40x384xf32, #tpu.memory_space<hbm>>
        %dma_start3A_479 = tpu.memref_squeeze %dma_start3A_478 : memref<1x1x16x40x384xf32, #tpu.memory_space<hbm>> -> memref<16x40x384xf32, #tpu.memory_space<hbm>>
        %dma_start3A_480 = arith.constant 0 : i32
        %dma_start3A_481 = arith.constant 0 : i32
        %dma_start3A_482 = arith.constant 0 : i32
        %dma_start3A_483 = tpu.memref_slice %arg7[%dma_start3A_474, %dma_start3A_480, %dma_start3A_481, %dma_start3A_482] : memref<2x16x40x384xf32, #tpu.memory_space<vmem_shared>> -> memref<1x16x40x384xf32, #tpu.memory_space<vmem_shared>>
        %dma_start3A_484 = tpu.memref_squeeze %dma_start3A_483 : memref<1x16x40x384xf32, #tpu.memory_space<vmem_shared>> -> memref<16x40x384xf32, #tpu.memory_space<vmem_shared>>
        tpu.enqueue_dma source(%dma_start3A_484 : memref<16x40x384xf32, #tpu.memory_space<vmem_shared>>) target(%dma_start3A_479 : memref<16x40x384xf32, #tpu.memory_space<hbm>>) target_semaphore(%arg12 : memref<!tpu.dma_semaphore, #tpu.memory_space<semaphore_mem>>)
      } else {
      }
      %add3A_433 = arith.constant 3 : i32
      %add3A_434 = arith.addi %add3A_309, %add3A_433 : i32
      %dma_wait3A_435 = arith.constant 0 : i32
      %dma_wait3A_436 = arith.constant 3 : i32
      %dma_wait3A_437 = arith.constant 0 : i32
      %dma_wait3A_438 = arith.constant 0 : i32
      %dma_wait3A_439 = tpu.memref_slice %arg6[%dma_wait3A_436, %dma_wait3A_437, %dma_wait3A_438] : memref<4x40x384xf32, #tpu.memory_space<vmem>> -> memref<1x40x384xf32, #tpu.memory_space<vmem>>
      %dma_wait3A_440 = tpu.memref_squeeze %dma_wait3A_439 : memref<1x40x384xf32, #tpu.memory_space<vmem>> -> memref<40x384xf32, #tpu.memory_space<vmem>>
      %dma_wait3A_441 = arith.constant 0 : i32
      %dma_wait3A_442 = tpu.memref_slice %arg5[%dma_wait3A_435, %dma_wait3A_441] : memref<80x40xi32, #tpu.memory_space<vmem>> -> memref<1x40xi32, #tpu.memory_space<vmem>>
      %dma_wait3A_443 = tpu.memref_squeeze %dma_wait3A_442 : memref<1x40xi32, #tpu.memory_space<vmem>> -> memref<40xi32, #tpu.memory_space<vmem>>
      %dma_wait3A_444 = arith.constant 0 : i32
      %dma_wait3A_445 = arith.constant 0 : i32
      %dma_wait3A_446 = tpu.memref_slice %arg2[%dma_wait3A_444, %dma_wait3A_445] : memref<1024x384xf32, #tpu.memory_space<hbm>> -> memref<1024x384xf32, #tpu.memory_space<hbm>>
      tpu.wait_indirect_dma semaphore(%arg11 : memref<!tpu.dma_semaphore, #tpu.memory_space<semaphore_mem>>) src(%dma_wait3A_446 : memref<1024x384xf32, #tpu.memory_space<hbm>>) dst(%dma_wait3A_440 : memref<40x384xf32, #tpu.memory_space<vmem>>)
      %eq3A_447 = arith.constant 0 : i32
      %eq3A_448 = arith.cmpi eq, %arg1, %eq3A_447 : i32
      %convert_element_type3A_449 = arith.extui %eq3A_448 : i1 to i32
      %cond3A_450 = arith.constant 0 : i32
      %cond3A_451 = arith.cmpi ne, %convert_element_type3A_449, %cond3A_450 : i32
      scf.if %cond3A_451 {
        %dma_wait3A_474 = arith.constant 1 : i32
        %dma_wait3A_475 = arith.constant 0 : i32
        %dma_wait3A_476 = arith.constant 0 : i32
        %dma_wait3A_477 = arith.constant 0 : i32
        %dma_wait3A_478 = arith.constant 0 : i32
        %dma_wait3A_479 = tpu.memref_slice %arg4[%dma_wait3A_475, %arg0, %dma_wait3A_476, %dma_wait3A_477, %dma_wait3A_478] : memref<80x2x16x40x384xf32, #tpu.memory_space<hbm>> -> memref<1x1x16x40x384xf32, #tpu.memory_space<hbm>>
        %dma_wait3A_480 = tpu.memref_squeeze %dma_wait3A_479 : memref<1x1x16x40x384xf32, #tpu.memory_space<hbm>> -> memref<16x40x384xf32, #tpu.memory_space<hbm>>
        %dma_wait3A_481 = arith.constant 0 : i32
        %dma_wait3A_482 = arith.constant 0 : i32
        %dma_wait3A_483 = arith.constant 0 : i32
        %dma_wait3A_484 = tpu.memref_slice %arg7[%dma_wait3A_474, %dma_wait3A_481, %dma_wait3A_482, %dma_wait3A_483] : memref<2x16x40x384xf32, #tpu.memory_space<vmem_shared>> -> memref<1x16x40x384xf32, #tpu.memory_space<vmem_shared>>
        %dma_wait3A_485 = tpu.memref_squeeze %dma_wait3A_484 : memref<1x16x40x384xf32, #tpu.memory_space<vmem_shared>> -> memref<16x40x384xf32, #tpu.memory_space<vmem_shared>>
        tpu.wait_dma2 semaphore(%arg13 : memref<!tpu.dma_semaphore, #tpu.memory_space<semaphore_mem>>) src(%dma_wait3A_485 : memref<16x40x384xf32, #tpu.memory_space<vmem_shared>>) dst(%dma_wait3A_480 : memref<16x40x384xf32, #tpu.memory_space<hbm>>)
      } else {
      }
      %barrier3A_452 = arith.constant 0 : index
      tpu.barrier barrier_id(%barrier3A_452)
      %run_scoped3A_453 = arith.constant 3 : i32
      %run_scoped3A_454 = arith.constant 1 : i32
      "tpu.region"() ({
        %run_scoped3A_474 = tpu.sem_alloc : memref<!tpu.dma_semaphore, #tpu.memory_space<semaphore_mem>>
        %dma_start3A_475 = arith.constant 0 : i32
        %dma_start3A_476 = arith.constant 0 : i32
        %dma_start3A_477 = tpu.memref_slice %arg6[%run_scoped3A_453, %dma_start3A_475, %dma_start3A_476] : memref<4x40x384xf32, #tpu.memory_space<vmem>> -> memref<1x40x384xf32, #tpu.memory_space<vmem>>
        %dma_start3A_478 = tpu.memref_squeeze %dma_start3A_477 : memref<1x40x384xf32, #tpu.memory_space<vmem>> -> memref<40x384xf32, #tpu.memory_space<vmem>>
        %dma_start3A_479 = arith.constant 0 : i32
        %dma_start3A_480 = arith.constant 0 : i32
        %dma_start3A_481 = tpu.memref_slice %arg7[%run_scoped3A_454, %arg1, %dma_start3A_479, %dma_start3A_480] : memref<2x16x40x384xf32, #tpu.memory_space<vmem_shared>> -> memref<1x1x40x384xf32, #tpu.memory_space<vmem_shared>>
        %dma_start3A_482 = tpu.memref_squeeze %dma_start3A_481 : memref<1x1x40x384xf32, #tpu.memory_space<vmem_shared>> -> memref<40x384xf32, #tpu.memory_space<vmem_shared>>
        %dma_start3A_483 = arith.constant 0 : i32
        %dma_start3A_484 = arith.constant 0 : i32
        %dma_start3A_485 = tpu.memref_slice %arg7[%run_scoped3A_454, %arg1, %dma_start3A_483, %dma_start3A_484] : memref<2x16x40x384xf32, #tpu.memory_space<vmem_shared>> -> memref<1x1x40x384xf32, #tpu.memory_space<vmem_shared>>
        %dma_start3A_486 = tpu.memref_squeeze %dma_start3A_485 : memref<1x1x40x384xf32, #tpu.memory_space<vmem_shared>> -> memref<40x384xf32, #tpu.memory_space<vmem_shared>>
        %dma_start3A_487 = arith.constant 0 : i32
        %dma_start3A_488 = arith.constant 0 : i32
        %dma_start3A_489 = tpu.memref_slice %arg6[%run_scoped3A_453, %dma_start3A_487, %dma_start3A_488] : memref<4x40x384xf32, #tpu.memory_space<vmem>> -> memref<1x40x384xf32, #tpu.memory_space<vmem>>
        %dma_start3A_490 = tpu.memref_squeeze %dma_start3A_489 : memref<1x40x384xf32, #tpu.memory_space<vmem>> -> memref<40x384xf32, #tpu.memory_space<vmem>>
        tpu.enqueue_dma source(%dma_start3A_490 : memref<40x384xf32, #tpu.memory_space<vmem>>) target(%dma_start3A_486 : memref<40x384xf32, #tpu.memory_space<vmem_shared>>) target_semaphore(%run_scoped3A_474 : memref<!tpu.dma_semaphore, #tpu.memory_space<semaphore_mem>>)
        %dma_wait3A_491 = arith.constant 0 : i32
        %dma_wait3A_492 = arith.constant 0 : i32
        %dma_wait3A_493 = tpu.memref_slice %arg6[%run_scoped3A_453, %dma_wait3A_491, %dma_wait3A_492] : memref<4x40x384xf32, #tpu.memory_space<vmem>> -> memref<1x40x384xf32, #tpu.memory_space<vmem>>
        %dma_wait3A_494 = tpu.memref_squeeze %dma_wait3A_493 : memref<1x40x384xf32, #tpu.memory_space<vmem>> -> memref<40x384xf32, #tpu.memory_space<vmem>>
        %dma_wait3A_495 = arith.constant 0 : i32
        %dma_wait3A_496 = arith.constant 0 : i32
        %dma_wait3A_497 = tpu.memref_slice %arg7[%run_scoped3A_454, %arg1, %dma_wait3A_495, %dma_wait3A_496] : memref<2x16x40x384xf32, #tpu.memory_space<vmem_shared>> -> memref<1x1x40x384xf32, #tpu.memory_space<vmem_shared>>
        %dma_wait3A_498 = tpu.memref_squeeze %dma_wait3A_497 : memref<1x1x40x384xf32, #tpu.memory_space<vmem_shared>> -> memref<40x384xf32, #tpu.memory_space<vmem_shared>>
        %dma_wait3A_499 = arith.constant 0 : i32
        %dma_wait3A_500 = arith.constant 0 : i32
        %dma_wait3A_501 = tpu.memref_slice %arg7[%run_scoped3A_454, %arg1, %dma_wait3A_499, %dma_wait3A_500] : memref<2x16x40x384xf32, #tpu.memory_space<vmem_shared>> -> memref<1x1x40x384xf32, #tpu.memory_space<vmem_shared>>
        %dma_wait3A_502 = tpu.memref_squeeze %dma_wait3A_501 : memref<1x1x40x384xf32, #tpu.memory_space<vmem_shared>> -> memref<40x384xf32, #tpu.memory_space<vmem_shared>>
        %dma_wait3A_503 = arith.constant 0 : i32
        %dma_wait3A_504 = arith.constant 0 : i32
        %dma_wait3A_505 = tpu.memref_slice %arg6[%run_scoped3A_453, %dma_wait3A_503, %dma_wait3A_504] : memref<4x40x384xf32, #tpu.memory_space<vmem>> -> memref<1x40x384xf32, #tpu.memory_space<vmem>>
        %dma_wait3A_506 = tpu.memref_squeeze %dma_wait3A_505 : memref<1x40x384xf32, #tpu.memory_space<vmem>> -> memref<40x384xf32, #tpu.memory_space<vmem>>
        tpu.wait_dma2 semaphore(%run_scoped3A_474 : memref<!tpu.dma_semaphore, #tpu.memory_space<semaphore_mem>>) src(%dma_wait3A_506 : memref<40x384xf32, #tpu.memory_space<vmem>>) dst(%dma_wait3A_502 : memref<40x384xf32, #tpu.memory_space<vmem_shared>>)
        tpu.yield
      }) : () -> ()
      %add3A_455 = arith.constant 4 : i32
      %add3A_456 = arith.addi %add3A_434, %add3A_455 : i32
      %dma_start3A_457 = arith.constant 3 : i32
      %dma_start3A_458 = arith.constant 0 : i32
      %dma_start3A_459 = arith.constant 0 : i32
      %dma_start3A_460 = tpu.memref_slice %arg6[%dma_start3A_457, %dma_start3A_458, %dma_start3A_459] : memref<4x40x384xf32, #tpu.memory_space<vmem>> -> memref<1x40x384xf32, #tpu.memory_space<vmem>>
      %dma_start3A_461 = tpu.memref_squeeze %dma_start3A_460 : memref<1x40x384xf32, #tpu.memory_space<vmem>> -> memref<40x384xf32, #tpu.memory_space<vmem>>
      %dma_start3A_462 = arith.constant 0 : i32
      %dma_start3A_463 = tpu.memref_slice %arg5[%add3A_456, %dma_start3A_462] : memref<80x40xi32, #tpu.memory_space<vmem>> -> memref<1x40xi32, #tpu.memory_space<vmem>>
      %dma_start3A_464 = tpu.memref_squeeze %dma_start3A_463 : memref<1x40xi32, #tpu.memory_space<vmem>> -> memref<40xi32, #tpu.memory_space<vmem>>
      %dma_start3A_465 = arith.constant 0 : i32
      %dma_start3A_466 = arith.constant 0 : i32
      %dma_start3A_467 = tpu.memref_slice %arg2[%dma_start3A_465, %dma_start3A_466] : memref<1024x384xf32, #tpu.memory_space<hbm>> -> memref<1024x384xf32, #tpu.memory_space<hbm>>
      tpu.enqueue_indirect_dma source(%dma_start3A_467 : memref<1024x384xf32, #tpu.memory_space<hbm>>) target(%dma_start3A_461 : memref<40x384xf32, #tpu.memory_space<vmem>>) offsets(%dma_start3A_464 : memref<40xi32, #tpu.memory_space<vmem>>) semaphore(%arg11 : memref<!tpu.dma_semaphore, #tpu.memory_space<semaphore_mem>>)
      %barrier3A_468 = arith.constant 0 : index
      tpu.barrier barrier_id(%barrier3A_468)
      %eq3A_469 = arith.constant 0 : i32
      %eq3A_470 = arith.cmpi eq, %arg1, %eq3A_469 : i32
      %convert_element_type3A_471 = arith.extui %eq3A_470 : i1 to i32
      %cond3A_472 = arith.constant 0 : i32
      %cond3A_473 = arith.cmpi ne, %convert_element_type3A_471, %cond3A_472 : i32
      scf.if %cond3A_473 {
        %dma_start3A_474 = arith.constant 1 : i32
        %dma_start3A_475 = arith.constant 0 : i32
        %dma_start3A_476 = arith.constant 0 : i32
        %dma_start3A_477 = arith.constant 0 : i32
        %dma_start3A_478 = tpu.memref_slice %arg4[%add3A_434, %arg0, %dma_start3A_475, %dma_start3A_476, %dma_start3A_477] : memref<80x2x16x40x384xf32, #tpu.memory_space<hbm>> -> memref<1x1x16x40x384xf32, #tpu.memory_space<hbm>>
        %dma_start3A_479 = tpu.memref_squeeze %dma_start3A_478 : memref<1x1x16x40x384xf32, #tpu.memory_space<hbm>> -> memref<16x40x384xf32, #tpu.memory_space<hbm>>
        %dma_start3A_480 = arith.constant 0 : i32
        %dma_start3A_481 = arith.constant 0 : i32
        %dma_start3A_482 = arith.constant 0 : i32
        %dma_start3A_483 = tpu.memref_slice %arg7[%dma_start3A_474, %dma_start3A_480, %dma_start3A_481, %dma_start3A_482] : memref<2x16x40x384xf32, #tpu.memory_space<vmem_shared>> -> memref<1x16x40x384xf32, #tpu.memory_space<vmem_shared>>
        %dma_start3A_484 = tpu.memref_squeeze %dma_start3A_483 : memref<1x16x40x384xf32, #tpu.memory_space<vmem_shared>> -> memref<16x40x384xf32, #tpu.memory_space<vmem_shared>>
        tpu.enqueue_dma source(%dma_start3A_484 : memref<16x40x384xf32, #tpu.memory_space<vmem_shared>>) target(%dma_start3A_479 : memref<16x40x384xf32, #tpu.memory_space<hbm>>) target_semaphore(%arg13 : memref<!tpu.dma_semaphore, #tpu.memory_space<semaphore_mem>>)
      } else {
      }
    }
    %scan3A_195 = arith.constant 18 : i32
    %dma_wait3A_196 = arith.constant 0 : i32
    %dma_wait3A_197 = arith.constant 0 : i32
    %dma_wait3A_198 = arith.constant 0 : i32
    %dma_wait3A_199 = arith.constant 0 : i32
    %dma_wait3A_200 = tpu.memref_slice %arg6[%dma_wait3A_197, %dma_wait3A_198, %dma_wait3A_199] : memref<4x40x384xf32, #tpu.memory_space<vmem>> -> memref<1x40x384xf32, #tpu.memory_space<vmem>>
    %dma_wait3A_201 = tpu.memref_squeeze %dma_wait3A_200 : memref<1x40x384xf32, #tpu.memory_space<vmem>> -> memref<40x384xf32, #tpu.memory_space<vmem>>
    %dma_wait3A_202 = arith.constant 0 : i32
    %dma_wait3A_203 = tpu.memref_slice %arg5[%dma_wait3A_196, %dma_wait3A_202] : memref<80x40xi32, #tpu.memory_space<vmem>> -> memref<1x40xi32, #tpu.memory_space<vmem>>
    %dma_wait3A_204 = tpu.memref_squeeze %dma_wait3A_203 : memref<1x40xi32, #tpu.memory_space<vmem>> -> memref<40xi32, #tpu.memory_space<vmem>>
    %dma_wait3A_205 = arith.constant 0 : i32
    %dma_wait3A_206 = arith.constant 0 : i32
    %dma_wait3A_207 = tpu.memref_slice %arg2[%dma_wait3A_205, %dma_wait3A_206] : memref<1024x384xf32, #tpu.memory_space<hbm>> -> memref<1024x384xf32, #tpu.memory_space<hbm>>
    tpu.wait_indirect_dma semaphore(%arg8 : memref<!tpu.dma_semaphore, #tpu.memory_space<semaphore_mem>>) src(%dma_wait3A_207 : memref<1024x384xf32, #tpu.memory_space<hbm>>) dst(%dma_wait3A_201 : memref<40x384xf32, #tpu.memory_space<vmem>>)
    %eq3A_208 = arith.constant 0 : i32
    %eq3A_209 = arith.cmpi eq, %arg1, %eq3A_208 : i32
    %convert_element_type3A_210 = arith.extui %eq3A_209 : i1 to i32
    %cond3A_211 = arith.constant 0 : i32
    %cond3A_212 = arith.cmpi ne, %convert_element_type3A_210, %cond3A_211 : i32
    scf.if %cond3A_212 {
      %dma_wait3A_306 = arith.constant 0 : i32
      %dma_wait3A_307 = arith.constant 0 : i32
      %dma_wait3A_308 = arith.constant 0 : i32
      %dma_wait3A_309 = arith.constant 0 : i32
      %dma_wait3A_310 = arith.constant 0 : i32
      %dma_wait3A_311 = tpu.memref_slice %arg4[%dma_wait3A_307, %arg0, %dma_wait3A_308, %dma_wait3A_309, %dma_wait3A_310] : memref<80x2x16x40x384xf32, #tpu.memory_space<hbm>> -> memref<1x1x16x40x384xf32, #tpu.memory_space<hbm>>
      %dma_wait3A_312 = tpu.memref_squeeze %dma_wait3A_311 : memref<1x1x16x40x384xf32, #tpu.memory_space<hbm>> -> memref<16x40x384xf32, #tpu.memory_space<hbm>>
      %dma_wait3A_313 = arith.constant 0 : i32
      %dma_wait3A_314 = arith.constant 0 : i32
      %dma_wait3A_315 = arith.constant 0 : i32
      %dma_wait3A_316 = tpu.memref_slice %arg7[%dma_wait3A_306, %dma_wait3A_313, %dma_wait3A_314, %dma_wait3A_315] : memref<2x16x40x384xf32, #tpu.memory_space<vmem_shared>> -> memref<1x16x40x384xf32, #tpu.memory_space<vmem_shared>>
      %dma_wait3A_317 = tpu.memref_squeeze %dma_wait3A_316 : memref<1x16x40x384xf32, #tpu.memory_space<vmem_shared>> -> memref<16x40x384xf32, #tpu.memory_space<vmem_shared>>
      tpu.wait_dma2 semaphore(%arg12 : memref<!tpu.dma_semaphore, #tpu.memory_space<semaphore_mem>>) src(%dma_wait3A_317 : memref<16x40x384xf32, #tpu.memory_space<vmem_shared>>) dst(%dma_wait3A_312 : memref<16x40x384xf32, #tpu.memory_space<hbm>>)
    } else {
    }
    %barrier3A_213 = arith.constant 0 : index
    tpu.barrier barrier_id(%barrier3A_213)
    %run_scoped3A_214 = arith.constant 0 : i32
    %run_scoped3A_215 = arith.constant 0 : i32
    "tpu.region"() ({
      %run_scoped3A_306 = tpu.sem_alloc : memref<!tpu.dma_semaphore, #tpu.memory_space<semaphore_mem>>
      %dma_start3A_307 = arith.constant 0 : i32
      %dma_start3A_308 = arith.constant 0 : i32
      %dma_start3A_309 = tpu.memref_slice %arg6[%run_scoped3A_214, %dma_start3A_307, %dma_start3A_308] : memref<4x40x384xf32, #tpu.memory_space<vmem>> -> memref<1x40x384xf32, #tpu.memory_space<vmem>>
      %dma_start3A_310 = tpu.memref_squeeze %dma_start3A_309 : memref<1x40x384xf32, #tpu.memory_space<vmem>> -> memref<40x384xf32, #tpu.memory_space<vmem>>
      %dma_start3A_311 = arith.constant 0 : i32
      %dma_start3A_312 = arith.constant 0 : i32
      %dma_start3A_313 = tpu.memref_slice %arg7[%run_scoped3A_215, %arg1, %dma_start3A_311, %dma_start3A_312] : memref<2x16x40x384xf32, #tpu.memory_space<vmem_shared>> -> memref<1x1x40x384xf32, #tpu.memory_space<vmem_shared>>
      %dma_start3A_314 = tpu.memref_squeeze %dma_start3A_313 : memref<1x1x40x384xf32, #tpu.memory_space<vmem_shared>> -> memref<40x384xf32, #tpu.memory_space<vmem_shared>>
      %dma_start3A_315 = arith.constant 0 : i32
      %dma_start3A_316 = arith.constant 0 : i32
      %dma_start3A_317 = tpu.memref_slice %arg7[%run_scoped3A_215, %arg1, %dma_start3A_315, %dma_start3A_316] : memref<2x16x40x384xf32, #tpu.memory_space<vmem_shared>> -> memref<1x1x40x384xf32, #tpu.memory_space<vmem_shared>>
      %dma_start3A_318 = tpu.memref_squeeze %dma_start3A_317 : memref<1x1x40x384xf32, #tpu.memory_space<vmem_shared>> -> memref<40x384xf32, #tpu.memory_space<vmem_shared>>
      %dma_start3A_319 = arith.constant 0 : i32
      %dma_start3A_320 = arith.constant 0 : i32
      %dma_start3A_321 = tpu.memref_slice %arg6[%run_scoped3A_214, %dma_start3A_319, %dma_start3A_320] : memref<4x40x384xf32, #tpu.memory_space<vmem>> -> memref<1x40x384xf32, #tpu.memory_space<vmem>>
      %dma_start3A_322 = tpu.memref_squeeze %dma_start3A_321 : memref<1x40x384xf32, #tpu.memory_space<vmem>> -> memref<40x384xf32, #tpu.memory_space<vmem>>
      tpu.enqueue_dma source(%dma_start3A_322 : memref<40x384xf32, #tpu.memory_space<vmem>>) target(%dma_start3A_318 : memref<40x384xf32, #tpu.memory_space<vmem_shared>>) target_semaphore(%run_scoped3A_306 : memref<!tpu.dma_semaphore, #tpu.memory_space<semaphore_mem>>)
      %dma_wait3A_323 = arith.constant 0 : i32
      %dma_wait3A_324 = arith.constant 0 : i32
      %dma_wait3A_325 = tpu.memref_slice %arg6[%run_scoped3A_214, %dma_wait3A_323, %dma_wait3A_324] : memref<4x40x384xf32, #tpu.memory_space<vmem>> -> memref<1x40x384xf32, #tpu.memory_space<vmem>>
      %dma_wait3A_326 = tpu.memref_squeeze %dma_wait3A_325 : memref<1x40x384xf32, #tpu.memory_space<vmem>> -> memref<40x384xf32, #tpu.memory_space<vmem>>
      %dma_wait3A_327 = arith.constant 0 : i32
      %dma_wait3A_328 = arith.constant 0 : i32
      %dma_wait3A_329 = tpu.memref_slice %arg7[%run_scoped3A_215, %arg1, %dma_wait3A_327, %dma_wait3A_328] : memref<2x16x40x384xf32, #tpu.memory_space<vmem_shared>> -> memref<1x1x40x384xf32, #tpu.memory_space<vmem_shared>>
      %dma_wait3A_330 = tpu.memref_squeeze %dma_wait3A_329 : memref<1x1x40x384xf32, #tpu.memory_space<vmem_shared>> -> memref<40x384xf32, #tpu.memory_space<vmem_shared>>
      %dma_wait3A_331 = arith.constant 0 : i32
      %dma_wait3A_332 = arith.constant 0 : i32
      %dma_wait3A_333 = tpu.memref_slice %arg7[%run_scoped3A_215, %arg1, %dma_wait3A_331, %dma_wait3A_332] : memref<2x16x40x384xf32, #tpu.memory_space<vmem_shared>> -> memref<1x1x40x384xf32, #tpu.memory_space<vmem_shared>>
      %dma_wait3A_334 = tpu.memref_squeeze %dma_wait3A_333 : memref<1x1x40x384xf32, #tpu.memory_space<vmem_shared>> -> memref<40x384xf32, #tpu.memory_space<vmem_shared>>
      %dma_wait3A_335 = arith.constant 0 : i32
      %dma_wait3A_336 = arith.constant 0 : i32
      %dma_wait3A_337 = tpu.memref_slice %arg6[%run_scoped3A_214, %dma_wait3A_335, %dma_wait3A_336] : memref<4x40x384xf32, #tpu.memory_space<vmem>> -> memref<1x40x384xf32, #tpu.memory_space<vmem>>
      %dma_wait3A_338 = tpu.memref_squeeze %dma_wait3A_337 : memref<1x40x384xf32, #tpu.memory_space<vmem>> -> memref<40x384xf32, #tpu.memory_space<vmem>>
      tpu.wait_dma2 semaphore(%run_scoped3A_306 : memref<!tpu.dma_semaphore, #tpu.memory_space<semaphore_mem>>) src(%dma_wait3A_338 : memref<40x384xf32, #tpu.memory_space<vmem>>) dst(%dma_wait3A_334 : memref<40x384xf32, #tpu.memory_space<vmem_shared>>)
      tpu.yield
    }) : () -> ()
    %barrier3A_216 = arith.constant 0 : index
    tpu.barrier barrier_id(%barrier3A_216)
    %eq3A_217 = arith.constant 0 : i32
    %eq3A_218 = arith.cmpi eq, %arg1, %eq3A_217 : i32
    %convert_element_type3A_219 = arith.extui %eq3A_218 : i1 to i32
    %cond3A_220 = arith.constant 0 : i32
    %cond3A_221 = arith.cmpi ne, %convert_element_type3A_219, %cond3A_220 : i32
    scf.if %cond3A_221 {
      %dma_start3A_306 = arith.constant 0 : i32
      %dma_start3A_307 = arith.constant 76 : i32
      %dma_start3A_308 = arith.constant 0 : i32
      %dma_start3A_309 = arith.constant 0 : i32
      %dma_start3A_310 = arith.constant 0 : i32
      %dma_start3A_311 = tpu.memref_slice %arg4[%dma_start3A_307, %arg0, %dma_start3A_308, %dma_start3A_309, %dma_start3A_310] : memref<80x2x16x40x384xf32, #tpu.memory_space<hbm>> -> memref<1x1x16x40x384xf32, #tpu.memory_space<hbm>>
      %dma_start3A_312 = tpu.memref_squeeze %dma_start3A_311 : memref<1x1x16x40x384xf32, #tpu.memory_space<hbm>> -> memref<16x40x384xf32, #tpu.memory_space<hbm>>
      %dma_start3A_313 = arith.constant 0 : i32
      %dma_start3A_314 = arith.constant 0 : i32
      %dma_start3A_315 = arith.constant 0 : i32
      %dma_start3A_316 = tpu.memref_slice %arg7[%dma_start3A_306, %dma_start3A_313, %dma_start3A_314, %dma_start3A_315] : memref<2x16x40x384xf32, #tpu.memory_space<vmem_shared>> -> memref<1x16x40x384xf32, #tpu.memory_space<vmem_shared>>
      %dma_start3A_317 = tpu.memref_squeeze %dma_start3A_316 : memref<1x16x40x384xf32, #tpu.memory_space<vmem_shared>> -> memref<16x40x384xf32, #tpu.memory_space<vmem_shared>>
      tpu.enqueue_dma source(%dma_start3A_317 : memref<16x40x384xf32, #tpu.memory_space<vmem_shared>>) target(%dma_start3A_312 : memref<16x40x384xf32, #tpu.memory_space<hbm>>) target_semaphore(%arg12 : memref<!tpu.dma_semaphore, #tpu.memory_space<semaphore_mem>>)
    } else {
    }
    %dma_wait3A_222 = arith.constant 0 : i32
    %dma_wait3A_223 = arith.constant 1 : i32
    %dma_wait3A_224 = arith.constant 0 : i32
    %dma_wait3A_225 = arith.constant 0 : i32
    %dma_wait3A_226 = tpu.memref_slice %arg6[%dma_wait3A_223, %dma_wait3A_224, %dma_wait3A_225] : memref<4x40x384xf32, #tpu.memory_space<vmem>> -> memref<1x40x384xf32, #tpu.memory_space<vmem>>
    %dma_wait3A_227 = tpu.memref_squeeze %dma_wait3A_226 : memref<1x40x384xf32, #tpu.memory_space<vmem>> -> memref<40x384xf32, #tpu.memory_space<vmem>>
    %dma_wait3A_228 = arith.constant 0 : i32
    %dma_wait3A_229 = tpu.memref_slice %arg5[%dma_wait3A_222, %dma_wait3A_228] : memref<80x40xi32, #tpu.memory_space<vmem>> -> memref<1x40xi32, #tpu.memory_space<vmem>>
    %dma_wait3A_230 = tpu.memref_squeeze %dma_wait3A_229 : memref<1x40xi32, #tpu.memory_space<vmem>> -> memref<40xi32, #tpu.memory_space<vmem>>
    %dma_wait3A_231 = arith.constant 0 : i32
    %dma_wait3A_232 = arith.constant 0 : i32
    %dma_wait3A_233 = tpu.memref_slice %arg2[%dma_wait3A_231, %dma_wait3A_232] : memref<1024x384xf32, #tpu.memory_space<hbm>> -> memref<1024x384xf32, #tpu.memory_space<hbm>>
    tpu.wait_indirect_dma semaphore(%arg9 : memref<!tpu.dma_semaphore, #tpu.memory_space<semaphore_mem>>) src(%dma_wait3A_233 : memref<1024x384xf32, #tpu.memory_space<hbm>>) dst(%dma_wait3A_227 : memref<40x384xf32, #tpu.memory_space<vmem>>)
    %eq3A_234 = arith.constant 0 : i32
    %eq3A_235 = arith.cmpi eq, %arg1, %eq3A_234 : i32
    %convert_element_type3A_236 = arith.extui %eq3A_235 : i1 to i32
    %cond3A_237 = arith.constant 0 : i32
    %cond3A_238 = arith.cmpi ne, %convert_element_type3A_236, %cond3A_237 : i32
    scf.if %cond3A_238 {
      %dma_wait3A_306 = arith.constant 1 : i32
      %dma_wait3A_307 = arith.constant 0 : i32
      %dma_wait3A_308 = arith.constant 0 : i32
      %dma_wait3A_309 = arith.constant 0 : i32
      %dma_wait3A_310 = arith.constant 0 : i32
      %dma_wait3A_311 = tpu.memref_slice %arg4[%dma_wait3A_307, %arg0, %dma_wait3A_308, %dma_wait3A_309, %dma_wait3A_310] : memref<80x2x16x40x384xf32, #tpu.memory_space<hbm>> -> memref<1x1x16x40x384xf32, #tpu.memory_space<hbm>>
      %dma_wait3A_312 = tpu.memref_squeeze %dma_wait3A_311 : memref<1x1x16x40x384xf32, #tpu.memory_space<hbm>> -> memref<16x40x384xf32, #tpu.memory_space<hbm>>
      %dma_wait3A_313 = arith.constant 0 : i32
      %dma_wait3A_314 = arith.constant 0 : i32
      %dma_wait3A_315 = arith.constant 0 : i32
      %dma_wait3A_316 = tpu.memref_slice %arg7[%dma_wait3A_306, %dma_wait3A_313, %dma_wait3A_314, %dma_wait3A_315] : memref<2x16x40x384xf32, #tpu.memory_space<vmem_shared>> -> memref<1x16x40x384xf32, #tpu.memory_space<vmem_shared>>
      %dma_wait3A_317 = tpu.memref_squeeze %dma_wait3A_316 : memref<1x16x40x384xf32, #tpu.memory_space<vmem_shared>> -> memref<16x40x384xf32, #tpu.memory_space<vmem_shared>>
      tpu.wait_dma2 semaphore(%arg13 : memref<!tpu.dma_semaphore, #tpu.memory_space<semaphore_mem>>) src(%dma_wait3A_317 : memref<16x40x384xf32, #tpu.memory_space<vmem_shared>>) dst(%dma_wait3A_312 : memref<16x40x384xf32, #tpu.memory_space<hbm>>)
    } else {
    }
    %barrier3A_239 = arith.constant 0 : index
    tpu.barrier barrier_id(%barrier3A_239)
    %run_scoped3A_240 = arith.constant 1 : i32
    %run_scoped3A_241 = arith.constant 1 : i32
    "tpu.region"() ({
      %run_scoped3A_306 = tpu.sem_alloc : memref<!tpu.dma_semaphore, #tpu.memory_space<semaphore_mem>>
      %dma_start3A_307 = arith.constant 0 : i32
      %dma_start3A_308 = arith.constant 0 : i32
      %dma_start3A_309 = tpu.memref_slice %arg6[%run_scoped3A_240, %dma_start3A_307, %dma_start3A_308] : memref<4x40x384xf32, #tpu.memory_space<vmem>> -> memref<1x40x384xf32, #tpu.memory_space<vmem>>
      %dma_start3A_310 = tpu.memref_squeeze %dma_start3A_309 : memref<1x40x384xf32, #tpu.memory_space<vmem>> -> memref<40x384xf32, #tpu.memory_space<vmem>>
      %dma_start3A_311 = arith.constant 0 : i32
      %dma_start3A_312 = arith.constant 0 : i32
      %dma_start3A_313 = tpu.memref_slice %arg7[%run_scoped3A_241, %arg1, %dma_start3A_311, %dma_start3A_312] : memref<2x16x40x384xf32, #tpu.memory_space<vmem_shared>> -> memref<1x1x40x384xf32, #tpu.memory_space<vmem_shared>>
      %dma_start3A_314 = tpu.memref_squeeze %dma_start3A_313 : memref<1x1x40x384xf32, #tpu.memory_space<vmem_shared>> -> memref<40x384xf32, #tpu.memory_space<vmem_shared>>
      %dma_start3A_315 = arith.constant 0 : i32
      %dma_start3A_316 = arith.constant 0 : i32
      %dma_start3A_317 = tpu.memref_slice %arg7[%run_scoped3A_241, %arg1, %dma_start3A_315, %dma_start3A_316] : memref<2x16x40x384xf32, #tpu.memory_space<vmem_shared>> -> memref<1x1x40x384xf32, #tpu.memory_space<vmem_shared>>
      %dma_start3A_318 = tpu.memref_squeeze %dma_start3A_317 : memref<1x1x40x384xf32, #tpu.memory_space<vmem_shared>> -> memref<40x384xf32, #tpu.memory_space<vmem_shared>>
      %dma_start3A_319 = arith.constant 0 : i32
      %dma_start3A_320 = arith.constant 0 : i32
      %dma_start3A_321 = tpu.memref_slice %arg6[%run_scoped3A_240, %dma_start3A_319, %dma_start3A_320] : memref<4x40x384xf32, #tpu.memory_space<vmem>> -> memref<1x40x384xf32, #tpu.memory_space<vmem>>
      %dma_start3A_322 = tpu.memref_squeeze %dma_start3A_321 : memref<1x40x384xf32, #tpu.memory_space<vmem>> -> memref<40x384xf32, #tpu.memory_space<vmem>>
      tpu.enqueue_dma source(%dma_start3A_322 : memref<40x384xf32, #tpu.memory_space<vmem>>) target(%dma_start3A_318 : memref<40x384xf32, #tpu.memory_space<vmem_shared>>) target_semaphore(%run_scoped3A_306 : memref<!tpu.dma_semaphore, #tpu.memory_space<semaphore_mem>>)
      %dma_wait3A_323 = arith.constant 0 : i32
      %dma_wait3A_324 = arith.constant 0 : i32
      %dma_wait3A_325 = tpu.memref_slice %arg6[%run_scoped3A_240, %dma_wait3A_323, %dma_wait3A_324] : memref<4x40x384xf32, #tpu.memory_space<vmem>> -> memref<1x40x384xf32, #tpu.memory_space<vmem>>
      %dma_wait3A_326 = tpu.memref_squeeze %dma_wait3A_325 : memref<1x40x384xf32, #tpu.memory_space<vmem>> -> memref<40x384xf32, #tpu.memory_space<vmem>>
      %dma_wait3A_327 = arith.constant 0 : i32
      %dma_wait3A_328 = arith.constant 0 : i32
      %dma_wait3A_329 = tpu.memref_slice %arg7[%run_scoped3A_241, %arg1, %dma_wait3A_327, %dma_wait3A_328] : memref<2x16x40x384xf32, #tpu.memory_space<vmem_shared>> -> memref<1x1x40x384xf32, #tpu.memory_space<vmem_shared>>
      %dma_wait3A_330 = tpu.memref_squeeze %dma_wait3A_329 : memref<1x1x40x384xf32, #tpu.memory_space<vmem_shared>> -> memref<40x384xf32, #tpu.memory_space<vmem_shared>>
      %dma_wait3A_331 = arith.constant 0 : i32
      %dma_wait3A_332 = arith.constant 0 : i32
      %dma_wait3A_333 = tpu.memref_slice %arg7[%run_scoped3A_241, %arg1, %dma_wait3A_331, %dma_wait3A_332] : memref<2x16x40x384xf32, #tpu.memory_space<vmem_shared>> -> memref<1x1x40x384xf32, #tpu.memory_space<vmem_shared>>
      %dma_wait3A_334 = tpu.memref_squeeze %dma_wait3A_333 : memref<1x1x40x384xf32, #tpu.memory_space<vmem_shared>> -> memref<40x384xf32, #tpu.memory_space<vmem_shared>>
      %dma_wait3A_335 = arith.constant 0 : i32
      %dma_wait3A_336 = arith.constant 0 : i32
      %dma_wait3A_337 = tpu.memref_slice %arg6[%run_scoped3A_240, %dma_wait3A_335, %dma_wait3A_336] : memref<4x40x384xf32, #tpu.memory_space<vmem>> -> memref<1x40x384xf32, #tpu.memory_space<vmem>>
      %dma_wait3A_338 = tpu.memref_squeeze %dma_wait3A_337 : memref<1x40x384xf32, #tpu.memory_space<vmem>> -> memref<40x384xf32, #tpu.memory_space<vmem>>
      tpu.wait_dma2 semaphore(%run_scoped3A_306 : memref<!tpu.dma_semaphore, #tpu.memory_space<semaphore_mem>>) src(%dma_wait3A_338 : memref<40x384xf32, #tpu.memory_space<vmem>>) dst(%dma_wait3A_334 : memref<40x384xf32, #tpu.memory_space<vmem_shared>>)
      tpu.yield
    }) : () -> ()
    %barrier3A_242 = arith.constant 0 : index
    tpu.barrier barrier_id(%barrier3A_242)
    %eq3A_243 = arith.constant 0 : i32
    %eq3A_244 = arith.cmpi eq, %arg1, %eq3A_243 : i32
    %convert_element_type3A_245 = arith.extui %eq3A_244 : i1 to i32
    %cond3A_246 = arith.constant 0 : i32
    %cond3A_247 = arith.cmpi ne, %convert_element_type3A_245, %cond3A_246 : i32
    scf.if %cond3A_247 {
      %dma_start3A_306 = arith.constant 1 : i32
      %dma_start3A_307 = arith.constant 77 : i32
      %dma_start3A_308 = arith.constant 0 : i32
      %dma_start3A_309 = arith.constant 0 : i32
      %dma_start3A_310 = arith.constant 0 : i32
      %dma_start3A_311 = tpu.memref_slice %arg4[%dma_start3A_307, %arg0, %dma_start3A_308, %dma_start3A_309, %dma_start3A_310] : memref<80x2x16x40x384xf32, #tpu.memory_space<hbm>> -> memref<1x1x16x40x384xf32, #tpu.memory_space<hbm>>
      %dma_start3A_312 = tpu.memref_squeeze %dma_start3A_311 : memref<1x1x16x40x384xf32, #tpu.memory_space<hbm>> -> memref<16x40x384xf32, #tpu.memory_space<hbm>>
      %dma_start3A_313 = arith.constant 0 : i32
      %dma_start3A_314 = arith.constant 0 : i32
      %dma_start3A_315 = arith.constant 0 : i32
      %dma_start3A_316 = tpu.memref_slice %arg7[%dma_start3A_306, %dma_start3A_313, %dma_start3A_314, %dma_start3A_315] : memref<2x16x40x384xf32, #tpu.memory_space<vmem_shared>> -> memref<1x16x40x384xf32, #tpu.memory_space<vmem_shared>>
      %dma_start3A_317 = tpu.memref_squeeze %dma_start3A_316 : memref<1x16x40x384xf32, #tpu.memory_space<vmem_shared>> -> memref<16x40x384xf32, #tpu.memory_space<vmem_shared>>
      tpu.enqueue_dma source(%dma_start3A_317 : memref<16x40x384xf32, #tpu.memory_space<vmem_shared>>) target(%dma_start3A_312 : memref<16x40x384xf32, #tpu.memory_space<hbm>>) target_semaphore(%arg13 : memref<!tpu.dma_semaphore, #tpu.memory_space<semaphore_mem>>)
    } else {
    }
    %dma_wait3A_248 = arith.constant 0 : i32
    %dma_wait3A_249 = arith.constant 2 : i32
    %dma_wait3A_250 = arith.constant 0 : i32
    %dma_wait3A_251 = arith.constant 0 : i32
    %dma_wait3A_252 = tpu.memref_slice %arg6[%dma_wait3A_249, %dma_wait3A_250, %dma_wait3A_251] : memref<4x40x384xf32, #tpu.memory_space<vmem>> -> memref<1x40x384xf32, #tpu.memory_space<vmem>>
    %dma_wait3A_253 = tpu.memref_squeeze %dma_wait3A_252 : memref<1x40x384xf32, #tpu.memory_space<vmem>> -> memref<40x384xf32, #tpu.memory_space<vmem>>
    %dma_wait3A_254 = arith.constant 0 : i32
    %dma_wait3A_255 = tpu.memref_slice %arg5[%dma_wait3A_248, %dma_wait3A_254] : memref<80x40xi32, #tpu.memory_space<vmem>> -> memref<1x40xi32, #tpu.memory_space<vmem>>
    %dma_wait3A_256 = tpu.memref_squeeze %dma_wait3A_255 : memref<1x40xi32, #tpu.memory_space<vmem>> -> memref<40xi32, #tpu.memory_space<vmem>>
    %dma_wait3A_257 = arith.constant 0 : i32
    %dma_wait3A_258 = arith.constant 0 : i32
    %dma_wait3A_259 = tpu.memref_slice %arg2[%dma_wait3A_257, %dma_wait3A_258] : memref<1024x384xf32, #tpu.memory_space<hbm>> -> memref<1024x384xf32, #tpu.memory_space<hbm>>
    tpu.wait_indirect_dma semaphore(%arg10 : memref<!tpu.dma_semaphore, #tpu.memory_space<semaphore_mem>>) src(%dma_wait3A_259 : memref<1024x384xf32, #tpu.memory_space<hbm>>) dst(%dma_wait3A_253 : memref<40x384xf32, #tpu.memory_space<vmem>>)
    %eq3A_260 = arith.constant 0 : i32
    %eq3A_261 = arith.cmpi eq, %arg1, %eq3A_260 : i32
    %convert_element_type3A_262 = arith.extui %eq3A_261 : i1 to i32
    %cond3A_263 = arith.constant 0 : i32
    %cond3A_264 = arith.cmpi ne, %convert_element_type3A_262, %cond3A_263 : i32
    scf.if %cond3A_264 {
      %dma_wait3A_306 = arith.constant 0 : i32
      %dma_wait3A_307 = arith.constant 0 : i32
      %dma_wait3A_308 = arith.constant 0 : i32
      %dma_wait3A_309 = arith.constant 0 : i32
      %dma_wait3A_310 = arith.constant 0 : i32
      %dma_wait3A_311 = tpu.memref_slice %arg4[%dma_wait3A_307, %arg0, %dma_wait3A_308, %dma_wait3A_309, %dma_wait3A_310] : memref<80x2x16x40x384xf32, #tpu.memory_space<hbm>> -> memref<1x1x16x40x384xf32, #tpu.memory_space<hbm>>
      %dma_wait3A_312 = tpu.memref_squeeze %dma_wait3A_311 : memref<1x1x16x40x384xf32, #tpu.memory_space<hbm>> -> memref<16x40x384xf32, #tpu.memory_space<hbm>>
      %dma_wait3A_313 = arith.constant 0 : i32
      %dma_wait3A_314 = arith.constant 0 : i32
      %dma_wait3A_315 = arith.constant 0 : i32
      %dma_wait3A_316 = tpu.memref_slice %arg7[%dma_wait3A_306, %dma_wait3A_313, %dma_wait3A_314, %dma_wait3A_315] : memref<2x16x40x384xf32, #tpu.memory_space<vmem_shared>> -> memref<1x16x40x384xf32, #tpu.memory_space<vmem_shared>>
      %dma_wait3A_317 = tpu.memref_squeeze %dma_wait3A_316 : memref<1x16x40x384xf32, #tpu.memory_space<vmem_shared>> -> memref<16x40x384xf32, #tpu.memory_space<vmem_shared>>
      tpu.wait_dma2 semaphore(%arg12 : memref<!tpu.dma_semaphore, #tpu.memory_space<semaphore_mem>>) src(%dma_wait3A_317 : memref<16x40x384xf32, #tpu.memory_space<vmem_shared>>) dst(%dma_wait3A_312 : memref<16x40x384xf32, #tpu.memory_space<hbm>>)
    } else {
    }
    %barrier3A_265 = arith.constant 0 : index
    tpu.barrier barrier_id(%barrier3A_265)
    %run_scoped3A_266 = arith.constant 2 : i32
    %run_scoped3A_267 = arith.constant 0 : i32
    "tpu.region"() ({
      %run_scoped3A_306 = tpu.sem_alloc : memref<!tpu.dma_semaphore, #tpu.memory_space<semaphore_mem>>
      %dma_start3A_307 = arith.constant 0 : i32
      %dma_start3A_308 = arith.constant 0 : i32
      %dma_start3A_309 = tpu.memref_slice %arg6[%run_scoped3A_266, %dma_start3A_307, %dma_start3A_308] : memref<4x40x384xf32, #tpu.memory_space<vmem>> -> memref<1x40x384xf32, #tpu.memory_space<vmem>>
      %dma_start3A_310 = tpu.memref_squeeze %dma_start3A_309 : memref<1x40x384xf32, #tpu.memory_space<vmem>> -> memref<40x384xf32, #tpu.memory_space<vmem>>
      %dma_start3A_311 = arith.constant 0 : i32
      %dma_start3A_312 = arith.constant 0 : i32
      %dma_start3A_313 = tpu.memref_slice %arg7[%run_scoped3A_267, %arg1, %dma_start3A_311, %dma_start3A_312] : memref<2x16x40x384xf32, #tpu.memory_space<vmem_shared>> -> memref<1x1x40x384xf32, #tpu.memory_space<vmem_shared>>
      %dma_start3A_314 = tpu.memref_squeeze %dma_start3A_313 : memref<1x1x40x384xf32, #tpu.memory_space<vmem_shared>> -> memref<40x384xf32, #tpu.memory_space<vmem_shared>>
      %dma_start3A_315 = arith.constant 0 : i32
      %dma_start3A_316 = arith.constant 0 : i32
      %dma_start3A_317 = tpu.memref_slice %arg7[%run_scoped3A_267, %arg1, %dma_start3A_315, %dma_start3A_316] : memref<2x16x40x384xf32, #tpu.memory_space<vmem_shared>> -> memref<1x1x40x384xf32, #tpu.memory_space<vmem_shared>>
      %dma_start3A_318 = tpu.memref_squeeze %dma_start3A_317 : memref<1x1x40x384xf32, #tpu.memory_space<vmem_shared>> -> memref<40x384xf32, #tpu.memory_space<vmem_shared>>
      %dma_start3A_319 = arith.constant 0 : i32
      %dma_start3A_320 = arith.constant 0 : i32
      %dma_start3A_321 = tpu.memref_slice %arg6[%run_scoped3A_266, %dma_start3A_319, %dma_start3A_320] : memref<4x40x384xf32, #tpu.memory_space<vmem>> -> memref<1x40x384xf32, #tpu.memory_space<vmem>>
      %dma_start3A_322 = tpu.memref_squeeze %dma_start3A_321 : memref<1x40x384xf32, #tpu.memory_space<vmem>> -> memref<40x384xf32, #tpu.memory_space<vmem>>
      tpu.enqueue_dma source(%dma_start3A_322 : memref<40x384xf32, #tpu.memory_space<vmem>>) target(%dma_start3A_318 : memref<40x384xf32, #tpu.memory_space<vmem_shared>>) target_semaphore(%run_scoped3A_306 : memref<!tpu.dma_semaphore, #tpu.memory_space<semaphore_mem>>)
      %dma_wait3A_323 = arith.constant 0 : i32
      %dma_wait3A_324 = arith.constant 0 : i32
      %dma_wait3A_325 = tpu.memref_slice %arg6[%run_scoped3A_266, %dma_wait3A_323, %dma_wait3A_324] : memref<4x40x384xf32, #tpu.memory_space<vmem>> -> memref<1x40x384xf32, #tpu.memory_space<vmem>>
      %dma_wait3A_326 = tpu.memref_squeeze %dma_wait3A_325 : memref<1x40x384xf32, #tpu.memory_space<vmem>> -> memref<40x384xf32, #tpu.memory_space<vmem>>
      %dma_wait3A_327 = arith.constant 0 : i32
      %dma_wait3A_328 = arith.constant 0 : i32
      %dma_wait3A_329 = tpu.memref_slice %arg7[%run_scoped3A_267, %arg1, %dma_wait3A_327, %dma_wait3A_328] : memref<2x16x40x384xf32, #tpu.memory_space<vmem_shared>> -> memref<1x1x40x384xf32, #tpu.memory_space<vmem_shared>>
      %dma_wait3A_330 = tpu.memref_squeeze %dma_wait3A_329 : memref<1x1x40x384xf32, #tpu.memory_space<vmem_shared>> -> memref<40x384xf32, #tpu.memory_space<vmem_shared>>
      %dma_wait3A_331 = arith.constant 0 : i32
      %dma_wait3A_332 = arith.constant 0 : i32
      %dma_wait3A_333 = tpu.memref_slice %arg7[%run_scoped3A_267, %arg1, %dma_wait3A_331, %dma_wait3A_332] : memref<2x16x40x384xf32, #tpu.memory_space<vmem_shared>> -> memref<1x1x40x384xf32, #tpu.memory_space<vmem_shared>>
      %dma_wait3A_334 = tpu.memref_squeeze %dma_wait3A_333 : memref<1x1x40x384xf32, #tpu.memory_space<vmem_shared>> -> memref<40x384xf32, #tpu.memory_space<vmem_shared>>
      %dma_wait3A_335 = arith.constant 0 : i32
      %dma_wait3A_336 = arith.constant 0 : i32
      %dma_wait3A_337 = tpu.memref_slice %arg6[%run_scoped3A_266, %dma_wait3A_335, %dma_wait3A_336] : memref<4x40x384xf32, #tpu.memory_space<vmem>> -> memref<1x40x384xf32, #tpu.memory_space<vmem>>
      %dma_wait3A_338 = tpu.memref_squeeze %dma_wait3A_337 : memref<1x40x384xf32, #tpu.memory_space<vmem>> -> memref<40x384xf32, #tpu.memory_space<vmem>>
      tpu.wait_dma2 semaphore(%run_scoped3A_306 : memref<!tpu.dma_semaphore, #tpu.memory_space<semaphore_mem>>) src(%dma_wait3A_338 : memref<40x384xf32, #tpu.memory_space<vmem>>) dst(%dma_wait3A_334 : memref<40x384xf32, #tpu.memory_space<vmem_shared>>)
      tpu.yield
    }) : () -> ()
    %barrier3A_268 = arith.constant 0 : index
    tpu.barrier barrier_id(%barrier3A_268)
    %eq3A_269 = arith.constant 0 : i32
    %eq3A_270 = arith.cmpi eq, %arg1, %eq3A_269 : i32
    %convert_element_type3A_271 = arith.extui %eq3A_270 : i1 to i32
    %cond3A_272 = arith.constant 0 : i32
    %cond3A_273 = arith.cmpi ne, %convert_element_type3A_271, %cond3A_272 : i32
    scf.if %cond3A_273 {
      %dma_start3A_306 = arith.constant 0 : i32
      %dma_start3A_307 = arith.constant 78 : i32
      %dma_start3A_308 = arith.constant 0 : i32
      %dma_start3A_309 = arith.constant 0 : i32
      %dma_start3A_310 = arith.constant 0 : i32
      %dma_start3A_311 = tpu.memref_slice %arg4[%dma_start3A_307, %arg0, %dma_start3A_308, %dma_start3A_309, %dma_start3A_310] : memref<80x2x16x40x384xf32, #tpu.memory_space<hbm>> -> memref<1x1x16x40x384xf32, #tpu.memory_space<hbm>>
      %dma_start3A_312 = tpu.memref_squeeze %dma_start3A_311 : memref<1x1x16x40x384xf32, #tpu.memory_space<hbm>> -> memref<16x40x384xf32, #tpu.memory_space<hbm>>
      %dma_start3A_313 = arith.constant 0 : i32
      %dma_start3A_314 = arith.constant 0 : i32
      %dma_start3A_315 = arith.constant 0 : i32
      %dma_start3A_316 = tpu.memref_slice %arg7[%dma_start3A_306, %dma_start3A_313, %dma_start3A_314, %dma_start3A_315] : memref<2x16x40x384xf32, #tpu.memory_space<vmem_shared>> -> memref<1x16x40x384xf32, #tpu.memory_space<vmem_shared>>
      %dma_start3A_317 = tpu.memref_squeeze %dma_start3A_316 : memref<1x16x40x384xf32, #tpu.memory_space<vmem_shared>> -> memref<16x40x384xf32, #tpu.memory_space<vmem_shared>>
      tpu.enqueue_dma source(%dma_start3A_317 : memref<16x40x384xf32, #tpu.memory_space<vmem_shared>>) target(%dma_start3A_312 : memref<16x40x384xf32, #tpu.memory_space<hbm>>) target_semaphore(%arg12 : memref<!tpu.dma_semaphore, #tpu.memory_space<semaphore_mem>>)
    } else {
    }
    %dma_wait3A_274 = arith.constant 0 : i32
    %dma_wait3A_275 = arith.constant 3 : i32
    %dma_wait3A_276 = arith.constant 0 : i32
    %dma_wait3A_277 = arith.constant 0 : i32
    %dma_wait3A_278 = tpu.memref_slice %arg6[%dma_wait3A_275, %dma_wait3A_276, %dma_wait3A_277] : memref<4x40x384xf32, #tpu.memory_space<vmem>> -> memref<1x40x384xf32, #tpu.memory_space<vmem>>
    %dma_wait3A_279 = tpu.memref_squeeze %dma_wait3A_278 : memref<1x40x384xf32, #tpu.memory_space<vmem>> -> memref<40x384xf32, #tpu.memory_space<vmem>>
    %dma_wait3A_280 = arith.constant 0 : i32
    %dma_wait3A_281 = tpu.memref_slice %arg5[%dma_wait3A_274, %dma_wait3A_280] : memref<80x40xi32, #tpu.memory_space<vmem>> -> memref<1x40xi32, #tpu.memory_space<vmem>>
    %dma_wait3A_282 = tpu.memref_squeeze %dma_wait3A_281 : memref<1x40xi32, #tpu.memory_space<vmem>> -> memref<40xi32, #tpu.memory_space<vmem>>
    %dma_wait3A_283 = arith.constant 0 : i32
    %dma_wait3A_284 = arith.constant 0 : i32
    %dma_wait3A_285 = tpu.memref_slice %arg2[%dma_wait3A_283, %dma_wait3A_284] : memref<1024x384xf32, #tpu.memory_space<hbm>> -> memref<1024x384xf32, #tpu.memory_space<hbm>>
    tpu.wait_indirect_dma semaphore(%arg11 : memref<!tpu.dma_semaphore, #tpu.memory_space<semaphore_mem>>) src(%dma_wait3A_285 : memref<1024x384xf32, #tpu.memory_space<hbm>>) dst(%dma_wait3A_279 : memref<40x384xf32, #tpu.memory_space<vmem>>)
    %eq3A_286 = arith.constant 0 : i32
    %eq3A_287 = arith.cmpi eq, %arg1, %eq3A_286 : i32
    %convert_element_type3A_288 = arith.extui %eq3A_287 : i1 to i32
    %cond3A_289 = arith.constant 0 : i32
    %cond3A_290 = arith.cmpi ne, %convert_element_type3A_288, %cond3A_289 : i32
    scf.if %cond3A_290 {
      %dma_wait3A_306 = arith.constant 1 : i32
      %dma_wait3A_307 = arith.constant 0 : i32
      %dma_wait3A_308 = arith.constant 0 : i32
      %dma_wait3A_309 = arith.constant 0 : i32
      %dma_wait3A_310 = arith.constant 0 : i32
      %dma_wait3A_311 = tpu.memref_slice %arg4[%dma_wait3A_307, %arg0, %dma_wait3A_308, %dma_wait3A_309, %dma_wait3A_310] : memref<80x2x16x40x384xf32, #tpu.memory_space<hbm>> -> memref<1x1x16x40x384xf32, #tpu.memory_space<hbm>>
      %dma_wait3A_312 = tpu.memref_squeeze %dma_wait3A_311 : memref<1x1x16x40x384xf32, #tpu.memory_space<hbm>> -> memref<16x40x384xf32, #tpu.memory_space<hbm>>
      %dma_wait3A_313 = arith.constant 0 : i32
      %dma_wait3A_314 = arith.constant 0 : i32
      %dma_wait3A_315 = arith.constant 0 : i32
      %dma_wait3A_316 = tpu.memref_slice %arg7[%dma_wait3A_306, %dma_wait3A_313, %dma_wait3A_314, %dma_wait3A_315] : memref<2x16x40x384xf32, #tpu.memory_space<vmem_shared>> -> memref<1x16x40x384xf32, #tpu.memory_space<vmem_shared>>
      %dma_wait3A_317 = tpu.memref_squeeze %dma_wait3A_316 : memref<1x16x40x384xf32, #tpu.memory_space<vmem_shared>> -> memref<16x40x384xf32, #tpu.memory_space<vmem_shared>>
      tpu.wait_dma2 semaphore(%arg13 : memref<!tpu.dma_semaphore, #tpu.memory_space<semaphore_mem>>) src(%dma_wait3A_317 : memref<16x40x384xf32, #tpu.memory_space<vmem_shared>>) dst(%dma_wait3A_312 : memref<16x40x384xf32, #tpu.memory_space<hbm>>)
    } else {
    }
    %barrier3A_291 = arith.constant 0 : index
    tpu.barrier barrier_id(%barrier3A_291)
    %run_scoped3A_292 = arith.constant 3 : i32
    %run_scoped3A_293 = arith.constant 1 : i32
    "tpu.region"() ({
      %run_scoped3A_306 = tpu.sem_alloc : memref<!tpu.dma_semaphore, #tpu.memory_space<semaphore_mem>>
      %dma_start3A_307 = arith.constant 0 : i32
      %dma_start3A_308 = arith.constant 0 : i32
      %dma_start3A_309 = tpu.memref_slice %arg6[%run_scoped3A_292, %dma_start3A_307, %dma_start3A_308] : memref<4x40x384xf32, #tpu.memory_space<vmem>> -> memref<1x40x384xf32, #tpu.memory_space<vmem>>
      %dma_start3A_310 = tpu.memref_squeeze %dma_start3A_309 : memref<1x40x384xf32, #tpu.memory_space<vmem>> -> memref<40x384xf32, #tpu.memory_space<vmem>>
      %dma_start3A_311 = arith.constant 0 : i32
      %dma_start3A_312 = arith.constant 0 : i32
      %dma_start3A_313 = tpu.memref_slice %arg7[%run_scoped3A_293, %arg1, %dma_start3A_311, %dma_start3A_312] : memref<2x16x40x384xf32, #tpu.memory_space<vmem_shared>> -> memref<1x1x40x384xf32, #tpu.memory_space<vmem_shared>>
      %dma_start3A_314 = tpu.memref_squeeze %dma_start3A_313 : memref<1x1x40x384xf32, #tpu.memory_space<vmem_shared>> -> memref<40x384xf32, #tpu.memory_space<vmem_shared>>
      %dma_start3A_315 = arith.constant 0 : i32
      %dma_start3A_316 = arith.constant 0 : i32
      %dma_start3A_317 = tpu.memref_slice %arg7[%run_scoped3A_293, %arg1, %dma_start3A_315, %dma_start3A_316] : memref<2x16x40x384xf32, #tpu.memory_space<vmem_shared>> -> memref<1x1x40x384xf32, #tpu.memory_space<vmem_shared>>
      %dma_start3A_318 = tpu.memref_squeeze %dma_start3A_317 : memref<1x1x40x384xf32, #tpu.memory_space<vmem_shared>> -> memref<40x384xf32, #tpu.memory_space<vmem_shared>>
      %dma_start3A_319 = arith.constant 0 : i32
      %dma_start3A_320 = arith.constant 0 : i32
      %dma_start3A_321 = tpu.memref_slice %arg6[%run_scoped3A_292, %dma_start3A_319, %dma_start3A_320] : memref<4x40x384xf32, #tpu.memory_space<vmem>> -> memref<1x40x384xf32, #tpu.memory_space<vmem>>
      %dma_start3A_322 = tpu.memref_squeeze %dma_start3A_321 : memref<1x40x384xf32, #tpu.memory_space<vmem>> -> memref<40x384xf32, #tpu.memory_space<vmem>>
      tpu.enqueue_dma source(%dma_start3A_322 : memref<40x384xf32, #tpu.memory_space<vmem>>) target(%dma_start3A_318 : memref<40x384xf32, #tpu.memory_space<vmem_shared>>) target_semaphore(%run_scoped3A_306 : memref<!tpu.dma_semaphore, #tpu.memory_space<semaphore_mem>>)
      %dma_wait3A_323 = arith.constant 0 : i32
      %dma_wait3A_324 = arith.constant 0 : i32
      %dma_wait3A_325 = tpu.memref_slice %arg6[%run_scoped3A_292, %dma_wait3A_323, %dma_wait3A_324] : memref<4x40x384xf32, #tpu.memory_space<vmem>> -> memref<1x40x384xf32, #tpu.memory_space<vmem>>
      %dma_wait3A_326 = tpu.memref_squeeze %dma_wait3A_325 : memref<1x40x384xf32, #tpu.memory_space<vmem>> -> memref<40x384xf32, #tpu.memory_space<vmem>>
      %dma_wait3A_327 = arith.constant 0 : i32
      %dma_wait3A_328 = arith.constant 0 : i32
      %dma_wait3A_329 = tpu.memref_slice %arg7[%run_scoped3A_293, %arg1, %dma_wait3A_327, %dma_wait3A_328] : memref<2x16x40x384xf32, #tpu.memory_space<vmem_shared>> -> memref<1x1x40x384xf32, #tpu.memory_space<vmem_shared>>
      %dma_wait3A_330 = tpu.memref_squeeze %dma_wait3A_329 : memref<1x1x40x384xf32, #tpu.memory_space<vmem_shared>> -> memref<40x384xf32, #tpu.memory_space<vmem_shared>>
      %dma_wait3A_331 = arith.constant 0 : i32
      %dma_wait3A_332 = arith.constant 0 : i32
      %dma_wait3A_333 = tpu.memref_slice %arg7[%run_scoped3A_293, %arg1, %dma_wait3A_331, %dma_wait3A_332] : memref<2x16x40x384xf32, #tpu.memory_space<vmem_shared>> -> memref<1x1x40x384xf32, #tpu.memory_space<vmem_shared>>
      %dma_wait3A_334 = tpu.memref_squeeze %dma_wait3A_333 : memref<1x1x40x384xf32, #tpu.memory_space<vmem_shared>> -> memref<40x384xf32, #tpu.memory_space<vmem_shared>>
      %dma_wait3A_335 = arith.constant 0 : i32
      %dma_wait3A_336 = arith.constant 0 : i32
      %dma_wait3A_337 = tpu.memref_slice %arg6[%run_scoped3A_292, %dma_wait3A_335, %dma_wait3A_336] : memref<4x40x384xf32, #tpu.memory_space<vmem>> -> memref<1x40x384xf32, #tpu.memory_space<vmem>>
      %dma_wait3A_338 = tpu.memref_squeeze %dma_wait3A_337 : memref<1x40x384xf32, #tpu.memory_space<vmem>> -> memref<40x384xf32, #tpu.memory_space<vmem>>
      tpu.wait_dma2 semaphore(%run_scoped3A_306 : memref<!tpu.dma_semaphore, #tpu.memory_space<semaphore_mem>>) src(%dma_wait3A_338 : memref<40x384xf32, #tpu.memory_space<vmem>>) dst(%dma_wait3A_334 : memref<40x384xf32, #tpu.memory_space<vmem_shared>>)
      tpu.yield
    }) : () -> ()
    %barrier3A_294 = arith.constant 0 : index
    tpu.barrier barrier_id(%barrier3A_294)
    %eq3A_295 = arith.constant 0 : i32
    %eq3A_296 = arith.cmpi eq, %arg1, %eq3A_295 : i32
    %convert_element_type3A_297 = arith.extui %eq3A_296 : i1 to i32
    %cond3A_298 = arith.constant 0 : i32
    %cond3A_299 = arith.cmpi ne, %convert_element_type3A_297, %cond3A_298 : i32
    scf.if %cond3A_299 {
      %dma_start3A_306 = arith.constant 1 : i32
      %dma_start3A_307 = arith.constant 79 : i32
      %dma_start3A_308 = arith.constant 0 : i32
      %dma_start3A_309 = arith.constant 0 : i32
      %dma_start3A_310 = arith.constant 0 : i32
      %dma_start3A_311 = tpu.memref_slice %arg4[%dma_start3A_307, %arg0, %dma_start3A_308, %dma_start3A_309, %dma_start3A_310] : memref<80x2x16x40x384xf32, #tpu.memory_space<hbm>> -> memref<1x1x16x40x384xf32, #tpu.memory_space<hbm>>
      %dma_start3A_312 = tpu.memref_squeeze %dma_start3A_311 : memref<1x1x16x40x384xf32, #tpu.memory_space<hbm>> -> memref<16x40x384xf32, #tpu.memory_space<hbm>>
      %dma_start3A_313 = arith.constant 0 : i32
      %dma_start3A_314 = arith.constant 0 : i32
      %dma_start3A_315 = arith.constant 0 : i32
      %dma_start3A_316 = tpu.memref_slice %arg7[%dma_start3A_306, %dma_start3A_313, %dma_start3A_314, %dma_start3A_315] : memref<2x16x40x384xf32, #tpu.memory_space<vmem_shared>> -> memref<1x16x40x384xf32, #tpu.memory_space<vmem_shared>>
      %dma_start3A_317 = tpu.memref_squeeze %dma_start3A_316 : memref<1x16x40x384xf32, #tpu.memory_space<vmem_shared>> -> memref<16x40x384xf32, #tpu.memory_space<vmem_shared>>
      tpu.enqueue_dma source(%dma_start3A_317 : memref<16x40x384xf32, #tpu.memory_space<vmem_shared>>) target(%dma_start3A_312 : memref<16x40x384xf32, #tpu.memory_space<hbm>>) target_semaphore(%arg13 : memref<!tpu.dma_semaphore, #tpu.memory_space<semaphore_mem>>)
    } else {
    }
    %eq3A_300 = arith.constant 0 : i32
    %eq3A_301 = arith.cmpi eq, %arg1, %eq3A_300 : i32
    %convert_element_type3A_302 = arith.extui %eq3A_301 : i1 to i32
    %cond3A_303 = arith.constant 0 : i32
    %cond3A_304 = arith.cmpi ne, %convert_element_type3A_302, %cond3A_303 : i32
    scf.if %cond3A_304 {
      %dma_wait3A_306 = arith.constant 0 : i32
      %dma_wait3A_307 = arith.constant 0 : i32
      %dma_wait3A_308 = arith.constant 0 : i32
      %dma_wait3A_309 = arith.constant 0 : i32
      %dma_wait3A_310 = arith.constant 0 : i32
      %dma_wait3A_311 = tpu.memref_slice %arg4[%dma_wait3A_307, %arg0, %dma_wait3A_308, %dma_wait3A_309, %dma_wait3A_310] : memref<80x2x16x40x384xf32, #tpu.memory_space<hbm>> -> memref<1x1x16x40x384xf32, #tpu.memory_space<hbm>>
      %dma_wait3A_312 = tpu.memref_squeeze %dma_wait3A_311 : memref<1x1x16x40x384xf32, #tpu.memory_space<hbm>> -> memref<16x40x384xf32, #tpu.memory_space<hbm>>
      %dma_wait3A_313 = arith.constant 0 : i32
      %dma_wait3A_314 = arith.constant 0 : i32
      %dma_wait3A_315 = arith.constant 0 : i32
      %dma_wait3A_316 = tpu.memref_slice %arg7[%dma_wait3A_306, %dma_wait3A_313, %dma_wait3A_314, %dma_wait3A_315] : memref<2x16x40x384xf32, #tpu.memory_space<vmem_shared>> -> memref<1x16x40x384xf32, #tpu.memory_space<vmem_shared>>
      %dma_wait3A_317 = tpu.memref_squeeze %dma_wait3A_316 : memref<1x16x40x384xf32, #tpu.memory_space<vmem_shared>> -> memref<16x40x384xf32, #tpu.memory_space<vmem_shared>>
      tpu.wait_dma2 semaphore(%arg12 : memref<!tpu.dma_semaphore, #tpu.memory_space<semaphore_mem>>) src(%dma_wait3A_317 : memref<16x40x384xf32, #tpu.memory_space<vmem_shared>>) dst(%dma_wait3A_312 : memref<16x40x384xf32, #tpu.memory_space<hbm>>)
      %dma_wait3A_318 = arith.constant 1 : i32
      %dma_wait3A_319 = arith.constant 0 : i32
      %dma_wait3A_320 = arith.constant 0 : i32
      %dma_wait3A_321 = arith.constant 0 : i32
      %dma_wait3A_322 = arith.constant 0 : i32
      %dma_wait3A_323 = tpu.memref_slice %arg4[%dma_wait3A_319, %arg0, %dma_wait3A_320, %dma_wait3A_321, %dma_wait3A_322] : memref<80x2x16x40x384xf32, #tpu.memory_space<hbm>> -> memref<1x1x16x40x384xf32, #tpu.memory_space<hbm>>
      %dma_wait3A_324 = tpu.memref_squeeze %dma_wait3A_323 : memref<1x1x16x40x384xf32, #tpu.memory_space<hbm>> -> memref<16x40x384xf32, #tpu.memory_space<hbm>>
      %dma_wait3A_325 = arith.constant 0 : i32
      %dma_wait3A_326 = arith.constant 0 : i32
      %dma_wait3A_327 = arith.constant 0 : i32
      %dma_wait3A_328 = tpu.memref_slice %arg7[%dma_wait3A_318, %dma_wait3A_325, %dma_wait3A_326, %dma_wait3A_327] : memref<2x16x40x384xf32, #tpu.memory_space<vmem_shared>> -> memref<1x16x40x384xf32, #tpu.memory_space<vmem_shared>>
      %dma_wait3A_329 = tpu.memref_squeeze %dma_wait3A_328 : memref<1x16x40x384xf32, #tpu.memory_space<vmem_shared>> -> memref<16x40x384xf32, #tpu.memory_space<vmem_shared>>
      tpu.wait_dma2 semaphore(%arg13 : memref<!tpu.dma_semaphore, #tpu.memory_space<semaphore_mem>>) src(%dma_wait3A_329 : memref<16x40x384xf32, #tpu.memory_space<vmem_shared>>) dst(%dma_wait3A_324 : memref<16x40x384xf32, #tpu.memory_space<hbm>>)
    } else {
    }
    %barrier3A_305 = arith.constant 0 : index
    tpu.barrier barrier_id(%barrier3A_305)
    return
  }
}

</mosaic_0001>

<sc_bundles>
// kernel: kernel.3.cloned.1.call-start
scs
__scs_entry_jumppad:
0x0: {  	(pc) =	sbr.rel $0x88, $3  }
0x1: {  	(tag) =	ssettag $0x0;
	lr =	simm.s32 $0x1  }
0x2: {  	[smem:$0x3F9E] =	sst lr;
	_ =	strace $0xD0000000  }
0x3: {  	_ = 	snop  }
0x4: {  	_ = 	snop  }
0x5: {  	_ = 	snop  }
0x6: {  	_ = 	snop  }
0x7: {  	_ = 	snop  }
__scs_overlays_trampoline_lowered:
0x8: {  	[smem:$0x3FAD] =	sst s0  }
0x9: {  	[smem:$0x3FAE] =	sst s1  }
0xa: {  	[smem:$0x3FAF] =	sst s2  }
0xb: {  	[smem:$0x3FB0] =	sst s3  }
0xc: {  	[smem:$0x3FB1] =	sst s4  }
0xd: {  	[smem:$0x3FB2] =	sst s5  }
0xe: {  	[smem:$0x3FB3] =	sst s6  }
0xf: {  	[smem:$0x3FB4] =	sst s7  }
0x10: {  	[smem:$0x3FB5] =	sst s8  }
0x11: {  	[smem:$0x3FB6] =	sst s9;
	s0 =	simm.s32 @!p0 $0x0  }
0x12: {  	s1 =	sld [smem:$0x3F9C];
	s0 =	simm.s32 @p0 $0x1  }
0x13: {  	[smem:$0x3FB7] =	sst s0;
	s0 =	simm.s32 @!p1 $0x0  }
0x14: {  	s2 =	sld [smem:$0x3F9B];
	s0 =	simm.s32 @p1 $0x1  }
0x15: {  	[smem:$0x3FB8] =	sst s0;
	s0 =	simm.s32 @!p2 $0x0  }
0x16: {  	s3 =	sld [smem:$0x3FDB];
	s0 =	simm.s32 @p2 $0x1  }
0x17: {  	s4 =	simm.s32 $0x1BF5;
	[smem:$0x3FBA] =	sst s0  }
0x18: {  	s0 =	sld [smem:$0x3F9D];
	_ =	swait.ge [sflag:s4], $0x0  }
0x19: {  	s7 =	sld [smem:$0x3F9E]  }
0x1a: {  	s8 =	sadd.s32 $0xFFFFE003, lr  }
0x1b: {  	s9 =	sadd.s32 $0xFFFFFEF7, lr;
	s5 =	simm.s32 $0xFFFFFFFF;
	p2 =	slt.u32 s8, $0xFFFFF086  }
0x1c: {  	p1 =	slt.u32 s9, $0xF7A;
	s5 =	simm.s32 @!p2 $0x0  }
0x1d: {  	s5 =	simm.s32 @p1 $0x1;
	p0 =	seq.s32 s7, s2  }
0x1e: {  	s7 =	smul.u32 @!p0 $0xF7A, s2;
	p2 =	seq.s32 @!p0 s5, $0x0  }
0x1f: {  	s9 =	smul.u32 $0xF7A, s1;
	s8 =	simm.s32 @!p0 $0x1BF5;
	p2 =	por !p2, p0  }
0x20: {  	[sflag:s8] =	ssyncset.s32 @!p0 $0xFFFFF086;
	s6 =	sadd.s32 @!p0 s3, s7;
	s7 =	simm.s32 @!p0 $0x108  }
0x21: {  	s3 =	sadd.s32 s3, s9;
	s6 =	sadd.s32 @!p0 $0x88, s6;
	s7 =	simm.s32 @p2 $0x1082  }
0x22: {  	[simem:s7], [sflag:s8] =	dma.local @!p0 [hbm:s6], $0xF7A  }
0x23: {  	s9 =	sor.u32 $0xD0000000, s2;
	s6 =	simm.s32 $0x108;
	_ =	swait.ge @!p0 [sflag:s8], $0x0  }
0x24: {  	s3 =	sadd.s32 $0x88, s3;
	s6 =	simm.s32 @!p1 $0x1082;
	[sflag:s4] =	ssyncset.s32 $0xFFFFF086  }
0x25: {  	[simem:s6], [sflag:s4] =	dma.local [hbm:s3], $0xF7A  }
0x26: {  	[smem:$0x3F9E] =	sst s1;
	(tag) =	ssettag s2;
	_ =	strace s9  }
0x27: {  	s1 =	sld [smem:$0x3FAE]  }
0x28: {  	s2 =	sld [smem:$0x3FAF]  }
0x29: {  	s4 =	sld [smem:$0x3FB1]  }
0x2a: {  	p0 =	seq.s32 s5, $0x0;
	s5 =	sld [smem:$0x3FB2]  }
0x2b: {  	s6 =	sld [smem:$0x3FB3]  }
0x2c: {  	s7 =	sld [smem:$0x3FB4]  }
0x2d: {  	s3 =	simm.s32 $0x108;
	s8 =	sld [smem:$0x3FB5]  }
0x2e: {  	s3 =	simm.s32 @!p0 $0x1082;
	s9 =	sld [smem:$0x3FB6]  }
0x2f: {  	lr =	sadd.s32 s0, s3;
	s0 =	sld [smem:$0x3FAD]  }
0x30: {  	s3 =	sld [smem:$0x3FB0]  }
0x31: {  	[smem:$0x3FB9] =	sst s10  }
0x32: {  	s10 =	sld [smem:$0x3FB7];
	_ =	sdelay $0x3  }
0x33: {  	p0 =	seq.s32 s10, $0x1;
	s10 =	sld [smem:$0x3FB9];
	_ =	sdelay $0x3  }
0x34: {  	[smem:$0x3FB9] =	sst s10  }
0x35: {  	s10 =	sld [smem:$0x3FB8];
	_ =	sdelay $0x3  }
0x36: {  	p1 =	seq.s32 s10, $0x1;
	s10 =	sld [smem:$0x3FB9];
	_ =	sdelay $0x3  }
0x37: {  	[smem:$0x3FB9] =	sst s10  }
0x38: {  	s10 =	sld [smem:$0x3FBA]  }
0x39: {  	_ = 	snop;
	(pc) =	sbr.ind lr, $3  }
0x3a: {  	_ = 	snop  }
0x3b: {  	_ = 	snop  }
0x3c: {  	p2 =	seq.s32 s10, $0x1;
	s10 =	sld [smem:$0x3FB9]  }
0x3d: {  	_ =	shalt  }
0x3e: {  	_ =	shalt  }
0x3f: {  	_ =	shalt  }
0x40: {  	_ =	shalt  }
0x41: {  	_ =	shalt  }
0x42: {  	_ =	shalt  }
0x43: {  	_ =	shalt  }
0x44: {  	_ =	shalt  }
0x45: {  	_ =	shalt  }
0x46: {  	_ =	shalt  }
0x47: {  	_ =	shalt  }
0x48: {  	_ =	shalt  }
0x49: {  	_ =	shalt  }
0x4a: {  	_ =	shalt  }
0x4b: {  	_ =	shalt  }
0x4c: {  	_ =	shalt  }
0x4d: {  	_ =	shalt  }
0x4e: {  	_ =	shalt  }
0x4f: {  	_ =	shalt  }
0x50: {  	_ =	shalt  }
0x51: {  	_ =	shalt  }
0x52: {  	_ =	shalt  }
0x53: {  	_ =	shalt  }
0x54: {  	_ =	shalt  }
0x55: {  	_ =	shalt  }
0x56: {  	_ =	shalt  }
0x57: {  	_ =	shalt  }
0x58: {  	_ =	shalt  }
0x59: {  	_ =	shalt  }
0x5a: {  	_ =	shalt  }
0x5b: {  	_ =	shalt  }
0x5c: {  	_ =	shalt  }
0x5d: {  	_ =	shalt  }
0x5e: {  	_ =	shalt  }
0x5f: {  	_ =	shalt  }
0x60: {  	_ =	shalt  }
0x61: {  	_ =	shalt  }
0x62: {  	_ =	shalt  }
0x63: {  	_ =	shalt  }
0x64: {  	_ =	shalt  }
0x65: {  	_ =	shalt  }
0x66: {  	_ =	shalt  }
0x67: {  	_ =	shalt  }
0x68: {  	_ =	shalt  }
0x69: {  	_ =	shalt  }
0x6a: {  	_ =	shalt  }
0x6b: {  	_ =	shalt  }
0x6c: {  	_ =	shalt  }
0x6d: {  	_ =	shalt  }
0x6e: {  	_ =	shalt  }
0x6f: {  	_ =	shalt  }
0x70: {  	_ =	shalt  }
0x71: {  	_ =	shalt  }
0x72: {  	_ =	shalt  }
0x73: {  	_ =	shalt  }
0x74: {  	_ =	shalt  }
0x75: {  	_ =	shalt  }
0x76: {  	_ =	shalt  }
0x77: {  	_ =	shalt  }
0x78: {  	_ =	shalt  }
0x79: {  	_ =	shalt  }
0x7a: {  	_ =	shalt  }
0x7b: {  	_ =	shalt  }
0x7c: {  	_ =	shalt  }
0x7d: {  	_ =	shalt  }
0x7e: {  	_ =	shalt  }
0x7f: {  	_ =	shalt  }
0x80: {  	_ =	shalt  }
0x81: {  	_ =	shalt  }
0x82: {  	_ =	shalt  }
0x83: {  	_ =	shalt  }
0x84: {  	_ =	shalt  }
0x85: {  	_ =	shalt  }
0x86: {  	_ =	shalt  }
0x87: {  	_ =	shalt  }
.Lfunc_end0:
.L_simem_size_0:
called_computation.1_lowered:
.L_overlay_start_0:
0x88: {  	s2 =	sld [smem:$0x3FD9]  }
0x89: {  	s3 =	sld [smem:$0x3FFE];
	_ =	sdelay $0x1  }
0x8a: {  	s1 =	srdreg.scid  }
0x8b: {  	s0 =	sand.u32 $0x1, s1  }
0x8c: {  	s17 =	sshll.u32 s0, $0xA;
	s2 =	sadd.s32 s3, s2  }
0x8d: {  	s2 =	sadd.s32 s2, s17  }
0x8e: {  	[smem:$0x3FC5] =	sst s2  }
0x8f: {  	_ = 	snop  }
0x90: {  	s2 =	sld [smem:$0x3FD0];
	(tm) =	ssettm $0x1  }
0x91: {  	s18 =	sld [smem:$0x3FFB];
	_ =	sdelay $0x3  }
0x92: {  	_ =	strace s18  }
0x93: {  	s3 =	sld [smem:$0x3FFC];
	_ =	sdelay $0x3  }
0x94: {  	_ =	strace s3  }
0x95: {  	s3 =	sld [smem:$0x3FFD];
	_ =	sdelay $0x3  }
0x96: {  	_ =	strace s3  }
0x97: {  	_ =	strace $0x8FFFFFFF  }
0x98: {  	s19 =	sld [smem:$0x3FDB];
	_ =	sdelay $0x1  }
0x99: {  	s4 =	simm.s32 $_scs_section_size  }
0x9a: {  	s5 =	simm.s32 $_size__tile_overlayer_lowered;
	s6 =	simm.s32 $_tile_overlayer_lowered  }
0x9b: {  	s22 =	simm.s32 $0x1BFF;
	s21 =	sshll.u32 s6, $0x1;
	s3 =	sadd.s32 s4, s19  }
0x9c: {  	s7 =	simm.s32 $0x0;
	s20 =	sshll.u32 s5, $0x1;
	s5 =	sadd.s32 s21, s3  }
0x9d: {  	[timem:s7], [sflag:s22] =	dma.local [hbm:s5], s20  }
0x9e: {  	_ =	swait.ge [sflag:s22], s20  }
0x9f: {  	s4 =	ssub.s32 $0x0, s20;
	[sflag:s22] =	ssyncset.done $0x0  }
0xa0: {  	[sflag:s22] =	ssyncadd.s32 s4;
	_ =	sdelay $0x1  }
0xa1: {  	s23 =	simm.s32 $0x1B8B  }
0xa2: {  	_ =	swait.ge [sflag:s23], $0x1  }
0xa3: {  	[sflag:s23] =	ssyncset.done $0x0  }
0xa4: {  	s25 =	simm.s32 $0x1B8E;
	s24 =	sld [smem:$0x3FFE];
	[sflag:s23] =	ssyncadd.s32 $0xFFFFFFFF  }
0xa5: {  	s26 =	simm.s32 $execute0_lowered;
	[smem:$0x3FD2] =	sst s25  }
0xa6: {  	s5 =	sshll.u32 s26, $0x1;
	_ =	strace $0x80000046;
	[dreg:$0x1] =	wrdreg $0xFFFFFFFF  }
0xa7: {  	s28 =	simm.s32 $_size_execute0_lowered;
	s3 =	sadd.s32 s3, s5;
	[dreg:$0x0] =	wrdreg $0x0  }
0xa8: {  	s5 =	sshll.u32 s28, $0x1;
	[dreg:$0x2] =	wrdreg s3  }
0xa9: {  	[dreg:$0x3] =	wrdreg s5  }
0xaa: {  	[dreg:$0x4] =	wrdreg $0xC0  }
0xab: {  	_ =	task [dreg:s7], $0x5FFFF  }
0xac: {  	[dreg:$0x1] =	wrdreg $0xFFFFFFFF  }
0xad: {  	[dreg:$0x0] =	wrdreg $0x60  }
0xae: {  	[dreg:$0x2] =	wrdreg s24  }
0xaf: {  	[dreg:$0x3] =	wrdreg s2  }
0xb0: {  	[dreg:$0x4] =	wrdreg $0x118000  }
0xb1: {  	[dreg:$0x5] =	wrdreg $0x9  }
0xb2: {  	_ =	task.clear_ibuf [dreg:s7], $0x6FFFF;
	_ =	strace $0x90000046  }
0xb3: {  	s29 =	simm.s32 $0x9;
	_ =	strace $0x80000048  }
0xb4: {  	_ =	swait.ge [sflag:s29], $0x1  }
0xb5: {  	[sflag:s29] =	ssyncadd.s32 $0xFFFFFFFF  }
0xb6: {  	_ =	strace $0x90000048  }
0xb7: {  	_ =	sfence  }
0xb8: {  	s30 =	sld [smem:$0x0];
	_ =	sdelay $0x2  }
0xb9: {  	s31 =	sshll.u32 s1, $0xD;
	s1 =	sshrl.u32 s1, $0x2  }
0xba: {  	s3 =	sand.u32 $0x4000, s31;
	s1 =	sadd.s32 s1, s30  }
0xbb: {  	s0 =	sor.u32 s3, s0;
	s1 =	sshll.u32 s1, $0x11  }
0xbc: {  	s0 =	sor.u32 s1, s0  }
0xbd: {  	s0 =	sadd.s32 $0x8F2B, s0  }
0xbe: {  	[sflag:s0] =	ssyncadd.remote.s32 $0x1  }
0xbf: {  	_ =	sfence.sel $0xFFFF  }
0xc0: {  	[dreg:$0x0] =	wrdreg $0xFFFFFFFF;
	(pc) =	sbr.abs _section_cstart, $3  }
0xc1: {  	[dreg:$0x1] =	wrdreg $0xFFFFFFFF  }
0xc2: {  	_ =	task.clear_ibuf [dreg:s7], $0x2FFFF;
	_ =	strace $0x9FFFFFFF  }
0xc3: {  	(tm) =	ssettm $0x7FFFFFFF  }
tec
execute0_lowered:
.L_overlay_start_1:
0x0: {  	(tag) =	ssettag $0x1  }
0x1: {  	s0 =	rddreg [dreg:$0x0]  }
0x2: {  	s1 =	rddreg [dreg:$0x1]  }
0x3: {  	s11 =	rddreg [dreg:$0x2]  }
0x4: {  	s2 =	simm.s32 $0x0;
	s4 =	stileid.u32;
	s6 =	srdreg.scid  }
0x5: {  	s28 =	simm.s32 $0x5800;
	s14 =	simm.s32 $0x6400;
	s29 =	simm.s32 $0x8800  }
0x6: {  	s30 =	simm.s32 $0x9000;
	s31 =	simm.s32 $0xA000;
	s12 =	simm.s32 $0x1  }
0x7: {  	[smem:$0x7FF] =	sst s2;
	s5 =	sshll.u32 s4, $0x4;
	s3 =	sadd.s32 $0xAC00, s0  }
0x8: {  	s6 =	sand.u32 $0x1, s6;
	s9 =	smul.u32 $0xF000, s4;
	s20 =	sadd.s32 $0x3C000, s11  }
0x9: {  	p0 =	sne.s32 s4, $0x0;
	s4 =	simm.s32 $0x0;
	_ =	strace $0x80000047  }
0xa: {  	s5 =	sadd.s32 s5, s0;
	s7 =	ssub.s32 $0x2, s6;
	s16 =	smul.u32 $0x3C000, s6  }
0xb: {  	s8 =	sshll.u32 s6, $0x8;
	s17 =	smul.u32 $0x7800, s6;
	[dreg:$0x6] =	wrdreg s20  }
0xc: {  	s20 =	simm.s32 $0x7;
	s10 =	sshrl.u32 s7, $0x1;
	s5 =	sadd.s32 s8, s5  }
0xd: {  	s18 =	sshrl.u32 s9, $0x2;
	s9 =	simm.s32 $0x3000;
	s10 =	ssub.s32 s7, s10  }
0xe: {  	s5 =	sadd.s32 $0xC00, s5;
	s8 =	sshrl.u32 s16, $0x3;
	s6 =	sadd.s32 s18, s11  }
0xf: {  	s13 =	sadd.s32 s1, s17;
	s11 =	simm.s32 $0x3C00;
	[dreg:$0x4] =	wrdreg s5  }
0x10: {  	s19 =	sadd.s32 s1, s8;
	s26 =	smax.u32 s10, $0x1;
	[dreg:$0xf] =	wrdreg s13  }
0x11: {  	s16 =	simm.s32 $0x4000;
	s1 =	sadd.s32 $0xF000, s19;
	[dreg:$0xd] =	wrdreg s26  }
0x12: {  	s17 =	simm.s32 $0x4800;
	s21 =	sadd.s32 $0x1E000, s19;
	[dreg:$0x5] =	wrdreg s1  }
0x13: {  	s18 =	simm.s32 $0x4C00;
	s22 =	sadd.s32 $0x2D000, s19;
	[dreg:$0x7] =	wrdreg s21  }
0x14: {  	s7 =	simm.s32 $0xD000;
	s23 =	sadd.s32 $0x474000, s19;
	[dreg:$0x8] =	wrdreg s22  }
0x15: {  	s5 =	sadd.s32 $0xAD00, s0;
	s24 =	sadd.s32 $0x483000, s19;
	[dreg:$0x9] =	wrdreg s23  }
0x16: {  	s8 =	sadd.s32 $0x3C000, s6;
	s25 =	sadd.s32 $0x492000, s19;
	[dreg:$0xa] =	wrdreg s24  }
0x17: {  	s10 =	simm.s32 $0x3400;
	s0 =	sadd.s32 $0x4A1000, s19;
	[dreg:$0xb] =	wrdreg s25  }
0x18: {  	v3 =	vlaneseq.u32;
	vm0 =	vmmov $0xffff;
	vm1 =	vmmov $0xff;
	s19 =	simm.s32 $0x5400;
	s26 =	simm.s32 $0x7C00;
	[dreg:$0xc] =	wrdreg s0  }
0x19: {  	v0 =	vand.u32 $0x1, v3;
	v2 =	vshrl.u32 v3, $0x3;
	v1 =	vand.u32 $0x7, v3;
	s0 =	simm.s32 $0x2800;
	s22 =	simm.s32 $0x6000;
	s23 =	simm.s32 $0x6C00  }
0x1a: {  	v3 =	vor.u32 $0x8, v3;
	v0 =	vmul.u32 $0x200, v0;
	v2 =	vmul.u32 $0x8, v2;
	s24 =	simm.s32 $0x7000;
	s25 =	simm.s32 $0x7800;
	s21 =	simm.s32 $0x8400  }
.LBB2_1:
0x1b: {  	[dreg:$0xe] =	wrdreg s4  }
0x1c: {  	s1 =	rddreg [dreg:$0x4];
	s15 =	simm.s32 $0x80;
	s13 =	simm.s32 $0x1000  }
0x1d: {  	[tilespmem:s2], [sflag:$0x7] =	stream.strided.gather [hbm4b:s1+s15], $0x2800, s13, s15, $0x38;
	[tilespmem:$0x19000] =	vst v63  }
0x1e: {  	_ =	swait.ge [sflag:s20], $0x2800  }
0x1f: {  	[sflag:s20] =	ssyncset.done $0x0  }
0x20: {  	s1 =	simm.s32 $0x0;
	[sflag:s20] =	ssyncadd.s32 $0xFFFFD800  }
0x21: {  	v5 =	vld [tilespmem:s1+$0x0]  }
0x22: {  	s13 =	simm.s32 $0x200;
	v4 =	vld [tilespmem:s1+$0x10]  }
.LBB2_2:
0x23: {  	p1 =	sne.s32 s13, $0x9E00;
	v6 =	vld [tilespmem:s1+$0x20];
	_ =	sdelay $0x1  }
.Ltmp0:
0x24: {  	(pc) =	sbr.rel @p1 .LBB2_2-.Ltmp0, $4  }
0x25: {  	v5 =	vadd.s32 v0, v5  }
0x26: {  	s15 =	sshra.s32 s13, $0x2;
	[tilespmem:s1+$0x0] =	vst v5;
	v4 =	vadd.s32 v0, v4  }
0x27: {  	v5 =	vld [tilespmem:s15+$0x0];
	[tilespmem:s1+$0x10] =	vst v4;
	v6 =	vadd.s32 v0, v6  }
0x28: {  	s13 =	sadd.s32 $0x200, s13;
	v4 =	vld [tilespmem:s15+$0x10];
	[tilespmem:s1+$0x20] =	vst v6;
	s1 =	smov.u32 s15  }
0x29: {  	v6 =	vld [tilespmem:s1+$0x20];
	_ =	sdelay $0x2  }
0x2a: {  	v5 =	vadd.s32 v0, v5  }
0x2b: {  	[tilespmem:s1+$0x0] =	vst v5;
	v4 =	vadd.s32 v0, v4  }
0x2c: {  	[tilespmem:s1+$0x10] =	vst v4;
	v4 =	vadd.s32 v0, v6  }
0x2d: {  	[tilespmem:s1+$0x20] =	vst v4  }
0x2e: {  	v4 =	vld [tilespmem:$0x0];
	_ =	sdelay $0x4  }
0x2f: {  	v5 =	vshrl.u32 v4, $0x3  }
0x30: {  	v5 =	vmul.u32 $0x18, v5  }
0x31: {  	v4 =	vand.u32 $0x7, v4  }
0x32: {  	v4 =	vor.u32 v4, v5  }
0x33: {  	v5 =	vperm.xlane v4, v1;
	_ =	sdelay $0x1  }
0x34: {  	v5 =	vadd.s32 v2, v5;
	_ =	sdelay $0x1  }
0x35: {  	v4 =	vperm.xlane v4, v3;
	_ =	sdelay $0x1  }
0x36: {  	v4 =	vadd.s32 v2, v4  }
0x37: {  	[tilespmem:s0], [sflag:$0x1] =	stream.indirect_vreg.gather [hbm4b:s3+s2], $0x80, v5, vm0, $0xb8;
	[tilespmem:$0x19000] =	vst v63  }
0x38: {  	_ = 	snop  }
0x39: {  	[tilespmem:s9], [sflag:$0x1] =	stream.indirect_vreg.gather [hbm4b:s5+s2], $0x80, v5, vm1, $0xb8;
	[tilespmem:$0x19000] =	vst v63  }
0x3a: {  	_ = 	snop  }
0x3b: {  	[tilespmem:s10], [sflag:$0x1] =	stream.indirect_vreg.gather [hbm4b:s3+s2], $0x80, v4, vm0, $0xb8;
	[tilespmem:$0x19000] =	vst v63  }
0x3c: {  	_ = 	snop  }
0x3d: {  	[tilespmem:s11], [sflag:$0x1] =	stream.indirect_vreg.gather [hbm4b:s5+s2], $0x80, v4, vm1, $0xb8;
	[tilespmem:$0x19000] =	vst v63  }
0x3e: {  	v4 =	vld [tilespmem:$0x10];
	_ =	sdelay $0x4  }
0x3f: {  	v5 =	vshrl.u32 v4, $0x3  }
0x40: {  	v5 =	vmul.u32 $0x18, v5  }
0x41: {  	v4 =	vand.u32 $0x7, v4  }
0x42: {  	v4 =	vor.u32 v4, v5  }
0x43: {  	v5 =	vperm.xlane v4, v1;
	_ =	sdelay $0x1  }
0x44: {  	v5 =	vadd.s32 v2, v5;
	_ =	sdelay $0x1  }
0x45: {  	v4 =	vperm.xlane v4, v3;
	_ =	sdelay $0x1  }
0x46: {  	v4 =	vadd.s32 v2, v4  }
0x47: {  	[tilespmem:s16], [sflag:$0x1] =	stream.indirect_vreg.gather [hbm4b:s3+s2], $0x80, v5, vm0, $0xb8;
	[tilespmem:$0x19000] =	vst v63  }
0x48: {  	_ = 	snop  }
0x49: {  	[tilespmem:s17], [sflag:$0x1] =	stream.indirect_vreg.gather [hbm4b:s5+s2], $0x80, v5, vm1, $0xb8;
	[tilespmem:$0x19000] =	vst v63  }
0x4a: {  	_ = 	snop  }
0x4b: {  	[tilespmem:s18], [sflag:$0x1] =	stream.indirect_vreg.gather [hbm4b:s3+s2], $0x80, v4, vm0, $0xb8;
	[tilespmem:$0x19000] =	vst v63  }
0x4c: {  	_ = 	snop  }
0x4d: {  	[tilespmem:s19], [sflag:$0x1] =	stream.indirect_vreg.gather [hbm4b:s5+s2], $0x80, v4, vm1, $0xb8;
	[tilespmem:$0x19000] =	vst v63  }
0x4e: {  	v4 =	vld.msk [tilespmem:$0x20], $0xff;
	_ =	sdelay $0x4  }
0x4f: {  	v5 =	vshrl.u32 v4, $0x3  }
0x50: {  	v5 =	vmul.u32 $0x18, v5  }
0x51: {  	v4 =	vand.u32 $0x7, v4  }
0x52: {  	v4 =	vor.u32 v4, v5  }
0x53: {  	v4 =	vperm.xlane v4, v1;
	_ =	sdelay $0x1  }
0x54: {  	v4 =	vadd.s32 v2, v4;
	_ =	sdelay $0x4  }
0x55: {  	[tilespmem:s28], [sflag:$0x1] =	stream.indirect_vreg.gather [hbm4b:s3+s2], $0x80, v4, vm0, $0xb8;
	[tilespmem:$0x19000] =	vst v63  }
0x56: {  	_ = 	snop  }
0x57: {  	[tilespmem:s22], [sflag:$0x1] =	stream.indirect_vreg.gather [hbm4b:s5+s2], $0x80, v4, vm1, $0xb8;
	[tilespmem:$0x19000] =	vst v63  }
0x58: {  	v4 =	vld [tilespmem:$0x80];
	_ =	sdelay $0x4  }
0x59: {  	v5 =	vshrl.u32 v4, $0x3  }
0x5a: {  	v5 =	vmul.u32 $0x18, v5  }
0x5b: {  	v4 =	vand.u32 $0x7, v4  }
0x5c: {  	v4 =	vor.u32 v4, v5  }
0x5d: {  	v5 =	vperm.xlane v4, v1;
	_ =	sdelay $0x1  }
0x5e: {  	v5 =	vadd.s32 v2, v5;
	_ =	sdelay $0x1  }
0x5f: {  	v4 =	vperm.xlane v4, v3;
	_ =	sdelay $0x1  }
0x60: {  	v4 =	vadd.s32 v2, v4  }
0x61: {  	[tilespmem:s14], [sflag:$0x2] =	stream.indirect_vreg.gather [hbm4b:s3+s2], $0x80, v5, vm0, $0xb8;
	[tilespmem:$0x19000] =	vst v63  }
0x62: {  	_ = 	snop  }
0x63: {  	[tilespmem:s23], [sflag:$0x2] =	stream.indirect_vreg.gather [hbm4b:s5+s2], $0x80, v5, vm1, $0xb8;
	[tilespmem:$0x19000] =	vst v63  }
0x64: {  	_ = 	snop  }
0x65: {  	[tilespmem:s24], [sflag:$0x2] =	stream.indirect_vreg.gather [hbm4b:s3+s2], $0x80, v4, vm0, $0xb8;
	[tilespmem:$0x19000] =	vst v63  }
0x66: {  	_ = 	snop  }
0x67: {  	[tilespmem:s25], [sflag:$0x2] =	stream.indirect_vreg.gather [hbm4b:s5+s2], $0x80, v4, vm1, $0xb8;
	[tilespmem:$0x19000] =	vst v63  }
0x68: {  	v4 =	vld [tilespmem:$0x90];
	_ =	sdelay $0x4  }
0x69: {  	v5 =	vshrl.u32 v4, $0x3  }
0x6a: {  	v5 =	vmul.u32 $0x18, v5  }
0x6b: {  	v4 =	vand.u32 $0x7, v4  }
0x6c: {  	v4 =	vor.u32 v4, v5  }
0x6d: {  	v5 =	vperm.xlane v4, v1;
	_ =	sdelay $0x1  }
0x6e: {  	v5 =	vadd.s32 v2, v5;
	_ =	sdelay $0x1  }
0x6f: {  	v4 =	vperm.xlane v4, v3;
	_ =	sdelay $0x1  }
0x70: {  	v4 =	vadd.s32 v2, v4  }
0x71: {  	[tilespmem:s26], [sflag:$0x2] =	stream.indirect_vreg.gather [hbm4b:s3+s2], $0x80, v5, vm0, $0xb8;
	[tilespmem:$0x19000] =	vst v63  }
0x72: {  	_ = 	snop  }
0x73: {  	[tilespmem:s21], [sflag:$0x2] =	stream.indirect_vreg.gather [hbm4b:s5+s2], $0x80, v5, vm1, $0xb8;
	[tilespmem:$0x19000] =	vst v63  }
0x74: {  	_ = 	snop  }
0x75: {  	[tilespmem:s29], [sflag:$0x2] =	stream.indirect_vreg.gather [hbm4b:s3+s2], $0x80, v4, vm0, $0xb8;
	[tilespmem:$0x19000] =	vst v63  }
0x76: {  	_ = 	snop  }
0x77: {  	[tilespmem:s30], [sflag:$0x2] =	stream.indirect_vreg.gather [hbm4b:s5+s2], $0x80, v4, vm1, $0xb8;
	[tilespmem:$0x19000] =	vst v63  }
0x78: {  	v4 =	vld.msk [tilespmem:$0xA0], $0xff;
	_ =	sdelay $0x4  }
0x79: {  	v5 =	vshrl.u32 v4, $0x3  }
0x7a: {  	v5 =	vmul.u32 $0x18, v5  }
0x7b: {  	v4 =	vand.u32 $0x7, v4  }
0x7c: {  	v4 =	vor.u32 v4, v5  }
0x7d: {  	v4 =	vperm.xlane v4, v1;
	_ =	sdelay $0x1  }
0x7e: {  	v4 =	vadd.s32 v2, v4;
	_ =	sdelay $0x3  }
0x7f: {  	s4 =	simm.s32 $0x9400  }
0x80: {  	[tilespmem:s4], [sflag:$0x2] =	stream.indirect_vreg.gather [hbm4b:s3+s2], $0x80, v4, vm0, $0xb8;
	[tilespmem:$0x19000] =	vst v63  }
0x81: {  	s15 =	simm.s32 $0x9C00  }
0x82: {  	[tilespmem:s15], [sflag:$0x2] =	stream.indirect_vreg.gather [hbm4b:s5+s2], $0x80, v4, vm1, $0xb8;
	[tilespmem:$0x19000] =	vst v63  }
0x83: {  	v4 =	vld [tilespmem:$0x100];
	_ =	sdelay $0x4  }
0x84: {  	v5 =	vshrl.u32 v4, $0x3  }
0x85: {  	v5 =	vmul.u32 $0x18, v5  }
0x86: {  	v4 =	vand.u32 $0x7, v4  }
0x87: {  	v4 =	vor.u32 v4, v5  }
0x88: {  	v5 =	vperm.xlane v4, v1;
	_ =	sdelay $0x1  }
0x89: {  	v5 =	vadd.s32 v2, v5;
	_ =	sdelay $0x1  }
0x8a: {  	v4 =	vperm.xlane v4, v3;
	_ =	sdelay $0x1  }
0x8b: {  	v4 =	vadd.s32 v2, v4  }
0x8c: {  	[tilespmem:s31], [sflag:$0x3] =	stream.indirect_vreg.gather [hbm4b:s3+s2], $0x80, v5, vm0, $0xb8;
	[tilespmem:$0x19000] =	vst v63  }
0x8d: {  	s13 =	simm.s32 $0xA800  }
0x8e: {  	[tilespmem:s13], [sflag:$0x3] =	stream.indirect_vreg.gather [hbm4b:s5+s2], $0x80, v5, vm1, $0xb8;
	[tilespmem:$0x19000] =	vst v63  }
0x8f: {  	s13 =	simm.s32 $0xAC00  }
0x90: {  	[tilespmem:s13], [sflag:$0x3] =	stream.indirect_vreg.gather [hbm4b:s3+s2], $0x80, v4, vm0, $0xb8;
	[tilespmem:$0x19000] =	vst v63  }
0x91: {  	s13 =	simm.s32 $0xB400  }
0x92: {  	[tilespmem:s13], [sflag:$0x3] =	stream.indirect_vreg.gather [hbm4b:s5+s2], $0x80, v4, vm1, $0xb8;
	[tilespmem:$0x19000] =	vst v63  }
0x93: {  	v4 =	vld [tilespmem:$0x110];
	_ =	sdelay $0x4  }
0x94: {  	v5 =	vshrl.u32 v4, $0x3  }
0x95: {  	v5 =	vmul.u32 $0x18, v5  }
0x96: {  	v4 =	vand.u32 $0x7, v4  }
0x97: {  	v4 =	vor.u32 v4, v5  }
0x98: {  	v5 =	vperm.xlane v4, v1;
	_ =	sdelay $0x1  }
0x99: {  	v5 =	vadd.s32 v2, v5;
	_ =	sdelay $0x1  }
0x9a: {  	v4 =	vperm.xlane v4, v3;
	_ =	sdelay $0x1  }
0x9b: {  	s13 =	simm.s32 $0xB800;
	v4 =	vadd.s32 v2, v4  }
0x9c: {  	[tilespmem:s13], [sflag:$0x3] =	stream.indirect_vreg.gather [hbm4b:s3+s2], $0x80, v5, vm0, $0xb8;
	[tilespmem:$0x19000] =	vst v63  }
0x9d: {  	s13 =	simm.s32 $0xC000  }
0x9e: {  	[tilespmem:s13], [sflag:$0x3] =	stream.indirect_vreg.gather [hbm4b:s5+s2], $0x80, v5, vm1, $0xb8;
	[tilespmem:$0x19000] =	vst v63  }
0x9f: {  	s13 =	simm.s32 $0xC400  }
0xa0: {  	[tilespmem:s13], [sflag:$0x3] =	stream.indirect_vreg.gather [hbm4b:s3+s2], $0x80, v4, vm0, $0xb8;
	[tilespmem:$0x19000] =	vst v63  }
0xa1: {  	s13 =	simm.s32 $0xCC00  }
0xa2: {  	[tilespmem:s13], [sflag:$0x3] =	stream.indirect_vreg.gather [hbm4b:s5+s2], $0x80, v4, vm1, $0xb8;
	[tilespmem:$0x19000] =	vst v63  }
0xa3: {  	v4 =	vld.msk [tilespmem:$0x120], $0xff;
	_ =	sdelay $0x4  }
0xa4: {  	v5 =	vshrl.u32 v4, $0x3  }
0xa5: {  	v5 =	vmul.u32 $0x18, v5  }
0xa6: {  	v4 =	vand.u32 $0x7, v4  }
0xa7: {  	v4 =	vor.u32 v4, v5  }
0xa8: {  	v4 =	vperm.xlane v4, v1;
	_ =	sdelay $0x1  }
0xa9: {  	v4 =	vadd.s32 v2, v4;
	_ =	sdelay $0x4  }
0xaa: {  	[tilespmem:s7], [sflag:$0x3] =	stream.indirect_vreg.gather [hbm4b:s3+s2], $0x80, v4, vm0, $0xb8;
	[tilespmem:$0x19000] =	vst v63  }
0xab: {  	s7 =	simm.s32 $0xD800  }
0xac: {  	[tilespmem:s7], [sflag:$0x3] =	stream.indirect_vreg.gather [hbm4b:s5+s2], $0x80, v4, vm1, $0xb8;
	[tilespmem:$0x19000] =	vst v63  }
0xad: {  	v4 =	vld [tilespmem:$0x180];
	_ =	sdelay $0x4  }
0xae: {  	v5 =	vshrl.u32 v4, $0x3  }
0xaf: {  	v5 =	vmul.u32 $0x18, v5  }
0xb0: {  	v4 =	vand.u32 $0x7, v4  }
0xb1: {  	v4 =	vor.u32 v4, v5  }
0xb2: {  	v5 =	vperm.xlane v4, v1;
	_ =	sdelay $0x1  }
0xb3: {  	v5 =	vadd.s32 v2, v5;
	_ =	sdelay $0x1  }
0xb4: {  	v4 =	vperm.xlane v4, v3;
	_ =	sdelay $0x1  }
0xb5: {  	s7 =	simm.s32 $0xDC00;
	v4 =	vadd.s32 v2, v4  }
0xb6: {  	[tilespmem:s7], [sflag:$0x4] =	stream.indirect_vreg.gather [hbm4b:s3+s2], $0x80, v5, vm0, $0xb8;
	[tilespmem:$0x19000] =	vst v63  }
0xb7: {  	s13 =	simm.s32 $0xE400  }
0xb8: {  	[tilespmem:s13], [sflag:$0x4] =	stream.indirect_vreg.gather [hbm4b:s5+s2], $0x80, v5, vm1, $0xb8;
	[tilespmem:$0x19000] =	vst v63  }
0xb9: {  	s13 =	simm.s32 $0xE800  }
0xba: {  	[tilespmem:s13], [sflag:$0x4] =	stream.indirect_vreg.gather [hbm4b:s3+s2], $0x80, v4, vm0, $0xb8;
	[tilespmem:$0x19000] =	vst v63  }
0xbb: {  	s13 =	simm.s32 $0xF000  }
0xbc: {  	[tilespmem:s13], [sflag:$0x4] =	stream.indirect_vreg.gather [hbm4b:s5+s2], $0x80, v4, vm1, $0xb8;
	[tilespmem:$0x19000] =	vst v63  }
0xbd: {  	v4 =	vld [tilespmem:$0x190];
	_ =	sdelay $0x4  }
0xbe: {  	v5 =	vshrl.u32 v4, $0x3  }
0xbf: {  	v5 =	vmul.u32 $0x18, v5  }
0xc0: {  	v4 =	vand.u32 $0x7, v4  }
0xc1: {  	v4 =	vor.u32 v4, v5  }
0xc2: {  	v5 =	vperm.xlane v4, v1;
	_ =	sdelay $0x1  }
0xc3: {  	v5 =	vadd.s32 v2, v5;
	_ =	sdelay $0x1  }
0xc4: {  	v4 =	vperm.xlane v4, v3;
	_ =	sdelay $0x1  }
0xc5: {  	s13 =	simm.s32 $0xF400;
	v4 =	vadd.s32 v2, v4  }
0xc6: {  	[tilespmem:s13], [sflag:$0x4] =	stream.indirect_vreg.gather [hbm4b:s3+s2], $0x80, v5, vm0, $0xb8;
	[tilespmem:$0x19000] =	vst v63  }
0xc7: {  	s13 =	simm.s32 $0xFC00  }
0xc8: {  	[tilespmem:s13], [sflag:$0x4] =	stream.indirect_vreg.gather [hbm4b:s5+s2], $0x80, v5, vm1, $0xb8;
	[tilespmem:$0x19000] =	vst v63  }
0xc9: {  	s13 =	simm.s32 $0x10000  }
0xca: {  	[tilespmem:s13], [sflag:$0x4] =	stream.indirect_vreg.gather [hbm4b:s3+s2], $0x80, v4, vm0, $0xb8;
	[tilespmem:$0x19000] =	vst v63  }
0xcb: {  	s13 =	simm.s32 $0x10800  }
0xcc: {  	[tilespmem:s13], [sflag:$0x4] =	stream.indirect_vreg.gather [hbm4b:s5+s2], $0x80, v4, vm1, $0xb8;
	[tilespmem:$0x19000] =	vst v63  }
0xcd: {  	v4 =	vld.msk [tilespmem:$0x1A0], $0xff;
	_ =	sdelay $0x4  }
0xce: {  	v5 =	vshrl.u32 v4, $0x3  }
0xcf: {  	v5 =	vmul.u32 $0x18, v5  }
0xd0: {  	v4 =	vand.u32 $0x7, v4  }
0xd1: {  	v4 =	vor.u32 v4, v5  }
0xd2: {  	v4 =	vperm.xlane v4, v1;
	_ =	sdelay $0x1  }
0xd3: {  	v4 =	vadd.s32 v2, v4;
	_ =	sdelay $0x3  }
0xd4: {  	s13 =	simm.s32 $0x10C00  }
0xd5: {  	[tilespmem:s13], [sflag:$0x4] =	stream.indirect_vreg.gather [hbm4b:s3+s2], $0x80, v4, vm0, $0xb8;
	[tilespmem:$0x19000] =	vst v63  }
0xd6: {  	s13 =	simm.s32 $0x11400  }
0xd7: {  	[tilespmem:s13], [sflag:$0x4] =	stream.indirect_vreg.gather [hbm4b:s5+s2], $0x80, v4, vm1, $0xb8;
	[tilespmem:$0x19000] =	vst v63  }
0xd8: {  	_ =	swait.ge [sflag:s12], $0x3C00  }
0xd9: {  	[sflag:s12] =	ssyncset.done $0x0  }
0xda: {  	[sflag:s12] =	ssyncadd.s32 $0xFFFFC400  }
0xdb: {  	[bflag:$0x0] =	sbarrier.arrive $0xFFFF  }
0xdc: {  	[spmem:s6] =	stream.linear.scatter [tilespmem:s0], [sflag:$0x7], $0x3C00, $0x38;
	[tilespmem:$0x19000] =	vst v63  }
0xdd: {  	_ =	swait.ge [sflag:s20], $0x3C00  }
0xde: {  	[sflag:s20] =	ssyncset.done $0x0  }
0xdf: {  	[sflag:s20] =	ssyncadd.s32 $0xFFFFC400  }
0xe0: {  	v4 =	vld [tilespmem:$0x200];
	_ =	sdelay $0x4  }
0xe1: {  	v5 =	vshrl.u32 v4, $0x3  }
0xe2: {  	v5 =	vmul.u32 $0x18, v5  }
0xe3: {  	v4 =	vand.u32 $0x7, v4  }
0xe4: {  	v4 =	vor.u32 v4, v5  }
0xe5: {  	v5 =	vperm.xlane v4, v1;
	_ =	sdelay $0x1  }
0xe6: {  	v5 =	vadd.s32 v2, v5;
	_ =	sdelay $0x1  }
0xe7: {  	v4 =	vperm.xlane v4, v3;
	_ =	sdelay $0x1  }
0xe8: {  	v4 =	vadd.s32 v2, v4  }
0xe9: {  	[tilespmem:s0], [sflag:$0x1] =	stream.indirect_vreg.gather [hbm4b:s3+s2], $0x80, v5, vm0, $0xb8;
	[tilespmem:$0x19000] =	vst v63  }
0xea: {  	_ = 	snop  }
0xeb: {  	[tilespmem:s9], [sflag:$0x1] =	stream.indirect_vreg.gather [hbm4b:s5+s2], $0x80, v5, vm1, $0xb8;
	[tilespmem:$0x19000] =	vst v63  }
0xec: {  	_ = 	snop  }
0xed: {  	[tilespmem:s10], [sflag:$0x1] =	stream.indirect_vreg.gather [hbm4b:s3+s2], $0x80, v4, vm0, $0xb8;
	[tilespmem:$0x19000] =	vst v63  }
0xee: {  	_ = 	snop  }
0xef: {  	[tilespmem:s11], [sflag:$0x1] =	stream.indirect_vreg.gather [hbm4b:s5+s2], $0x80, v4, vm1, $0xb8;
	[tilespmem:$0x19000] =	vst v63  }
0xf0: {  	v4 =	vld [tilespmem:$0x210];
	_ =	sdelay $0x4  }
0xf1: {  	v5 =	vshrl.u32 v4, $0x3  }
0xf2: {  	v5 =	vmul.u32 $0x18, v5  }
0xf3: {  	v4 =	vand.u32 $0x7, v4  }
0xf4: {  	v4 =	vor.u32 v4, v5  }
0xf5: {  	v5 =	vperm.xlane v4, v1;
	_ =	sdelay $0x1  }
0xf6: {  	v5 =	vadd.s32 v2, v5;
	_ =	sdelay $0x1  }
0xf7: {  	v4 =	vperm.xlane v4, v3;
	_ =	sdelay $0x1  }
0xf8: {  	v4 =	vadd.s32 v2, v4  }
0xf9: {  	[tilespmem:s16], [sflag:$0x1] =	stream.indirect_vreg.gather [hbm4b:s3+s2], $0x80, v5, vm0, $0xb8;
	[tilespmem:$0x19000] =	vst v63  }
0xfa: {  	_ = 	snop  }
0xfb: {  	[tilespmem:s17], [sflag:$0x1] =	stream.indirect_vreg.gather [hbm4b:s5+s2], $0x80, v5, vm1, $0xb8;
	[tilespmem:$0x19000] =	vst v63  }
0xfc: {  	_ = 	snop  }
0xfd: {  	[tilespmem:s18], [sflag:$0x1] =	stream.indirect_vreg.gather [hbm4b:s3+s2], $0x80, v4, vm0, $0xb8;
	[tilespmem:$0x19000] =	vst v63  }
0xfe: {  	_ = 	snop  }
0xff: {  	[tilespmem:s19], [sflag:$0x1] =	stream.indirect_vreg.gather [hbm4b:s5+s2], $0x80, v4, vm1, $0xb8;
	[tilespmem:$0x19000] =	vst v63  }
0x100: {  	v4 =	vld.msk [tilespmem:$0x220], $0xff;
	_ =	sdelay $0x4  }
0x101: {  	v5 =	vshrl.u32 v4, $0x3  }
0x102: {  	v5 =	vmul.u32 $0x18, v5  }
0x103: {  	v4 =	vand.u32 $0x7, v4  }
0x104: {  	v4 =	vor.u32 v4, v5  }
0x105: {  	v4 =	vperm.xlane v4, v1;
	_ =	sdelay $0x1  }
0x106: {  	v4 =	vadd.s32 v2, v4;
	_ =	sdelay $0x4  }
0x107: {  	[tilespmem:s28], [sflag:$0x1] =	stream.indirect_vreg.gather [hbm4b:s3+s2], $0x80, v4, vm0, $0xb8;
	[tilespmem:$0x19000] =	vst v63  }
0x108: {  	_ = 	snop  }
0x109: {  	[tilespmem:s22], [sflag:$0x1] =	stream.indirect_vreg.gather [hbm4b:s5+s2], $0x80, v4, vm1, $0xb8;
	[tilespmem:$0x19000] =	vst v63  }
0x10a: {  	[bflag:$0x0] =	sbarrier.arrive $0xFFFF  }
0x10b: {  	s10 =	simm.s32 $0x2;
	s1 =	rddreg [dreg:$0x2]  }
0x10c: {  	s16 =	simm.s32 @!p0 $0x1C05;
	s9 =	rddreg [dreg:$0xf];
	s13 =	sshrl.u32 @!p0 s1, $0x3  }
0x10d: {  	[hbm:s9], [sflag:s16] =	dma.local @!p0 [spmem:s13], $0x7800  }
0x10e: {  	_ =	swait.ge [sflag:s10], $0x3C00  }
0x10f: {  	[sflag:s10] =	ssyncset.done $0x0  }
0x110: {  	[sflag:s10] =	ssyncadd.s32 $0xFFFFC400  }
0x111: {  	[bflag:$0x0] =	sbarrier.arrive $0xFFFF  }
0x112: {  	[spmem:s8] =	stream.linear.scatter [tilespmem:s14], [sflag:$0x7], $0x3C00, $0x38;
	[tilespmem:$0x19000] =	vst v63  }
0x113: {  	_ =	swait.ge [sflag:s20], $0x3C00  }
0x114: {  	[sflag:s20] =	ssyncset.done $0x0  }
0x115: {  	[sflag:s20] =	ssyncadd.s32 $0xFFFFC400  }
0x116: {  	v4 =	vld [tilespmem:$0x280];
	_ =	sdelay $0x4  }
0x117: {  	v5 =	vshrl.u32 v4, $0x3  }
0x118: {  	v5 =	vmul.u32 $0x18, v5  }
0x119: {  	v4 =	vand.u32 $0x7, v4  }
0x11a: {  	v4 =	vor.u32 v4, v5  }
0x11b: {  	v5 =	vperm.xlane v4, v1;
	_ =	sdelay $0x1  }
0x11c: {  	v5 =	vadd.s32 v2, v5;
	_ =	sdelay $0x1  }
0x11d: {  	v4 =	vperm.xlane v4, v3;
	_ =	sdelay $0x1  }
0x11e: {  	v4 =	vadd.s32 v2, v4  }
0x11f: {  	[tilespmem:s14], [sflag:$0x2] =	stream.indirect_vreg.gather [hbm4b:s3+s2], $0x80, v5, vm0, $0xb8;
	[tilespmem:$0x19000] =	vst v63  }
0x120: {  	_ = 	snop  }
0x121: {  	[tilespmem:s23], [sflag:$0x2] =	stream.indirect_vreg.gather [hbm4b:s5+s2], $0x80, v5, vm1, $0xb8;
	[tilespmem:$0x19000] =	vst v63  }
0x122: {  	_ = 	snop  }
0x123: {  	[tilespmem:s24], [sflag:$0x2] =	stream.indirect_vreg.gather [hbm4b:s3+s2], $0x80, v4, vm0, $0xb8;
	[tilespmem:$0x19000] =	vst v63  }
0x124: {  	_ = 	snop  }
0x125: {  	[tilespmem:s25], [sflag:$0x2] =	stream.indirect_vreg.gather [hbm4b:s5+s2], $0x80, v4, vm1, $0xb8;
	[tilespmem:$0x19000] =	vst v63  }
0x126: {  	v4 =	vld [tilespmem:$0x290];
	_ =	sdelay $0x4  }
0x127: {  	v5 =	vshrl.u32 v4, $0x3  }
0x128: {  	v5 =	vmul.u32 $0x18, v5  }
0x129: {  	v4 =	vand.u32 $0x7, v4  }
0x12a: {  	v4 =	vor.u32 v4, v5  }
0x12b: {  	v5 =	vperm.xlane v4, v1;
	_ =	sdelay $0x1  }
0x12c: {  	v5 =	vadd.s32 v2, v5;
	_ =	sdelay $0x1  }
0x12d: {  	v4 =	vperm.xlane v4, v3;
	_ =	sdelay $0x1  }
0x12e: {  	v4 =	vadd.s32 v2, v4  }
0x12f: {  	[tilespmem:s26], [sflag:$0x2] =	stream.indirect_vreg.gather [hbm4b:s3+s2], $0x80, v5, vm0, $0xb8;
	[tilespmem:$0x19000] =	vst v63  }
0x130: {  	_ = 	snop  }
0x131: {  	[tilespmem:s21], [sflag:$0x2] =	stream.indirect_vreg.gather [hbm4b:s5+s2], $0x80, v5, vm1, $0xb8;
	[tilespmem:$0x19000] =	vst v63  }
0x132: {  	_ = 	snop  }
0x133: {  	[tilespmem:s29], [sflag:$0x2] =	stream.indirect_vreg.gather [hbm4b:s3+s2], $0x80, v4, vm0, $0xb8;
	[tilespmem:$0x19000] =	vst v63  }
0x134: {  	_ = 	snop  }
0x135: {  	[tilespmem:s30], [sflag:$0x2] =	stream.indirect_vreg.gather [hbm4b:s5+s2], $0x80, v4, vm1, $0xb8;
	[tilespmem:$0x19000] =	vst v63  }
0x136: {  	v4 =	vld.msk [tilespmem:$0x2A0], $0xff;
	_ =	sdelay $0x4  }
0x137: {  	v5 =	vshrl.u32 v4, $0x3  }
0x138: {  	v5 =	vmul.u32 $0x18, v5  }
0x139: {  	v4 =	vand.u32 $0x7, v4  }
0x13a: {  	v4 =	vor.u32 v4, v5  }
0x13b: {  	v4 =	vperm.xlane v4, v1;
	_ =	sdelay $0x1  }
0x13c: {  	v4 =	vadd.s32 v2, v4;
	_ =	sdelay $0x4  }
0x13d: {  	[tilespmem:s4], [sflag:$0x2] =	stream.indirect_vreg.gather [hbm4b:s3+s2], $0x80, v4, vm0, $0xb8;
	[tilespmem:$0x19000] =	vst v63  }
0x13e: {  	_ = 	snop  }
0x13f: {  	[tilespmem:s15], [sflag:$0x2] =	stream.indirect_vreg.gather [hbm4b:s5+s2], $0x80, v4, vm1, $0xb8;
	[tilespmem:$0x19000] =	vst v63  }
0x140: {  	s17 =	simm.s32 @p0 $0x3;
	[bflag:$0x0] =	sbarrier.arrive $0xFFFF  }
0x141: {  	s22 =	simm.s32 @!p0 $0x1C06;
	_ =	swait.ge @p0 [sflag:s17], $0x3C00  }
0x142: {  	s23 =	simm.s32 @!p0 $0x3;
	[sflag:s17] =	ssyncset.done @p0 $0x0;
	s1 =	rddreg [dreg:$0x6]  }
0x143: {  	[sflag:s17] =	ssyncadd.s32 @p0 $0xFFFFC400;
	s15 =	sshrl.u32 @!p0 s1, $0x3;
	s1 =	rddreg [dreg:$0x5]  }
0x144: {  	[hbm:s1], [sflag:s22] =	dma.local @!p0 [spmem:s15], $0x7800  }
0x145: {  	_ =	swait.ge @!p0 [sflag:s23], $0x3C00  }
0x146: {  	[sflag:s23] =	ssyncset.done @!p0 $0x0  }
0x147: {  	s24 =	simm.s32 @!p0 $0x5;
	[sflag:s23] =	ssyncadd.s32 @!p0 $0xFFFFC400  }
0x148: {  	_ =	swait.ge @!p0 [sflag:s24], $0x7800  }
0x149: {  	[sflag:s24] =	ssyncset.done @!p0 $0x0  }
0x14a: {  	[sflag:s24] =	ssyncadd.s32 @!p0 $0xFFFF8800  }
0x14b: {  	[bflag:$0x0] =	sbarrier.arrive $0xFFFF  }
0x14c: {  	[spmem:s6] =	stream.linear.scatter [tilespmem:s31], [sflag:$0x7], $0x3C00, $0x38;
	[tilespmem:$0x19000] =	vst v63  }
0x14d: {  	_ =	swait.ge [sflag:s20], $0x3C00  }
0x14e: {  	[sflag:s20] =	ssyncset.done $0x0  }
0x14f: {  	[sflag:s20] =	ssyncadd.s32 $0xFFFFC400  }
0x150: {  	v4 =	vld [tilespmem:$0x300];
	_ =	sdelay $0x4  }
0x151: {  	v5 =	vshrl.u32 v4, $0x3  }
0x152: {  	v5 =	vmul.u32 $0x18, v5  }
0x153: {  	v4 =	vand.u32 $0x7, v4  }
0x154: {  	v4 =	vor.u32 v4, v5  }
0x155: {  	v5 =	vperm.xlane v4, v1;
	_ =	sdelay $0x1  }
0x156: {  	v5 =	vadd.s32 v2, v5;
	_ =	sdelay $0x1  }
0x157: {  	v4 =	vperm.xlane v4, v3;
	_ =	sdelay $0x1  }
0x158: {  	v4 =	vadd.s32 v2, v4  }
0x159: {  	[tilespmem:s31], [sflag:$0x3] =	stream.indirect_vreg.gather [hbm4b:s3+s2], $0x80, v5, vm0, $0xb8;
	[tilespmem:$0x19000] =	vst v63  }
0x15a: {  	s11 =	simm.s32 $0xA800  }
0x15b: {  	[tilespmem:s11], [sflag:$0x3] =	stream.indirect_vreg.gather [hbm4b:s5+s2], $0x80, v5, vm1, $0xb8;
	[tilespmem:$0x19000] =	vst v63  }
0x15c: {  	s18 =	simm.s32 $0xAC00  }
0x15d: {  	[tilespmem:s18], [sflag:$0x3] =	stream.indirect_vreg.gather [hbm4b:s3+s2], $0x80, v4, vm0, $0xb8;
	[tilespmem:$0x19000] =	vst v63  }
0x15e: {  	s19 =	simm.s32 $0xB400  }
0x15f: {  	[tilespmem:s19], [sflag:$0x3] =	stream.indirect_vreg.gather [hbm4b:s5+s2], $0x80, v4, vm1, $0xb8;
	[tilespmem:$0x19000] =	vst v63  }
0x160: {  	v4 =	vld [tilespmem:$0x310];
	_ =	sdelay $0x4  }
0x161: {  	v5 =	vshrl.u32 v4, $0x3  }
0x162: {  	v5 =	vmul.u32 $0x18, v5  }
0x163: {  	v4 =	vand.u32 $0x7, v4  }
0x164: {  	v4 =	vor.u32 v4, v5  }
0x165: {  	v5 =	vperm.xlane v4, v1;
	_ =	sdelay $0x1  }
0x166: {  	v5 =	vadd.s32 v2, v5;
	_ =	sdelay $0x1  }
0x167: {  	v4 =	vperm.xlane v4, v3;
	_ =	sdelay $0x1  }
0x168: {  	s25 =	simm.s32 $0xB800;
	v4 =	vadd.s32 v2, v4  }
0x169: {  	[tilespmem:s25], [sflag:$0x3] =	stream.indirect_vreg.gather [hbm4b:s3+s2], $0x80, v5, vm0, $0xb8;
	[tilespmem:$0x19000] =	vst v63  }
0x16a: {  	s26 =	simm.s32 $0xC000  }
0x16b: {  	[tilespmem:s26], [sflag:$0x3] =	stream.indirect_vreg.gather [hbm4b:s5+s2], $0x80, v5, vm1, $0xb8;
	[tilespmem:$0x19000] =	vst v63  }
0x16c: {  	s4 =	simm.s32 $0xC400  }
0x16d: {  	[tilespmem:s4], [sflag:$0x3] =	stream.indirect_vreg.gather [hbm4b:s3+s2], $0x80, v4, vm0, $0xb8;
	[tilespmem:$0x19000] =	vst v63  }
0x16e: {  	s21 =	smov.u32 s9;
	s9 =	simm.s32 $0xCC00  }
0x16f: {  	[tilespmem:s9], [sflag:$0x3] =	stream.indirect_vreg.gather [hbm4b:s5+s2], $0x80, v4, vm1, $0xb8;
	[tilespmem:$0x19000] =	vst v63  }
0x170: {  	v4 =	vld.msk [tilespmem:$0x320], $0xff;
	_ =	sdelay $0x4  }
0x171: {  	v5 =	vshrl.u32 v4, $0x3  }
0x172: {  	v5 =	vmul.u32 $0x18, v5  }
0x173: {  	v4 =	vand.u32 $0x7, v4  }
0x174: {  	v4 =	vor.u32 v4, v5  }
0x175: {  	v4 =	vperm.xlane v4, v1;
	_ =	sdelay $0x1  }
0x176: {  	v4 =	vadd.s32 v2, v4;
	_ =	sdelay $0x3  }
0x177: {  	s10 =	simm.s32 $0xD000  }
0x178: {  	[tilespmem:s10], [sflag:$0x3] =	stream.indirect_vreg.gather [hbm4b:s3+s2], $0x80, v4, vm0, $0xb8;
	[tilespmem:$0x19000] =	vst v63  }
0x179: {  	s11 =	simm.s32 $0xD800  }
0x17a: {  	[tilespmem:s11], [sflag:$0x3] =	stream.indirect_vreg.gather [hbm4b:s5+s2], $0x80, v4, vm1, $0xb8;
	[tilespmem:$0x19000] =	vst v63  }
0x17b: {  	s25 =	simm.s32 @p0 $0x4;
	[bflag:$0x0] =	sbarrier.arrive $0xFFFF  }
0x17c: {  	_ =	swait.ge @p0 [sflag:s25], $0x3C00  }
0x17d: {  	[sflag:s25] =	ssyncset.done @p0 $0x0  }
0x17e: {  	s26 =	simm.s32 @!p0 $0x4;
	s1 =	rddreg [dreg:$0x7];
	[sflag:s25] =	ssyncadd.s32 @p0 $0xFFFFC400  }
0x17f: {  	[hbm:s1], [sflag:s16] =	dma.local @!p0 [spmem:s13], $0x7800  }
0x180: {  	_ =	swait.ge @!p0 [sflag:s26], $0x3C00  }
0x181: {  	[sflag:s26] =	ssyncset.done @!p0 $0x0  }
0x182: {  	s28 =	simm.s32 @!p0 $0x6;
	[sflag:s26] =	ssyncadd.s32 @!p0 $0xFFFFC400  }
0x183: {  	_ =	swait.ge @!p0 [sflag:s28], $0x7800  }
0x184: {  	[sflag:s28] =	ssyncset.done @!p0 $0x0  }
0x185: {  	[sflag:s28] =	ssyncadd.s32 @!p0 $0xFFFF8800  }
0x186: {  	[bflag:$0x0] =	sbarrier.arrive $0xFFFF  }
0x187: {  	[spmem:s8] =	stream.linear.scatter [tilespmem:s7], [sflag:$0x7], $0x3C00, $0x38;
	[tilespmem:$0x19000] =	vst v63  }
0x188: {  	_ =	swait.ge [sflag:s20], $0x3C00  }
0x189: {  	[sflag:s20] =	ssyncset.done $0x0  }
0x18a: {  	[sflag:s20] =	ssyncadd.s32 $0xFFFFC400  }
0x18b: {  	v4 =	vld [tilespmem:$0x380];
	_ =	sdelay $0x4  }
0x18c: {  	v5 =	vshrl.u32 v4, $0x3  }
0x18d: {  	v5 =	vmul.u32 $0x18, v5  }
0x18e: {  	v4 =	vand.u32 $0x7, v4  }
0x18f: {  	v4 =	vor.u32 v4, v5  }
0x190: {  	v5 =	vperm.xlane v4, v1;
	_ =	sdelay $0x1  }
0x191: {  	v5 =	vadd.s32 v2, v5;
	_ =	sdelay $0x1  }
0x192: {  	v4 =	vperm.xlane v4, v3;
	_ =	sdelay $0x1  }
0x193: {  	v4 =	vadd.s32 v2, v4  }
0x194: {  	[tilespmem:s7], [sflag:$0x4] =	stream.indirect_vreg.gather [hbm4b:s3+s2], $0x80, v5, vm0, $0xb8;
	[tilespmem:$0x19000] =	vst v63  }
0x195: {  	s18 =	simm.s32 $0xE400  }
0x196: {  	[tilespmem:s18], [sflag:$0x4] =	stream.indirect_vreg.gather [hbm4b:s5+s2], $0x80, v5, vm1, $0xb8;
	[tilespmem:$0x19000] =	vst v63  }
0x197: {  	s19 =	simm.s32 $0xE800  }
0x198: {  	[tilespmem:s19], [sflag:$0x4] =	stream.indirect_vreg.gather [hbm4b:s3+s2], $0x80, v4, vm0, $0xb8;
	[tilespmem:$0x19000] =	vst v63  }
0x199: {  	s4 =	simm.s32 $0xF000  }
0x19a: {  	[tilespmem:s4], [sflag:$0x4] =	stream.indirect_vreg.gather [hbm4b:s5+s2], $0x80, v4, vm1, $0xb8;
	[tilespmem:$0x19000] =	vst v63  }
0x19b: {  	v4 =	vld [tilespmem:$0x390];
	_ =	sdelay $0x4  }
0x19c: {  	v5 =	vshrl.u32 v4, $0x3  }
0x19d: {  	v5 =	vmul.u32 $0x18, v5  }
0x19e: {  	v4 =	vand.u32 $0x7, v4  }
0x19f: {  	v4 =	vor.u32 v4, v5  }
0x1a0: {  	v5 =	vperm.xlane v4, v1;
	_ =	sdelay $0x1  }
0x1a1: {  	v5 =	vadd.s32 v2, v5;
	_ =	sdelay $0x1  }
0x1a2: {  	v4 =	vperm.xlane v4, v3;
	_ =	sdelay $0x1  }
0x1a3: {  	s7 =	simm.s32 $0xF400;
	v4 =	vadd.s32 v2, v4  }
0x1a4: {  	[tilespmem:s7], [sflag:$0x4] =	stream.indirect_vreg.gather [hbm4b:s3+s2], $0x80, v5, vm0, $0xb8;
	[tilespmem:$0x19000] =	vst v63  }
0x1a5: {  	s9 =	simm.s32 $0xFC00  }
0x1a6: {  	[tilespmem:s9], [sflag:$0x4] =	stream.indirect_vreg.gather [hbm4b:s5+s2], $0x80, v5, vm1, $0xb8;
	[tilespmem:$0x19000] =	vst v63  }
0x1a7: {  	s10 =	simm.s32 $0x10000  }
0x1a8: {  	[tilespmem:s10], [sflag:$0x4] =	stream.indirect_vreg.gather [hbm4b:s3+s2], $0x80, v4, vm0, $0xb8;
	[tilespmem:$0x19000] =	vst v63  }
0x1a9: {  	s11 =	simm.s32 $0x10800  }
0x1aa: {  	[tilespmem:s11], [sflag:$0x4] =	stream.indirect_vreg.gather [hbm4b:s5+s2], $0x80, v4, vm1, $0xb8;
	[tilespmem:$0x19000] =	vst v63  }
0x1ab: {  	v4 =	vld.msk [tilespmem:$0x3A0], $0xff;
	_ =	sdelay $0x4  }
0x1ac: {  	v5 =	vshrl.u32 v4, $0x3  }
0x1ad: {  	v5 =	vmul.u32 $0x18, v5  }
0x1ae: {  	v4 =	vand.u32 $0x7, v4  }
0x1af: {  	v4 =	vor.u32 v4, v5  }
0x1b0: {  	v4 =	vperm.xlane v4, v1;
	_ =	sdelay $0x1  }
0x1b1: {  	v4 =	vadd.s32 v2, v4;
	_ =	sdelay $0x3  }
0x1b2: {  	s0 =	simm.s32 $0x2800;
	s14 =	simm.s32 $0x6400;
	s18 =	simm.s32 $0x10C00  }
0x1b3: {  	[tilespmem:s18], [sflag:$0x4] =	stream.indirect_vreg.gather [hbm4b:s3+s2], $0x80, v4, vm0, $0xb8;
	[tilespmem:$0x19000] =	vst v63  }
0x1b4: {  	s29 =	simm.s32 $0x9000;
	s30 =	simm.s32 $0x0;
	s19 =	simm.s32 $0x11400  }
0x1b5: {  	[tilespmem:s19], [sflag:$0x4] =	stream.indirect_vreg.gather [hbm4b:s5+s2], $0x80, v4, vm1, $0xb8;
	[tilespmem:$0x19000] =	vst v63  }
0x1b6: {  	s31 =	simm.s32 $0x5A0;
	s9 =	simm.s32 $0x5400;
	[bflag:$0x0] =	sbarrier.arrive $0xFFFF  }
0x1b7: {  	s10 =	simm.s32 $0xA000;
	s11 =	simm.s32 $0x4C00;
	s1 =	rddreg [dreg:$0x8]  }
0x1b8: {  	[hbm:s1], [sflag:s22] =	dma.local @!p0 [spmem:s15], $0x7800  }
.LBB2_4:
0x1b9: {  	_ =	swait.ge [sflag:s12], $0x3C00  }
0x1ba: {  	[sflag:s12] =	ssyncset.done $0x0  }
0x1bb: {  	[sflag:s12] =	ssyncadd.s32 $0xFFFFC400  }
0x1bc: {  	_ =	swait.ge @!p0 [sflag:s24], $0x7800  }
0x1bd: {  	[sflag:s24] =	ssyncset.done @!p0 $0x0  }
0x1be: {  	[sflag:s24] =	ssyncadd.s32 @!p0 $0xFFFF8800  }
0x1bf: {  	[bflag:$0x0] =	sbarrier.arrive $0xFFFF  }
0x1c0: {  	[spmem:s6] =	stream.linear.scatter [tilespmem:s0], [sflag:$0x7], $0x3C00, $0x38;
	[tilespmem:$0x19000] =	vst v63  }
0x1c1: {  	_ =	swait.ge [sflag:s20], $0x3C00  }
0x1c2: {  	[sflag:s20] =	ssyncset.done $0x0  }
0x1c3: {  	[sflag:s20] =	ssyncadd.s32 $0xFFFFC400  }
0x1c4: {  	v4 =	vld [tilespmem:s31+$0xFFFFFE60];
	_ =	sdelay $0x4  }
0x1c5: {  	v5 =	vshrl.u32 v4, $0x3  }
0x1c6: {  	v5 =	vmul.u32 $0x18, v5  }
0x1c7: {  	v4 =	vand.u32 $0x7, v4  }
0x1c8: {  	v4 =	vor.u32 v4, v5  }
0x1c9: {  	v5 =	vperm.xlane v4, v1;
	_ =	sdelay $0x1  }
0x1ca: {  	v5 =	vadd.s32 v2, v5;
	_ =	sdelay $0x1  }
0x1cb: {  	v4 =	vperm.xlane v4, v3;
	_ =	sdelay $0x1  }
0x1cc: {  	v4 =	vadd.s32 v2, v4  }
0x1cd: {  	[tilespmem:s0], [sflag:$0x1] =	stream.indirect_vreg.gather [hbm4b:s3+s2], $0x80, v5, vm0, $0xb8;
	[tilespmem:$0x19000] =	vst v63  }
0x1ce: {  	s1 =	simm.s32 $0x3000  }
0x1cf: {  	[tilespmem:s1], [sflag:$0x1] =	stream.indirect_vreg.gather [hbm4b:s5+s2], $0x80, v5, vm1, $0xb8;
	[tilespmem:$0x19000] =	vst v63  }
0x1d0: {  	s19 =	simm.s32 $0x3400  }
0x1d1: {  	[tilespmem:s19], [sflag:$0x1] =	stream.indirect_vreg.gather [hbm4b:s3+s2], $0x80, v4, vm0, $0xb8;
	[tilespmem:$0x19000] =	vst v63  }
0x1d2: {  	s4 =	simm.s32 $0x3C00  }
0x1d3: {  	[tilespmem:s4], [sflag:$0x1] =	stream.indirect_vreg.gather [hbm4b:s5+s2], $0x80, v4, vm1, $0xb8;
	[tilespmem:$0x19000] =	vst v63  }
0x1d4: {  	v4 =	vld [tilespmem:s31+$0xFFFFFE70];
	_ =	sdelay $0x4  }
0x1d5: {  	v5 =	vshrl.u32 v4, $0x3  }
0x1d6: {  	v5 =	vmul.u32 $0x18, v5  }
0x1d7: {  	v4 =	vand.u32 $0x7, v4  }
0x1d8: {  	v4 =	vor.u32 v4, v5  }
0x1d9: {  	v5 =	vperm.xlane v4, v1;
	_ =	sdelay $0x1  }
0x1da: {  	v5 =	vadd.s32 v2, v5;
	_ =	sdelay $0x1  }
0x1db: {  	v4 =	vperm.xlane v4, v3;
	_ =	sdelay $0x1  }
0x1dc: {  	s7 =	simm.s32 $0x4000;
	v4 =	vadd.s32 v2, v4  }
0x1dd: {  	[tilespmem:s7], [sflag:$0x1] =	stream.indirect_vreg.gather [hbm4b:s3+s2], $0x80, v5, vm0, $0xb8;
	[tilespmem:$0x19000] =	vst v63  }
0x1de: {  	s18 =	simm.s32 $0x4800  }
0x1df: {  	[tilespmem:s18], [sflag:$0x1] =	stream.indirect_vreg.gather [hbm4b:s5+s2], $0x80, v5, vm1, $0xb8;
	[tilespmem:$0x19000] =	vst v63  }
0x1e0: {  	_ = 	snop  }
0x1e1: {  	[tilespmem:s11], [sflag:$0x1] =	stream.indirect_vreg.gather [hbm4b:s3+s2], $0x80, v4, vm0, $0xb8;
	[tilespmem:$0x19000] =	vst v63  }
0x1e2: {  	_ = 	snop  }
0x1e3: {  	[tilespmem:s9], [sflag:$0x1] =	stream.indirect_vreg.gather [hbm4b:s5+s2], $0x80, v4, vm1, $0xb8;
	[tilespmem:$0x19000] =	vst v63  }
0x1e4: {  	v4 =	vld.msk [tilespmem:s31+$0xFFFFFE80], $0xff;
	_ =	sdelay $0x4  }
0x1e5: {  	v5 =	vshrl.u32 v4, $0x3  }
0x1e6: {  	v5 =	vmul.u32 $0x18, v5  }
0x1e7: {  	v4 =	vand.u32 $0x7, v4  }
0x1e8: {  	v4 =	vor.u32 v4, v5  }
0x1e9: {  	v4 =	vperm.xlane v4, v1;
	_ =	sdelay $0x1  }
0x1ea: {  	v4 =	vadd.s32 v2, v4;
	_ =	sdelay $0x3  }
0x1eb: {  	s19 =	simm.s32 $0x5800  }
0x1ec: {  	[tilespmem:s19], [sflag:$0x1] =	stream.indirect_vreg.gather [hbm4b:s3+s2], $0x80, v4, vm0, $0xb8;
	[tilespmem:$0x19000] =	vst v63  }
0x1ed: {  	s4 =	simm.s32 $0x6000  }
0x1ee: {  	[tilespmem:s4], [sflag:$0x1] =	stream.indirect_vreg.gather [hbm4b:s5+s2], $0x80, v4, vm1, $0xb8;
	[tilespmem:$0x19000] =	vst v63  }
0x1ef: {  	s19 =	simm.s32 @p0 $0x2;
	[bflag:$0x0] =	sbarrier.arrive $0xFFFF  }
0x1f0: {  	_ =	swait.ge @p0 [sflag:s19], $0x3C00  }
0x1f1: {  	s1 =	sadd.s32 @!p0 s30, s21;
	[sflag:s19] =	ssyncset.done @p0 $0x0  }
0x1f2: {  	s18 =	sadd.s32 @!p0 $0x3C000, s1;
	[sflag:s19] =	ssyncadd.s32 @p0 $0xFFFFC400  }
0x1f3: {  	[hbm:s18], [sflag:s16] =	dma.local @!p0 [spmem:s13], $0x7800  }
0x1f4: {  	s18 =	simm.s32 @!p0 $0x2  }
0x1f5: {  	_ =	swait.ge @!p0 [sflag:s18], $0x3C00  }
0x1f6: {  	[sflag:s18] =	ssyncset.done @!p0 $0x0  }
0x1f7: {  	[sflag:s18] =	ssyncadd.s32 @!p0 $0xFFFFC400  }
0x1f8: {  	_ =	swait.ge @!p0 [sflag:s28], $0x7800  }
0x1f9: {  	[sflag:s28] =	ssyncset.done @!p0 $0x0  }
0x1fa: {  	[sflag:s28] =	ssyncadd.s32 @!p0 $0xFFFF8800  }
0x1fb: {  	[bflag:$0x0] =	sbarrier.arrive $0xFFFF  }
0x1fc: {  	[spmem:s8] =	stream.linear.scatter [tilespmem:s14], [sflag:$0x7], $0x3C00, $0x38;
	[tilespmem:$0x19000] =	vst v63  }
0x1fd: {  	_ =	swait.ge [sflag:s20], $0x3C00  }
0x1fe: {  	[sflag:s20] =	ssyncset.done $0x0  }
0x1ff: {  	[sflag:s20] =	ssyncadd.s32 $0xFFFFC400  }
0x200: {  	v4 =	vld [tilespmem:s31+$0xFFFFFEE0];
	_ =	sdelay $0x4  }
0x201: {  	v5 =	vshrl.u32 v4, $0x3  }
0x202: {  	v5 =	vmul.u32 $0x18, v5  }
0x203: {  	v4 =	vand.u32 $0x7, v4  }
0x204: {  	v4 =	vor.u32 v4, v5  }
0x205: {  	v5 =	vperm.xlane v4, v1;
	_ =	sdelay $0x1  }
0x206: {  	v5 =	vadd.s32 v2, v5;
	_ =	sdelay $0x1  }
0x207: {  	v4 =	vperm.xlane v4, v3;
	_ =	sdelay $0x1  }
0x208: {  	v4 =	vadd.s32 v2, v4  }
0x209: {  	[tilespmem:s14], [sflag:$0x2] =	stream.indirect_vreg.gather [hbm4b:s3+s2], $0x80, v5, vm0, $0xb8;
	[tilespmem:$0x19000] =	vst v63  }
0x20a: {  	s4 =	simm.s32 $0x6C00  }
0x20b: {  	[tilespmem:s4], [sflag:$0x2] =	stream.indirect_vreg.gather [hbm4b:s5+s2], $0x80, v5, vm1, $0xb8;
	[tilespmem:$0x19000] =	vst v63  }
0x20c: {  	s7 =	simm.s32 $0x7000  }
0x20d: {  	[tilespmem:s7], [sflag:$0x2] =	stream.indirect_vreg.gather [hbm4b:s3+s2], $0x80, v4, vm0, $0xb8;
	[tilespmem:$0x19000] =	vst v63  }
0x20e: {  	s7 =	simm.s32 $0x7800  }
0x20f: {  	[tilespmem:s7], [sflag:$0x2] =	stream.indirect_vreg.gather [hbm4b:s5+s2], $0x80, v4, vm1, $0xb8;
	[tilespmem:$0x19000] =	vst v63  }
0x210: {  	v4 =	vld [tilespmem:s31+$0xFFFFFEF0];
	_ =	sdelay $0x4  }
0x211: {  	v5 =	vshrl.u32 v4, $0x3  }
0x212: {  	v5 =	vmul.u32 $0x18, v5  }
0x213: {  	v4 =	vand.u32 $0x7, v4  }
0x214: {  	v4 =	vor.u32 v4, v5  }
0x215: {  	v5 =	vperm.xlane v4, v1;
	_ =	sdelay $0x1  }
0x216: {  	v5 =	vadd.s32 v2, v5;
	_ =	sdelay $0x1  }
0x217: {  	v4 =	vperm.xlane v4, v3;
	_ =	sdelay $0x1  }
0x218: {  	s7 =	simm.s32 $0x7C00;
	v4 =	vadd.s32 v2, v4  }
0x219: {  	[tilespmem:s7], [sflag:$0x2] =	stream.indirect_vreg.gather [hbm4b:s3+s2], $0x80, v5, vm0, $0xb8;
	[tilespmem:$0x19000] =	vst v63  }
0x21a: {  	s7 =	simm.s32 $0x8400  }
0x21b: {  	[tilespmem:s7], [sflag:$0x2] =	stream.indirect_vreg.gather [hbm4b:s5+s2], $0x80, v5, vm1, $0xb8;
	[tilespmem:$0x19000] =	vst v63  }
0x21c: {  	s7 =	simm.s32 $0x8800  }
0x21d: {  	[tilespmem:s7], [sflag:$0x2] =	stream.indirect_vreg.gather [hbm4b:s3+s2], $0x80, v4, vm0, $0xb8;
	[tilespmem:$0x19000] =	vst v63  }
0x21e: {  	_ = 	snop  }
0x21f: {  	[tilespmem:s29], [sflag:$0x2] =	stream.indirect_vreg.gather [hbm4b:s5+s2], $0x80, v4, vm1, $0xb8;
	[tilespmem:$0x19000] =	vst v63  }
0x220: {  	v4 =	vld.msk [tilespmem:s31+$0xFFFFFF00], $0xff;
	_ =	sdelay $0x4  }
0x221: {  	v5 =	vshrl.u32 v4, $0x3  }
0x222: {  	v5 =	vmul.u32 $0x18, v5  }
0x223: {  	v4 =	vand.u32 $0x7, v4  }
0x224: {  	v4 =	vor.u32 v4, v5  }
0x225: {  	v4 =	vperm.xlane v4, v1;
	_ =	sdelay $0x1  }
0x226: {  	v4 =	vadd.s32 v2, v4;
	_ =	sdelay $0x3  }
0x227: {  	s7 =	simm.s32 $0x9400  }
0x228: {  	[tilespmem:s7], [sflag:$0x2] =	stream.indirect_vreg.gather [hbm4b:s3+s2], $0x80, v4, vm0, $0xb8;
	[tilespmem:$0x19000] =	vst v63  }
0x229: {  	s7 =	simm.s32 $0x9C00  }
0x22a: {  	[tilespmem:s7], [sflag:$0x2] =	stream.indirect_vreg.gather [hbm4b:s5+s2], $0x80, v4, vm1, $0xb8;
	[tilespmem:$0x19000] =	vst v63  }
0x22b: {  	[bflag:$0x0] =	sbarrier.arrive $0xFFFF  }
0x22c: {  	_ =	swait.ge @p0 [sflag:s17], $0x3C00  }
0x22d: {  	[sflag:s17] =	ssyncset.done @p0 $0x0  }
0x22e: {  	s4 =	sadd.s32 @!p0 $0x4B000, s1;
	[sflag:s17] =	ssyncadd.s32 @p0 $0xFFFFC400  }
0x22f: {  	[hbm:s4], [sflag:s22] =	dma.local @!p0 [spmem:s15], $0x7800  }
0x230: {  	_ =	swait.ge @!p0 [sflag:s23], $0x3C00  }
0x231: {  	[sflag:s23] =	ssyncset.done @!p0 $0x0  }
0x232: {  	[sflag:s23] =	ssyncadd.s32 @!p0 $0xFFFFC400  }
0x233: {  	_ =	swait.ge @!p0 [sflag:s24], $0x7800  }
0x234: {  	[sflag:s24] =	ssyncset.done @!p0 $0x0  }
0x235: {  	[sflag:s24] =	ssyncadd.s32 @!p0 $0xFFFF8800  }
0x236: {  	[bflag:$0x0] =	sbarrier.arrive $0xFFFF  }
0x237: {  	[spmem:s6] =	stream.linear.scatter [tilespmem:s10], [sflag:$0x7], $0x3C00, $0x38;
	[tilespmem:$0x19000] =	vst v63  }
0x238: {  	_ =	swait.ge [sflag:s20], $0x3C00  }
0x239: {  	[sflag:s20] =	ssyncset.done $0x0  }
0x23a: {  	[sflag:s20] =	ssyncadd.s32 $0xFFFFC400  }
0x23b: {  	v4 =	vld [tilespmem:s31+$0xFFFFFF60];
	_ =	sdelay $0x4  }
0x23c: {  	v5 =	vshrl.u32 v4, $0x3  }
0x23d: {  	v5 =	vmul.u32 $0x18, v5  }
0x23e: {  	v4 =	vand.u32 $0x7, v4  }
0x23f: {  	v4 =	vor.u32 v4, v5  }
0x240: {  	v5 =	vperm.xlane v4, v1;
	_ =	sdelay $0x1  }
0x241: {  	v5 =	vadd.s32 v2, v5;
	_ =	sdelay $0x1  }
0x242: {  	v4 =	vperm.xlane v4, v3;
	_ =	sdelay $0x1  }
0x243: {  	v4 =	vadd.s32 v2, v4  }
0x244: {  	[tilespmem:s10], [sflag:$0x3] =	stream.indirect_vreg.gather [hbm4b:s3+s2], $0x80, v5, vm0, $0xb8;
	[tilespmem:$0x19000] =	vst v63  }
0x245: {  	s7 =	simm.s32 $0xA800  }
0x246: {  	[tilespmem:s7], [sflag:$0x3] =	stream.indirect_vreg.gather [hbm4b:s5+s2], $0x80, v5, vm1, $0xb8;
	[tilespmem:$0x19000] =	vst v63  }
0x247: {  	s7 =	simm.s32 $0xAC00  }
0x248: {  	[tilespmem:s7], [sflag:$0x3] =	stream.indirect_vreg.gather [hbm4b:s3+s2], $0x80, v4, vm0, $0xb8;
	[tilespmem:$0x19000] =	vst v63  }
0x249: {  	s7 =	simm.s32 $0xB400  }
0x24a: {  	[tilespmem:s7], [sflag:$0x3] =	stream.indirect_vreg.gather [hbm4b:s5+s2], $0x80, v4, vm1, $0xb8;
	[tilespmem:$0x19000] =	vst v63  }
0x24b: {  	v4 =	vld [tilespmem:s31+$0xFFFFFF70];
	_ =	sdelay $0x4  }
0x24c: {  	v5 =	vshrl.u32 v4, $0x3  }
0x24d: {  	v5 =	vmul.u32 $0x18, v5  }
0x24e: {  	v4 =	vand.u32 $0x7, v4  }
0x24f: {  	v4 =	vor.u32 v4, v5  }
0x250: {  	v5 =	vperm.xlane v4, v1;
	_ =	sdelay $0x1  }
0x251: {  	v5 =	vadd.s32 v2, v5;
	_ =	sdelay $0x1  }
0x252: {  	v4 =	vperm.xlane v4, v3;
	_ =	sdelay $0x1  }
0x253: {  	s7 =	simm.s32 $0xB800;
	v4 =	vadd.s32 v2, v4  }
0x254: {  	[tilespmem:s7], [sflag:$0x3] =	stream.indirect_vreg.gather [hbm4b:s3+s2], $0x80, v5, vm0, $0xb8;
	[tilespmem:$0x19000] =	vst v63  }
0x255: {  	s7 =	simm.s32 $0xC000  }
0x256: {  	[tilespmem:s7], [sflag:$0x3] =	stream.indirect_vreg.gather [hbm4b:s5+s2], $0x80, v5, vm1, $0xb8;
	[tilespmem:$0x19000] =	vst v63  }
0x257: {  	s7 =	simm.s32 $0xC400  }
0x258: {  	[tilespmem:s7], [sflag:$0x3] =	stream.indirect_vreg.gather [hbm4b:s3+s2], $0x80, v4, vm0, $0xb8;
	[tilespmem:$0x19000] =	vst v63  }
0x259: {  	s7 =	simm.s32 $0xCC00  }
0x25a: {  	[tilespmem:s7], [sflag:$0x3] =	stream.indirect_vreg.gather [hbm4b:s5+s2], $0x80, v4, vm1, $0xb8;
	[tilespmem:$0x19000] =	vst v63  }
0x25b: {  	v4 =	vld.msk [tilespmem:s31+$0xFFFFFF80], $0xff;
	_ =	sdelay $0x4  }
0x25c: {  	v5 =	vshrl.u32 v4, $0x3  }
0x25d: {  	v5 =	vmul.u32 $0x18, v5  }
0x25e: {  	v4 =	vand.u32 $0x7, v4  }
0x25f: {  	v4 =	vor.u32 v4, v5  }
0x260: {  	v4 =	vperm.xlane v4, v1;
	_ =	sdelay $0x1  }
0x261: {  	v4 =	vadd.s32 v2, v4;
	_ =	sdelay $0x3  }
0x262: {  	s7 =	simm.s32 $0xD000  }
0x263: {  	[tilespmem:s7], [sflag:$0x3] =	stream.indirect_vreg.gather [hbm4b:s3+s2], $0x80, v4, vm0, $0xb8;
	[tilespmem:$0x19000] =	vst v63  }
0x264: {  	s7 =	simm.s32 $0xD800  }
0x265: {  	[tilespmem:s7], [sflag:$0x3] =	stream.indirect_vreg.gather [hbm4b:s5+s2], $0x80, v4, vm1, $0xb8;
	[tilespmem:$0x19000] =	vst v63  }
0x266: {  	[bflag:$0x0] =	sbarrier.arrive $0xFFFF  }
0x267: {  	_ =	swait.ge @p0 [sflag:s25], $0x3C00  }
0x268: {  	[sflag:s25] =	ssyncset.done @p0 $0x0  }
0x269: {  	s4 =	sadd.s32 @!p0 $0x5A000, s1;
	[sflag:s25] =	ssyncadd.s32 @p0 $0xFFFFC400  }
0x26a: {  	[hbm:s4], [sflag:s16] =	dma.local @!p0 [spmem:s13], $0x7800  }
0x26b: {  	_ =	swait.ge @!p0 [sflag:s26], $0x3C00  }
0x26c: {  	[sflag:s26] =	ssyncset.done @!p0 $0x0  }
0x26d: {  	[sflag:s26] =	ssyncadd.s32 @!p0 $0xFFFFC400  }
0x26e: {  	_ =	swait.ge @!p0 [sflag:s28], $0x7800  }
0x26f: {  	[sflag:s28] =	ssyncset.done @!p0 $0x0  }
0x270: {  	[sflag:s28] =	ssyncadd.s32 @!p0 $0xFFFF8800  }
0x271: {  	s4 =	simm.s32 $0xDC00;
	[bflag:$0x0] =	sbarrier.arrive $0xFFFF  }
0x272: {  	[spmem:s8] =	stream.linear.scatter [tilespmem:s4], [sflag:$0x7], $0x3C00, $0x38;
	[tilespmem:$0x19000] =	vst v63  }
0x273: {  	_ =	swait.ge [sflag:s20], $0x3C00  }
0x274: {  	[sflag:s20] =	ssyncset.done $0x0  }
0x275: {  	[sflag:s20] =	ssyncadd.s32 $0xFFFFC400  }
0x276: {  	v4 =	vld [tilespmem:s31+$0xFFFFFFE0];
	_ =	sdelay $0x4  }
0x277: {  	v5 =	vshrl.u32 v4, $0x3  }
0x278: {  	v5 =	vmul.u32 $0x18, v5  }
0x279: {  	v4 =	vand.u32 $0x7, v4  }
0x27a: {  	v4 =	vor.u32 v4, v5  }
0x27b: {  	v5 =	vperm.xlane v4, v1;
	_ =	sdelay $0x1  }
0x27c: {  	v5 =	vadd.s32 v2, v5;
	_ =	sdelay $0x1  }
0x27d: {  	v4 =	vperm.xlane v4, v3;
	_ =	sdelay $0x1  }
0x27e: {  	v4 =	vadd.s32 v2, v4  }
0x27f: {  	[tilespmem:s4], [sflag:$0x4] =	stream.indirect_vreg.gather [hbm4b:s3+s2], $0x80, v5, vm0, $0xb8;
	[tilespmem:$0x19000] =	vst v63  }
0x280: {  	s4 =	simm.s32 $0xE400  }
0x281: {  	[tilespmem:s4], [sflag:$0x4] =	stream.indirect_vreg.gather [hbm4b:s5+s2], $0x80, v5, vm1, $0xb8;
	[tilespmem:$0x19000] =	vst v63  }
0x282: {  	s4 =	simm.s32 $0xE800  }
0x283: {  	[tilespmem:s4], [sflag:$0x4] =	stream.indirect_vreg.gather [hbm4b:s3+s2], $0x80, v4, vm0, $0xb8;
	[tilespmem:$0x19000] =	vst v63  }
0x284: {  	s4 =	simm.s32 $0xF000  }
0x285: {  	[tilespmem:s4], [sflag:$0x4] =	stream.indirect_vreg.gather [hbm4b:s5+s2], $0x80, v4, vm1, $0xb8;
	[tilespmem:$0x19000] =	vst v63  }
0x286: {  	v4 =	vld [tilespmem:s31+$0xFFFFFFF0];
	_ =	sdelay $0x4  }
0x287: {  	v5 =	vshrl.u32 v4, $0x3  }
0x288: {  	v5 =	vmul.u32 $0x18, v5  }
0x289: {  	v4 =	vand.u32 $0x7, v4  }
0x28a: {  	v4 =	vor.u32 v4, v5  }
0x28b: {  	v5 =	vperm.xlane v4, v1;
	_ =	sdelay $0x1  }
0x28c: {  	v5 =	vadd.s32 v2, v5;
	_ =	sdelay $0x1  }
0x28d: {  	v4 =	vperm.xlane v4, v3;
	_ =	sdelay $0x1  }
0x28e: {  	s4 =	simm.s32 $0xF400;
	v4 =	vadd.s32 v2, v4  }
0x28f: {  	[tilespmem:s4], [sflag:$0x4] =	stream.indirect_vreg.gather [hbm4b:s3+s2], $0x80, v5, vm0, $0xb8;
	[tilespmem:$0x19000] =	vst v63  }
0x290: {  	s4 =	simm.s32 $0xFC00  }
0x291: {  	[tilespmem:s4], [sflag:$0x4] =	stream.indirect_vreg.gather [hbm4b:s5+s2], $0x80, v5, vm1, $0xb8;
	[tilespmem:$0x19000] =	vst v63  }
0x292: {  	s4 =	simm.s32 $0x10000  }
0x293: {  	[tilespmem:s4], [sflag:$0x4] =	stream.indirect_vreg.gather [hbm4b:s3+s2], $0x80, v4, vm0, $0xb8;
	[tilespmem:$0x19000] =	vst v63  }
0x294: {  	s4 =	simm.s32 $0x10800  }
0x295: {  	[tilespmem:s4], [sflag:$0x4] =	stream.indirect_vreg.gather [hbm4b:s5+s2], $0x80, v4, vm1, $0xb8;
	[tilespmem:$0x19000] =	vst v63  }
0x296: {  	v4 =	vld.msk [tilespmem:s31+$0x0], $0xff;
	_ =	sdelay $0x4  }
0x297: {  	v5 =	vshrl.u32 v4, $0x3  }
0x298: {  	v5 =	vmul.u32 $0x18, v5  }
0x299: {  	v4 =	vand.u32 $0x7, v4  }
0x29a: {  	v4 =	vor.u32 v4, v5  }
0x29b: {  	v4 =	vperm.xlane v4, v1;
	_ =	sdelay $0x1  }
0x29c: {  	v4 =	vadd.s32 v2, v4;
	_ =	sdelay $0x2  }
0x29d: {  	s30 =	sadd.s32 $0x3C000, s30  }
0x29e: {  	p1 =	sne.s32 s30, $0x438000;
	s4 =	simm.s32 $0x10C00  }
0x29f: {  	[tilespmem:s4], [sflag:$0x4] =	stream.indirect_vreg.gather [hbm4b:s3+s2], $0x80, v4, vm0, $0xb8;
	[tilespmem:$0x19000] =	vst v63  }
.Ltmp1:
0x2a0: {  	_ = 	snop;
	(pc) =	sbr.rel @p1 .LBB2_4-.Ltmp1, $4  }
0x2a1: {  	s1 =	sadd.s32 @!p0 $0x69000, s1;
	s4 =	simm.s32 $0x11400  }
0x2a2: {  	[tilespmem:s4], [sflag:$0x4] =	stream.indirect_vreg.gather [hbm4b:s5+s2], $0x80, v4, vm1, $0xb8;
	[tilespmem:$0x19000] =	vst v63  }
0x2a3: {  	s7 =	simm.s32 $0xDC00;
	s31 =	sadd.s32 $0x200, s31;
	[bflag:$0x0] =	sbarrier.arrive $0xFFFF  }
0x2a4: {  	[hbm:s1], [sflag:s22] =	dma.local @!p0 [spmem:s15], $0x7800  }
0x2a5: {  	_ =	swait.ge [sflag:s12], $0x3C00  }
0x2a6: {  	[sflag:s12] =	ssyncset.done $0x0  }
0x2a7: {  	[sflag:s12] =	ssyncadd.s32 $0xFFFFC400  }
0x2a8: {  	s1 =	simm.s32 @p0 $0x2800;
	[bflag:$0x0] =	sbarrier.arrive @p0 $0xFFFF  }
0x2a9: {  	[spmem:s6] =	stream.linear.scatter @p0 [tilespmem:s1], [sflag:$0x7], $0x3C00, $0x38;
	[tilespmem:$0x19000] =	vst v63  }
0x2aa: {  	s1 =	simm.s32 @p0 $0x7  }
0x2ab: {  	_ =	swait.ge @p0 [sflag:s1], $0x3C00  }
0x2ac: {  	[sflag:s1] =	ssyncset.done @p0 $0x0  }
0x2ad: {  	[sflag:s1] =	ssyncadd.s32 @p0 $0xFFFFC400  }
0x2ae: {  	[bflag:$0x0] =	sbarrier.arrive @p0 $0xFFFF  }
0x2af: {  	_ =	swait.ge @p0 [sflag:s19], $0x3C00  }
0x2b0: {  	[sflag:s19] =	ssyncset.done @p0 $0x0  }
0x2b1: {  	s1 =	simm.s32 @!p0 $0x5;
	[sflag:s19] =	ssyncadd.s32 @p0 $0xFFFFC400  }
0x2b2: {  	_ =	swait.ge @!p0 [sflag:s1], $0x7800  }
0x2b3: {  	[sflag:s1] =	ssyncset.done @!p0 $0x0  }
0x2b4: {  	[sflag:s1] =	ssyncadd.s32 @!p0 $0xFFFF8800  }
0x2b5: {  	s4 =	simm.s32 @!p0 $0x2800;
	[bflag:$0x0] =	sbarrier.arrive @!p0 $0xFFFF  }
0x2b6: {  	[spmem:s6] =	stream.linear.scatter @!p0 [tilespmem:s4], [sflag:$0x7], $0x3C00, $0x38;
	[tilespmem:$0x19000] =	vst v63  }
0x2b7: {  	s4 =	simm.s32 @!p0 $0x7  }
0x2b8: {  	_ =	swait.ge @!p0 [sflag:s4], $0x3C00  }
0x2b9: {  	[sflag:s4] =	ssyncset.done @!p0 $0x0  }
0x2ba: {  	[sflag:s4] =	ssyncadd.s32 @!p0 $0xFFFFC400  }
0x2bb: {  	[bflag:$0x0] =	sbarrier.arrive @!p0 $0xFFFF  }
0x2bc: {  	s4 =	simm.s32 @!p0 $0x1C05;
	s16 =	rddreg [dreg:$0x9]  }
0x2bd: {  	[hbm:s16], [sflag:s4] =	dma.local @!p0 [spmem:s13], $0x7800  }
0x2be: {  	_ =	swait.ge @!p0 [sflag:s18], $0x3C00  }
0x2bf: {  	[sflag:s18] =	ssyncset.done @!p0 $0x0  }
0x2c0: {  	s16 =	simm.s32 @!p0 $0x6;
	[sflag:s18] =	ssyncadd.s32 @!p0 $0xFFFFC400  }
0x2c1: {  	_ =	swait.ge @!p0 [sflag:s16], $0x7800  }
0x2c2: {  	[sflag:s16] =	ssyncset.done @!p0 $0x0  }
0x2c3: {  	[sflag:s16] =	ssyncadd.s32 @!p0 $0xFFFF8800  }
0x2c4: {  	[bflag:$0x0] =	sbarrier.arrive $0xFFFF  }
0x2c5: {  	[spmem:s8] =	stream.linear.scatter [tilespmem:s14], [sflag:$0x7], $0x3C00, $0x38;
	[tilespmem:$0x19000] =	vst v63  }
0x2c6: {  	_ =	swait.ge [sflag:s20], $0x3C00  }
0x2c7: {  	[sflag:s20] =	ssyncset.done $0x0  }
0x2c8: {  	[sflag:s20] =	ssyncadd.s32 $0xFFFFC400  }
0x2c9: {  	s17 =	simm.s32 @p0 $0x3;
	[bflag:$0x0] =	sbarrier.arrive $0xFFFF  }
0x2ca: {  	_ =	swait.ge @p0 [sflag:s17], $0x3C00  }
0x2cb: {  	[sflag:s17] =	ssyncset.done @p0 $0x0  }
0x2cc: {  	s18 =	rddreg [dreg:$0xa];
	[sflag:s17] =	ssyncadd.s32 @p0 $0xFFFFC400;
	s17 =	simm.s32 @!p0 $0x1C06  }
0x2cd: {  	[hbm:s18], [sflag:s17] =	dma.local @!p0 [spmem:s15], $0x7800  }
0x2ce: {  	s18 =	simm.s32 @!p0 $0x3  }
0x2cf: {  	_ =	swait.ge @!p0 [sflag:s18], $0x3C00  }
0x2d0: {  	[sflag:s18] =	ssyncset.done @!p0 $0x0  }
0x2d1: {  	[sflag:s18] =	ssyncadd.s32 @!p0 $0xFFFFC400  }
0x2d2: {  	_ =	swait.ge @!p0 [sflag:s1], $0x7800  }
0x2d3: {  	[sflag:s1] =	ssyncset.done @!p0 $0x0  }
0x2d4: {  	[sflag:s1] =	ssyncadd.s32 @!p0 $0xFFFF8800  }
0x2d5: {  	[bflag:$0x0] =	sbarrier.arrive $0xFFFF  }
0x2d6: {  	[spmem:s6] =	stream.linear.scatter [tilespmem:s10], [sflag:$0x7], $0x3C00, $0x38;
	[tilespmem:$0x19000] =	vst v63  }
0x2d7: {  	_ =	swait.ge [sflag:s20], $0x3C00  }
0x2d8: {  	[sflag:s20] =	ssyncset.done $0x0  }
0x2d9: {  	[sflag:s20] =	ssyncadd.s32 $0xFFFFC400  }
0x2da: {  	s18 =	simm.s32 @p0 $0x4;
	[bflag:$0x0] =	sbarrier.arrive $0xFFFF  }
0x2db: {  	_ =	swait.ge @p0 [sflag:s18], $0x3C00  }
0x2dc: {  	[sflag:s18] =	ssyncset.done @p0 $0x0  }
0x2dd: {  	[sflag:s18] =	ssyncadd.s32 @p0 $0xFFFFC400;
	s18 =	rddreg [dreg:$0xb]  }
0x2de: {  	[hbm:s18], [sflag:s4] =	dma.local @!p0 [spmem:s13], $0x7800  }
0x2df: {  	s4 =	simm.s32 @!p0 $0x4  }
0x2e0: {  	_ =	swait.ge @!p0 [sflag:s4], $0x3C00  }
0x2e1: {  	[sflag:s4] =	ssyncset.done @!p0 $0x0  }
0x2e2: {  	[sflag:s4] =	ssyncadd.s32 @!p0 $0xFFFFC400  }
0x2e3: {  	_ =	swait.ge @!p0 [sflag:s16], $0x7800  }
0x2e4: {  	[sflag:s16] =	ssyncset.done @!p0 $0x0  }
0x2e5: {  	[sflag:s16] =	ssyncadd.s32 @!p0 $0xFFFF8800  }
0x2e6: {  	[bflag:$0x0] =	sbarrier.arrive $0xFFFF  }
0x2e7: {  	[spmem:s8] =	stream.linear.scatter [tilespmem:s7], [sflag:$0x7], $0x3C00, $0x38;
	[tilespmem:$0x19000] =	vst v63  }
0x2e8: {  	_ =	swait.ge [sflag:s20], $0x3C00  }
0x2e9: {  	[sflag:s20] =	ssyncset.done $0x0  }
0x2ea: {  	[sflag:s20] =	ssyncadd.s32 $0xFFFFC400  }
0x2eb: {  	[bflag:$0x0] =	sbarrier.arrive $0xFFFF  }
0x2ec: {  	s4 =	rddreg [dreg:$0xc]  }
0x2ed: {  	[hbm:s4], [sflag:s17] =	dma.local @!p0 [spmem:s15], $0x7800  }
0x2ee: {  	_ =	swait.ge @!p0 [sflag:s1], $0x7800  }
0x2ef: {  	[sflag:s1] =	ssyncset.done @!p0 $0x0  }
0x2f0: {  	s9 =	simm.s32 $0x3000;
	s11 =	simm.s32 $0x3C00;
	[sflag:s1] =	ssyncadd.s32 @!p0 $0xFFFF8800  }
0x2f1: {  	s28 =	simm.s32 $0x5800;
	s0 =	simm.s32 $0x2800;
	_ =	swait.ge @!p0 [sflag:s16], $0x7800  }
0x2f2: {  	s22 =	simm.s32 $0x6000;
	s23 =	simm.s32 $0x6C00;
	s25 =	rddreg [dreg:$0xe]  }
0x2f3: {  	s24 =	simm.s32 $0x7000;
	s26 =	rddreg [dreg:$0xd];
	s4 =	sadd.s32 $0x1, s25  }
0x2f4: {  	s21 =	simm.s32 $0x8400;
	s29 =	simm.s32 $0x8800;
	p1 =	sne.s32 s4, s26  }
.Ltmp2:
0x2f5: {  	s30 =	simm.s32 $0x9000;
	s31 =	simm.s32 $0xA000;
	(pc) =	sbr.rel @p1 .LBB2_1-.Ltmp2, $4  }
0x2f6: {  	s19 =	simm.s32 $0x5400;
	s14 =	simm.s32 $0x6400;
	[sflag:s16] =	ssyncset.done @!p0 $0x0  }
0x2f7: {  	s10 =	simm.s32 $0x3400;
	s18 =	simm.s32 $0x4C00;
	[sflag:s16] =	ssyncadd.s32 @!p0 $0xFFFF8800  }
0x2f8: {  	s7 =	simm.s32 $0xD000;
	s17 =	simm.s32 $0x4800;
	[bflag:$0x0] =	sbarrier.arrive $0xFFFF  }
0x2f9: {  	s16 =	simm.s32 $0x4000;
	s25 =	simm.s32 $0x7800;
	s26 =	simm.s32 $0x7C00  }
0x2fa: {  	_ =	sfence.sel $0x180000  }
0x2fb: {  	[bflag:$0x0] =	sbarrier.arrive $0xFFFF  }
0x2fc: {  	_ =	strace $0x90000047  }
0x2fd: {  	[bflag:$0x2] =	sbarrier.arrive $0xFFFF  }
0x2fe: {  	s0 =	rddreg [dreg:$0x3]  }
0x2ff: {  	s0 =	sadd.s32 @!p0 $0x100000, s0  }
0x300: {  	[sflag:s0] =	ssyncadd.tile.s32 @!p0 $0x1;
	_ =	shalt  }
.Lfunc_end2:
_tile_overlayer_lowered:
.L_overlay_start_2:
0x301: {  	(tag) =	ssettag $0x2  }
0x302: {  	s0 =	rddreg [dreg:$0x0];
	s2 =	stileid.u32  }
0x303: {  	s1 =	rddreg [dreg:$0x1];
	p0 =	sne.s32 s2, $0x0  }
0x304: {  	s3 =	rddreg [dreg:$0x2];
	[bflag:$0x3] =	sbarrier.arrive $0xFFFF;
	s2 =	simm.s32 @!p0 $0x1C07  }
0x305: {  	[timem:s3], [sflag:s2] =	dma.local @!p0 [hbm:s0], s1  }
0x306: {  	s0 =	simm.s32 @!p0 $0x7  }
0x307: {  	_ =	swait.ge @!p0 [sflag:s0], s1  }
0x308: {  	s1 =	ssub.s32 @!p0 $0x0, s1;
	[sflag:s0] =	ssyncset.done @!p0 $0x0  }
0x309: {  	[sflag:s0] =	ssyncadd.s32 @!p0 s1  }
0x30a: {  	[bflag:$0x3] =	sbarrier.arrive $0xFFFF  }
0x30b: {  	_ =	shalt  }

// kernel: sparse-core-data-format-call.cloned.1.call-start
scs
called_computation_lowered:
.L_overlay_start_0:
0x0: {  	s2 =	sld [smem:$0x3FD9]  }
0x1: {  	s3 =	sld [smem:$0x3FFE];
	_ =	sdelay $0x1  }
0x2: {  	s1 =	srdreg.scid  }
0x3: {  	s0 =	sand.u32 $0x1, s1  }
0x4: {  	s18 =	sshll.u32 s0, $0xA;
	s2 =	sadd.s32 s3, s2  }
0x5: {  	s2 =	sadd.s32 s2, s18  }
0x6: {  	[smem:$0x3FC5] =	sst s2  }
0x7: {  	_ = 	snop  }
0x8: {  	s2 =	sld [smem:$0x3FD0];
	(tm) =	ssettm $0x1  }
0x9: {  	s19 =	sld [smem:$0x3FFB];
	_ =	sdelay $0x3  }
0xa: {  	_ =	strace s19  }
0xb: {  	s3 =	sld [smem:$0x3FFC];
	_ =	sdelay $0x3  }
0xc: {  	_ =	strace s3  }
0xd: {  	s3 =	sld [smem:$0x3FFD];
	_ =	sdelay $0x3  }
0xe: {  	_ =	strace s3  }
0xf: {  	_ =	strace $0x8FFFFFFF  }
0x10: {  	s20 =	sld [smem:$0x3FDB];
	_ =	sdelay $0x1  }
0x11: {  	s4 =	simm.s32 $_scs_section_size  }
0x12: {  	s5 =	simm.s32 $_size__tile_overlayer_lowered;
	s6 =	simm.s32 $_tile_overlayer_lowered  }
0x13: {  	s23 =	simm.s32 $0x1BFF;
	s22 =	sshll.u32 s6, $0x1;
	s3 =	sadd.s32 s4, s20  }
0x14: {  	s7 =	simm.s32 $0x0;
	s21 =	sshll.u32 s5, $0x1;
	s5 =	sadd.s32 s22, s3  }
0x15: {  	[timem:s7], [sflag:s23] =	dma.local [hbm:s5], s21  }
0x16: {  	_ =	swait.ge [sflag:s23], s21  }
0x17: {  	s4 =	ssub.s32 $0x0, s21;
	[sflag:s23] =	ssyncset.done $0x0  }
0x18: {  	[sflag:s23] =	ssyncadd.s32 s4;
	_ =	sdelay $0x1  }
0x19: {  	s24 =	simm.s32 $0x1B8B  }
0x1a: {  	_ =	swait.ge [sflag:s24], $0x1  }
0x1b: {  	[sflag:s24] =	ssyncset.done $0x0  }
0x1c: {  	s26 =	simm.s32 $0x1B8E;
	s25 =	sld [smem:$0x3FFE];
	[sflag:s24] =	ssyncadd.s32 $0xFFFFFFFF  }
0x1d: {  	s27 =	simm.s32 $execute0_lowered;
	[smem:$0x3FD2] =	sst s26  }
0x1e: {  	s5 =	sshll.u32 s27, $0x1;
	_ =	strace $0x80000049;
	[dreg:$0x1] =	wrdreg $0xFFFFFFFF  }
0x1f: {  	s28 =	simm.s32 $_size_execute0_lowered;
	s3 =	sadd.s32 s3, s5;
	[dreg:$0x0] =	wrdreg $0x0  }
0x20: {  	s5 =	sshll.u32 s28, $0x1;
	[dreg:$0x2] =	wrdreg s3  }
0x21: {  	[dreg:$0x3] =	wrdreg s5  }
0x22: {  	[dreg:$0x4] =	wrdreg $0xC0  }
0x23: {  	_ =	task [dreg:s7], $0x5FFFF  }
0x24: {  	[dreg:$0x1] =	wrdreg $0xFFFFFFFF  }
0x25: {  	[dreg:$0x0] =	wrdreg $0x60  }
0x26: {  	[dreg:$0x2] =	wrdreg s25  }
0x27: {  	[dreg:$0x3] =	wrdreg s2  }
0x28: {  	[dreg:$0x4] =	wrdreg $0x9  }
0x29: {  	_ =	task.clear_ibuf [dreg:s7], $0x5FFFF;
	_ =	strace $0x90000049  }
0x2a: {  	s29 =	simm.s32 $0x9;
	_ =	strace $0x8000004B  }
0x2b: {  	_ =	swait.ge [sflag:s29], $0x1  }
0x2c: {  	[sflag:s29] =	ssyncadd.s32 $0xFFFFFFFF  }
0x2d: {  	_ =	strace $0x9000004B  }
0x2e: {  	_ =	sfence  }
0x2f: {  	s30 =	sld [smem:$0x0];
	_ =	sdelay $0x2  }
0x30: {  	s31 =	sshll.u32 s1, $0xD;
	s1 =	sshrl.u32 s1, $0x2  }
0x31: {  	s3 =	sand.u32 $0x4000, s31;
	s1 =	sadd.s32 s1, s30  }
0x32: {  	s0 =	sor.u32 s3, s0;
	s1 =	sshll.u32 s1, $0x11  }
0x33: {  	s0 =	sor.u32 s1, s0  }
0x34: {  	s0 =	sadd.s32 $0x8F2B, s0  }
0x35: {  	[sflag:s0] =	ssyncadd.remote.s32 $0x1  }
0x36: {  	_ =	sfence.sel $0xFFFF  }
0x37: {  	[dreg:$0x0] =	wrdreg $0xFFFFFFFF;
	(pc) =	sbr.abs _section_cstart, $3  }
0x38: {  	[dreg:$0x1] =	wrdreg $0xFFFFFFFF  }
0x39: {  	_ =	task.clear_ibuf [dreg:s7], $0x2FFFF;
	_ =	strace $0x9FFFFFFF  }
0x3a: {  	(tm) =	ssettm $0x7FFFFFFF  }
0x3b: {  	_ =	shalt  }
tec
execute0_lowered:
.L_overlay_start_1:
0x0: {  	(tag) =	ssettag $0x1  }
0x1: {  	s0 =	stileid.u32  }
0x2: {  	s1 =	srdreg.scid;
	s2 =	sshll.u32 s0, $0x7  }
0x3: {  	s7 =	rddreg [dreg:$0x0];
	s3 =	sshll.u32 s1, $0x4;
	s1 =	sand.u32 $0x380, s2  }
0x4: {  	s8 =	simm.s32 $0x2;
	s30 =	sand.u32 $0x10, s3;
	s31 =	ssub.s32 $0x400, s1  }
0x5: {  	s16 =	simm.s32 $0x0;
	s2 =	sor.u32 s0, s30;
	s4 =	sand.u32 $0x380, s31  }
0x6: {  	s2 =	sshrl.u32 s2, $0x3;
	p0 =	sne.s32 s4, $0x0;
	s4 =	simm.s32 $0x1  }
0x7: {  	s3 =	sshrl.u32 s31, $0xA;
	s5 =	ssub.s32 $0x35, s2;
	s4 =	simm.s32 @!p0 $0x0  }
0x8: {  	s9 =	simm.s32 $0x1800;
	s5 =	sshrl.u32 s5, $0x2;
	s3 =	sadd.s32 s4, s3  }
0x9: {  	s10 =	simm.s32 $0x0;
	s15 =	simm.s32 $0x0;
	s6 =	smul.u32 s3, s5  }
.Ltmp0:
0xa: {  	s17 =	simm.s32 $0x0;
	s4 =	rddreg [dreg:$0x1];
	(pc) =	sbr.rel .LBB1_1-.Ltmp0, $4  }
0xb: {  	s11 =	simm.s32 $0x0;
	s14 =	simm.s32 $0x0;
	s3 =	rddreg [dreg:$0x2]  }
0xc: {  	_ =	strace $0x8000004A;
	s5 =	simm.s32 $0x1;
	s6 =	smul.u32 $0x6, s6  }
0xd: {  	s7 =	sadd.s32 $0xC00, s7;
	s13 =	smov.u32 s1;
	[sflag:s5] =	ssyncpa.u1 $0x0  }
0xe: {  	s12 =	smov.u32 s2;
	[sflag:s8] =	ssyncpa.u1 $0x0;
	s8 =	sor.u32 $0x1, s6  }
.LBB1_4:
0xf: {  	_ =	sdelay $0x2  }
0x10: {  	s21 =	sshrl.u32 s17, $0x3  }
0x11: {  	[tilespmem:v0+s20+$0xFFFFFFD0 ss:$0x1] =	vst.idx.msk $0xffff, v7;
	s22 =	sshll.u32 s16, $0x3;
	s21 =	smul.u32 $0x1800, s21  }
0x12: {  	v56 =	vld.idx.msk [tilespmem:v1+s19+$0x0 ss:$0x1], $0xffff;
	[tilespmem:v0+s20+$0xFFFFFFE0 ss:$0x1] =	vst.idx.msk $0xffff, v5;
	s27 =	sshll.u32 s17, $0x7;
	s22 =	sand.u32 $0xFFFFFC00, s22  }
0x13: {  	v57 =	vld.idx.msk [tilespmem:v1+s19+$0xFFFFFF90 ss:$0x1], $0xffff;
	[tilespmem:v0+s20+$0xFFFFFFF0 ss:$0x1] =	vst.idx.msk $0xffff, v4;
	s17 =	sand.u32 $0x380, s27;
	s21 =	sadd.s32 s21, s22  }
0x14: {  	v58 =	vld.idx.msk [tilespmem:v1+s19+$0xFFFFFFA0 ss:$0x1], $0xffff;
	[tilespmem:v0+s20+$0x0 ss:$0x1] =	vst.idx.msk $0xffff, v2;
	s28 =	sand.u32 $0x7F, s16;
	s17 =	sor.u32 s17, s21  }
0x15: {  	v59 =	vld.idx.msk [tilespmem:v1+s19+$0xFFFFFFB0 ss:$0x1], $0xffff;
	[tilespmem:v0+s20+$0x10 ss:$0x1] =	vst.idx.msk $0xffff, v3;
	s16 =	sor.u32 s28, s17  }
0x16: {  	v60 =	vld.idx.msk [tilespmem:v1+s19+$0xFFFFFFC0 ss:$0x1], $0xffff;
	[tilespmem:v0+s20+$0x20 ss:$0x1] =	vst.idx.msk $0xffff, v6;
	s29 =	smulhi.u32 $0xAAAAAAAB, s16  }
0x17: {  	v61 =	vld.idx.msk [tilespmem:v1+s19+$0xFFFFFFD0 ss:$0x1], $0xffff;
	[tilespmem:v0+s19+$0x30 ss:$0x1] =	vst.idx.msk $0xffff, v56;
	s17 =	smulhi.u32 $0xAAAAAAAB, s17  }
0x18: {  	v62 =	vld.idx.msk [tilespmem:v1+s19+$0xFFFFFFE0 ss:$0x1], $0xffff;
	[tilespmem:v0+s19+$0xFFFFFFC0 ss:$0x1] =	vst.idx.msk $0xffff, v57;
	s20 =	sshrl.u32 s29, $0x9  }
0x19: {  	v63 =	vld.idx.msk [tilespmem:v1+s19+$0xFFFFFFF0 ss:$0x1], $0xffff;
	[tilespmem:v0+s19+$0xFFFFFFD0 ss:$0x1] =	vst.idx.msk $0xffff, v58;
	s17 =	sshrl.u32 s17, $0x9;
	s20 =	smul.u32 $0x300, s20  }
0x1a: {  	s15 =	smul.u32 $0x18000, s15;
	[tilespmem:v0+s19+$0xFFFFFFE0 ss:$0x1] =	vst.idx.msk $0xffff, v59;
	s17 =	sand.u32 $0x3FF, s17  }
0x1b: {  	[tilespmem:v0+s19+$0xFFFFFFF0 ss:$0x1] =	vst.idx.msk $0xffff, v60;
	s17 =	smul.u32 $0x60, s17;
	s16 =	ssub.s32 s16, s20  }
0x1c: {  	s15 =	sadd.s32 s4, s15;
	[tilespmem:v0+s19+$0x0 ss:$0x1] =	vst.idx.msk $0xffff, v61;
	s20 =	sand.u32 $0x7, s16  }
0x1d: {  	[tilespmem:v0+s19+$0x10 ss:$0x1] =	vst.idx.msk $0xffff, v62;
	s15 =	sadd.s32 s17, s15;
	s16 =	sshrl.u32 s16, $0x3;
	s30 =	sshll.u32 s20, $0x12  }
0x1e: {  	[tilespmem:v0+s19+$0x20 ss:$0x1] =	vst.idx.msk $0xffff, v63;
	s15 =	sadd.s32 s16, s15;
	s31 =	sor.u32 $0x400, s30  }
0x1f: {  	[hbm4b:s15+s31] =	stream.strided.scatter [tilespmem:s18], [sflag:$0x2], $0x4000, s9, s31, $0x38;
	[tilespmem:$0x10000] =	vst v63  }
.LBB1_5:
0x20: {  	s18 =	sadd.s32 $0x80, s11  }
0x21: {  	s15 =	sadd.s32 $0x4, s12;
	s19 =	smov.u32 s12;
	p1 =	sgt.s32 s18, $0x2FF  }
0x22: {  	s19 =	smov.u32 @p1 s15  }
0x23: {  	s21 =	smov.u32 s13;
	s15 =	sadd.s32 $0x400, s13;
	p2 =	sgt.s32 s19, $0x31  }
0x24: {  	s21 =	smov.u32 @p2 s15  }
0x25: {  	s18 =	simm.s32 @p1 $0x0;
	p1 =	sgt.s32 s21, $0x3FF  }
0x26: {  	p0 =	slt.u32 s14, $0x2;
	s21 =	smov.u32 @p1 s1;
	p1 =	sne.s32 s14, s8  }
.Ltmp1:
0x27: {  	s20 =	simm.s32 @!p0 $0x2;
	(pc) =	sbr.rel @!p1 .LBB1_6-.Ltmp1, $4  }
0x28: {  	s16 =	smov.u32 s11;
	s17 =	smov.u32 s13;
	_ =	swait.ge @!p0 [sflag:s20], $0x4000  }
0x29: {  	s10 =	sadd.s32 $0x4000, s10;
	[sflag:s20] =	ssyncset.done @!p0 $0x0;
	s11 =	smov.u32 s18  }
0x2a: {  	s19 =	smov.u32 @p2 s2;
	s15 =	smov.u32 s12;
	[sflag:s20] =	ssyncadd.s32 @!p0 $0xFFFFC000  }
0x2b: {  	s12 =	smov.u32 s19;
	s14 =	sadd.s32 $0x1, s14;
	s13 =	smov.u32 s21  }
.LBB1_1:
0x2c: {  	p0 =	sge.u32 s14, s6  }
0x2d: {  	s18 =	sshrl.u32 @!p0 s12, $0x3  }
0x2e: {  	s19 =	sshll.u32 @!p0 s11, $0x3;
	s18 =	smul.u32 @!p0 $0x1800, s18  }
0x2f: {  	s20 =	sshll.u32 @!p0 s12, $0x7;
	s19 =	sand.u32 @!p0 $0xFFFFFC00, s19  }
0x30: {  	s18 =	sadd.s32 @!p0 s18, s19;
	s19 =	sand.u32 @!p0 $0x380, s20  }
0x31: {  	s18 =	sor.u32 @!p0 s19, s18  }
0x32: {  	s19 =	sand.u32 @!p0 $0x7F, s11;
	s20 =	smulhi.u32 @!p0 $0xAAAAAAAB, s18  }
0x33: {  	s18 =	sor.u32 @!p0 s19, s18  }
0x34: {  	s19 =	smulhi.u32 @!p0 $0xAAAAAAAB, s18;
	s20 =	sshrl.u32 @!p0 s20, $0x9  }
0x35: {  	s21 =	smulhi.u32 @!p0 $0x4924925, s20;
	_ =	sdelay $0x1  }
0x36: {  	s19 =	sshrl.u32 @!p0 s19, $0x9;
	s21 =	smul.u32 @!p0 $0x38, s21  }
0x37: {  	s31 =	sadd.s32 $0xFFFFFFFF, s14;
	s19 =	smul.u32 @!p0 $0x300, s19  }
0x38: {  	s22 =	sxor.u32 @!p0 $0xFFFFFFFF, s14;
	s20 =	ssub.s32 @!p0 s20, s21;
	s21 =	smul.u32 @!p0 $0x1500, s13  }
0x39: {  	s22 =	sshll.u32 @!p0 s22, $0xE;
	s18 =	ssub.s32 @!p0 s18, s19;
	s19 =	smul.u32 @!p0 $0x60, s20  }
0x3a: {  	s20 =	sand.u32 @!p0 $0x4000, s22;
	s22 =	sand.u32 @!p0 $0x7, s18;
	s21 =	sadd.s32 @!p0 s7, s21  }
0x3b: {  	s18 =	sshrl.u32 @!p0 s18, $0x3;
	s19 =	sadd.s32 @!p0 s19, s21;
	s21 =	sshll.u32 @!p0 s22, $0x12  }
0x3c: {  	s18 =	sadd.s32 @!p0 s18, s19;
	s19 =	sor.u32 @!p0 $0x80, s21;
	s21 =	simm.s32 @!p0 $0xA800  }
0x3d: {  	[tilespmem:s20], [sflag:$0x1] =	stream.strided.gather @!p0 [hbm4b:s18+s19], $0x4000, s21, s19, $0x38;
	[tilespmem:$0x10000] =	vst v63  }
0x3e: {  	p0 =	sge.u32 s31, s6  }
.Ltmp2:
0x3f: {  	_ = 	snop;
	(pc) =	sbr.rel @p0 .LBB1_5-.Ltmp2, $1  }
0x40: {  	_ =	sdelay $0x3  }
0x41: {  	s18 =	sand.u32 $0x4000, s10  }
0x42: {  	s19 =	sor.u32 $0x70, s18  }
0x43: {  	v1 =	vmov s19;
	_ =	sdelay $0x1  }
0x44: {  	_ =	swait.ge [sflag:s5], $0x4000  }
0x45: {  	[sflag:s5] =	ssyncset.done $0x0  }
0x46: {  	s20 =	simm.s32 $0x0;
	[sflag:s5] =	ssyncadd.s32 $0xFFFFC000  }
0x47: {  	s18 =	sor.u32 $0x8040, s18;
	v6 =	vld.idx.msk [tilespmem:v1+s20+$0x0 ss:$0x1], $0xffff  }
0x48: {  	v0 =	vmov s18;
	v8 =	vld.idx.msk [tilespmem:v1+s20+$0xFFFFFF90 ss:$0x1], $0xffff  }
0x49: {  	v7 =	vld.idx.msk [tilespmem:v1+s20+$0xFFFFFFA0 ss:$0x1], $0xffff  }
0x4a: {  	v5 =	vld.idx.msk [tilespmem:v1+s20+$0xFFFFFFB0 ss:$0x1], $0xffff  }
0x4b: {  	v4 =	vld.idx.msk [tilespmem:v1+s20+$0xFFFFFFC0 ss:$0x1], $0xffff  }
0x4c: {  	s31 =	sshll.u32 s14, $0xE;
	v2 =	vld.idx.msk [tilespmem:v1+s20+$0xFFFFFFD0 ss:$0x1], $0xffff  }
0x4d: {  	s18 =	sand.u32 $0x4000, s31;
	v3 =	vld.idx.msk [tilespmem:v1+s20+$0xFFFFFFE0 ss:$0x1], $0xffff;
	[tilespmem:v0+s20+$0x30 ss:$0x1] =	vst.idx.msk $0xffff, v6  }
0x4e: {  	s21 =	simm.s32 $0x400;
	s19 =	simm.s32 $0x80;
	s18 =	sor.u32 $0x8000, s18;
	[tilespmem:v0+s20+$0xFFFFFFC0 ss:$0x1] =	vst.idx.msk $0xffff, v8;
	v6 =	vld.idx.msk [tilespmem:v1+s20+$0xFFFFFFF0 ss:$0x1], $0xffff  }
.LBB1_3:
0x4f: {  	p0 =	sne.s32 s21, $0xFE00;
	v8 =	vld.idx.msk [tilespmem:v1+s19+$0x0 ss:$0x1], $0xffff;
	[tilespmem:v0+s20+$0xFFFFFFD0 ss:$0x1] =	vst.idx.msk $0xffff, v7  }
0x50: {  	v9 =	vld.idx.msk [tilespmem:v1+s19+$0xFFFFFF90 ss:$0x1], $0xffff;
	[tilespmem:v0+s20+$0xFFFFFFE0 ss:$0x1] =	vst.idx.msk $0xffff, v5  }
0x51: {  	v7 =	vld.idx.msk [tilespmem:v1+s19+$0xFFFFFFA0 ss:$0x1], $0xffff;
	[tilespmem:v0+s20+$0xFFFFFFF0 ss:$0x1] =	vst.idx.msk $0xffff, v4  }
.Ltmp3:
0x52: {  	v5 =	vld.idx.msk [tilespmem:v1+s19+$0xFFFFFFB0 ss:$0x1], $0xffff;
	[tilespmem:v0+s20+$0x0 ss:$0x1] =	vst.idx.msk $0xffff, v2;
	(pc) =	sbr.rel @p0 .LBB1_3-.Ltmp3, $4  }
0x53: {  	v4 =	vld.idx.msk [tilespmem:v1+s19+$0xFFFFFFC0 ss:$0x1], $0xffff;
	[tilespmem:v0+s20+$0x10 ss:$0x1] =	vst.idx.msk $0xffff, v3  }
0x54: {  	v2 =	vld.idx.msk [tilespmem:v1+s19+$0xFFFFFFD0 ss:$0x1], $0xffff;
	[tilespmem:v0+s20+$0x20 ss:$0x1] =	vst.idx.msk $0xffff, v6;
	s20 =	smov.u32 s19  }
0x55: {  	v3 =	vld.idx.msk [tilespmem:v1+s20+$0xFFFFFFE0 ss:$0x1], $0xffff;
	[tilespmem:v0+s20+$0x30 ss:$0x1] =	vst.idx.msk $0xffff, v8  }
0x56: {  	s19 =	sshra.s32 s21, $0x2;
	s21 =	sadd.s32 $0x200, s21;
	[tilespmem:v0+s20+$0xFFFFFFC0 ss:$0x1] =	vst.idx.msk $0xffff, v9;
	v6 =	vld.idx.msk [tilespmem:v1+s20+$0xFFFFFFF0 ss:$0x1], $0xffff  }
.Ltmp4:
0x57: {  	_ = 	snop;
	(pc) =	sbr.rel .LBB1_4-.Ltmp4, $1  }
0x58: {  	_ =	sdelay $0x3  }
.LBB1_6:
0x59: {  	_ =	sfence.sel $0x180000  }
0x5a: {  	s1 =	simm.s32 $0x1;
	[bflag:$0x0] =	sbarrier.arrive $0xFFFF  }
0x5b: {  	s31 =	simm.s32 $0x2;
	[sflag:s1] =	ssyncpa.u1 $0x1  }
0x5c: {  	[sflag:s31] =	ssyncpa.u1 $0x1  }
0x5d: {  	p0 =	sne.s32 s0, $0x0;
	_ =	strace $0x9000004A  }
0x5e: {  	s0 =	sadd.s32 @!p0 $0x100000, s3;
	[bflag:$0x2] =	sbarrier.arrive $0xFFFF  }
0x5f: {  	[sflag:s0] =	ssyncadd.tile.s32 @!p0 $0x1;
	_ =	shalt  }
.Lfunc_end1:
_tile_overlayer_lowered:
.L_overlay_start_2:
0x60: {  	(tag) =	ssettag $0x2  }
0x61: {  	s0 =	rddreg [dreg:$0x0];
	s2 =	stileid.u32  }
0x62: {  	s1 =	rddreg [dreg:$0x1];
	p0 =	sne.s32 s2, $0x0  }
0x63: {  	s3 =	rddreg [dreg:$0x2];
	[bflag:$0x3] =	sbarrier.arrive $0xFFFF;
	s2 =	simm.s32 @!p0 $0x1C01  }
0x64: {  	[timem:s3], [sflag:s2] =	dma.local @!p0 [hbm:s0], s1  }
0x65: {  	s0 =	simm.s32 @!p0 $0x1  }
0x66: {  	_ =	swait.ge @!p0 [sflag:s0], s1  }
0x67: {  	s1 =	ssub.s32 @!p0 $0x0, s1;
	[sflag:s0] =	ssyncset.done @!p0 $0x0  }
0x68: {  	[sflag:s0] =	ssyncadd.s32 @!p0 s1  }
0x69: {  	[bflag:$0x3] =	sbarrier.arrive $0xFFFF  }
0x6a: {  	_ =	shalt  }

</sc_bundles>
